<compile_context>
chip_gen: v7x
topology: tpu7x:2x2x1
jax: 0.10.2.dev20260603
libtpu: 0.0.44.dev20260713+nightly
codegen_flags: <defaults>
</compile_context>

<pallas_src>
import functools

import jax
import jax.numpy as jnp
from jax import lax
from jax.experimental import pallas as pl
from jax.experimental.pallas import tpu as pltpu
from jax.experimental.pallas import tpu_sc as plsc

N = 10000
E = 320000
D_IN = 128
H = 4
C1 = 32
D1 = 128
NC = 2
NS = 16
NW = NC * NS
EW = E // NW
CE = 72
NFULL1 = EW // CE
CET = EW - NFULL1 * CE
CE2 = 80
NCHUNK2 = EW // CE2
RPT = 632
RPT_LAST = N - (NS - 1) * RPT
A1W = 144
INV_SQRT_C1 = 1.0 / (C1 ** 0.5)

_GDN = lax.GatherDimensionNumbers(
    offset_dims=(), collapsed_slice_dims=(0,), start_index_map=(0,))


def _shuffle(x, p):
    return lax.gather(x, p[:, None], _GDN, slice_sizes=(1,),
                      mode=lax.GatherScatterMode.PROMISE_IN_BOUNDS)


def _mm1_body(x_ref, w_ref, b_ref, q_ref, kv_ref, s_ref):
    y = jnp.dot(x_ref[...], w_ref[...], preferred_element_type=jnp.float32)
    y = y + b_ref[...]
    q_ref[...] = y[:, 0:128]
    kv_ref[...] = y[:, 128:384]
    s_ref[...] = y[:, 384:512]


def _stage1(x, w1cat, b1cat):
    blk = 1000
    return pl.pallas_call(
        _mm1_body,
        grid=(N // blk,),
        in_specs=[
            pl.BlockSpec((blk, D_IN), lambda i: (i, 0)),
            pl.BlockSpec((D_IN, 512), lambda i: (0, 0)),
            pl.BlockSpec((1, 512), lambda i: (0, 0)),
        ],
        out_specs=[
            pl.BlockSpec((blk, 128), lambda i: (i, 0)),
            pl.BlockSpec((blk, 256), lambda i: (i, 0)),
            pl.BlockSpec((blk, 128), lambda i: (i, 0)),
        ],
        out_shape=[
            jax.ShapeDtypeStruct((N, 128), jnp.float32),
            jax.ShapeDtypeStruct((N, 256), jnp.float32),
            jax.ShapeDtypeStruct((N, 128), jnp.float32),
        ],
    )(x, w1cat, b1cat)


def _l1_edge_body(q_hbm, kv_hbm, src_hbm, dst_hbm, out_hbm,
                  acc_sh, src_v, dst_v, src_t, dst_t,
                  qrows, kvrows, srows, sem1, sem2):
    cid = lax.axis_index("c")
    sid = lax.axis_index("s")
    wid = cid * NS + sid
    zero16 = jnp.zeros((16,), jnp.float32)
    io = lax.iota(jnp.int32, 16)
    perms = [io ^ d for d in (8, 4, 2, 1)]

    def _zrow(e, _):
        for r in range(A1W // 16):
            srows[e, pl.ds(16 * r, 16)] = zero16
        return 0
    lax.fori_loop(0, CE, _zrow, 0)
    base_row = sid * RPT

    def _zero_span(rows):
        nfull, rem = rows // CE, rows % CE
        for j in range(nfull):
            pltpu.sync_copy(srows, acc_sh.at[pl.ds(base_row + j * CE, CE)])
        if rem:
            pltpu.sync_copy(srows.at[pl.ds(0, rem)],
                            acc_sh.at[pl.ds(base_row + nfull * CE, rem)])

    @pl.when(sid < NS - 1)
    def _():
        _zero_span(RPT)

    @pl.when(sid == NS - 1)
    def _():
        _zero_span(RPT_LAST)
    plsc.subcore_barrier()

    def _edge(e, _):
        qv = [qrows[e, pl.ds(16 * r, 16)] for r in range(8)]
        kv = [kvrows[e, pl.ds(16 * r, 16)] for r in range(16)]
        exs = []
        for h in range(H):
            ps = qv[2 * h] * kv[2 * h] + qv[2 * h + 1] * kv[2 * h + 1]
            for p in perms:
                ps = ps + _shuffle(ps, p)
            exs.append(jnp.exp(ps * INV_SQRT_C1))
        for r in range(8):
            srows[e, pl.ds(16 * r, 16)] = kv[8 + r] * exs[r // 2]
        t = jnp.where(io < 1, exs[0],
                      jnp.where(io < 2, exs[1],
                                jnp.where(io < 3, exs[2], exs[3])))
        srows[e, pl.ds(128, 16)] = jnp.where(io < 4, t, 0.0)
        return 0

    def _chunk(i, _):
        base = wid * EW + i * CE
        pltpu.sync_copy(src_hbm.at[pl.ds(base, CE)], src_v)
        pltpu.sync_copy(dst_hbm.at[pl.ds(base, CE)], dst_v)
        cp1 = pltpu.async_copy(q_hbm.at[dst_v], qrows, sem1)
        cp2 = pltpu.async_copy(kv_hbm.at[src_v], kvrows, sem2)
        cp1.wait()
        cp2.wait()
        lax.fori_loop(0, CE, _edge, 0)
        pltpu.sync_copy(srows, acc_sh.at[dst_v], add=True)
        return 0
    lax.fori_loop(0, NFULL1, _chunk, 0)

    base_t = wid * EW + NFULL1 * CE
    pltpu.sync_copy(src_hbm.at[pl.ds(base_t, CET)], src_t)
    pltpu.sync_copy(dst_hbm.at[pl.ds(base_t, CET)], dst_t)
    cpt1 = pltpu.async_copy(q_hbm.at[dst_t], qrows.at[pl.ds(0, CET)], sem1)
    cpt2 = pltpu.async_copy(kv_hbm.at[src_t], kvrows.at[pl.ds(0, CET)], sem2)
    cpt1.wait()
    cpt2.wait()
    lax.fori_loop(0, CET, _edge, 0)
    pltpu.sync_copy(srows.at[pl.ds(0, CET)], acc_sh.at[dst_t], add=True)
    plsc.subcore_barrier()

    @pl.when(sid < NS - 1)
    def _():
        pltpu.sync_copy(acc_sh.at[pl.ds(base_row, RPT)],
                        out_hbm.at[cid, pl.ds(base_row, RPT)])

    @pl.when(sid == NS - 1)
    def _():
        pltpu.sync_copy(acc_sh.at[pl.ds(base_row, RPT_LAST)],
                        out_hbm.at[cid, pl.ds(base_row, RPT_LAST)])


def _stage2(q, kvmat, src, dst):
    mesh = plsc.VectorSubcoreMesh(core_axis_name="c", subcore_axis_name="s", num_cores=NC, num_subcores=NS)
    return pl.kernel(
        _l1_edge_body,
        out_type=jax.ShapeDtypeStruct((NC, N, A1W), jnp.float32),
        mesh=mesh,
        compiler_params=pltpu.CompilerParams(use_tc_tiling_on_sc=False),
        scratch_types=[
            pltpu.VMEM_SHARED((N, A1W), jnp.float32),
            pltpu.VMEM((CE,), jnp.int32),
            pltpu.VMEM((CE,), jnp.int32),
            pltpu.VMEM((CET,), jnp.int32),
            pltpu.VMEM((CET,), jnp.int32),
            pltpu.VMEM((CE, 128), jnp.float32),
            pltpu.VMEM((CE, 256), jnp.float32),
            pltpu.VMEM((CE, A1W), jnp.float32),
            pltpu.SemaphoreType.DMA,
            pltpu.SemaphoreType.DMA,
        ],
    )(q, kvmat, src, dst)


def _mm2_body(a_ref, s_ref, r_ref, w2_ref, b2_ref, d2_ref, skv_ref, y2_ref):
    a = a_ref[0] + a_ref[1]
    num = a[:, 0:128]
    den4 = a[:, 128:132]
    den = jnp.dot(den4, r_ref[...], preferred_element_type=jnp.float32)
    h = jnp.maximum(num / (den + 1e-16) + s_ref[...], 0.0)
    y2 = jnp.dot(h, w2_ref[...], preferred_element_type=jnp.float32)
    y2 = y2 + b2_ref[...]
    blk = y2.shape[0]
    q2 = y2[:, 0:4]
    k2 = y2[:, 4:8]
    v2 = y2[:, 8:12]
    zeros8 = jnp.zeros((blk, 8), jnp.float32)
    ones4 = jnp.ones((blk, 4), jnp.float32)
    d2_ref[...] = jnp.concatenate([q2, q2, zeros8], axis=1)
    skv_ref[...] = jnp.concatenate([k2, k2, zeros8, ones4, v2, zeros8],
                                   axis=1)
    y2_ref[...] = y2


def _stage3(acc1, s1, rmat, w2cat, b2cat):
    blk = 1000
    return pl.pallas_call(
        _mm2_body,
        grid=(N // blk,),
        in_specs=[
            pl.BlockSpec((NC, blk, A1W), lambda i: (0, i, 0)),
            pl.BlockSpec((blk, 128), lambda i: (i, 0)),
            pl.BlockSpec((4, 128), lambda i: (0, 0)),
            pl.BlockSpec((128, 16), lambda i: (0, 0)),
            pl.BlockSpec((1, 16), lambda i: (0, 0)),
        ],
        out_specs=[
            pl.BlockSpec((blk, 16), lambda i: (i, 0)),
            pl.BlockSpec((blk, 32), lambda i: (i, 0)),
            pl.BlockSpec((blk, 16), lambda i: (i, 0)),
        ],
        out_shape=[
            jax.ShapeDtypeStruct((N, 16), jnp.float32),
            jax.ShapeDtypeStruct((N, 32), jnp.float32),
            jax.ShapeDtypeStruct((N, 16), jnp.float32),
        ],
    )(acc1, s1, rmat, w2cat, b2cat)


def _l2_edge_body(d2_hbm, skv_hbm, src_hbm, dst_hbm, out_hbm,
                  acc_sh, src_v, dst_v, drows, srows_in, srows_out,
                  sem1, sem2):
    cid = lax.axis_index("c")
    sid = lax.axis_index("s")
    wid = cid * NS + sid
    zero16 = jnp.zeros((16,), jnp.float32)

    def _zrow(e, _):
        srows_out[e, :] = zero16
        return 0
    lax.fori_loop(0, CE2, _zrow, 0)
    base_row = sid * RPT

    def _zero_span(rows):
        nfull, rem = rows // CE2, rows % CE2
        for j in range(nfull):
            pltpu.sync_copy(srows_out,
                            acc_sh.at[pl.ds(base_row + j * CE2, CE2)])
        if rem:
            pltpu.sync_copy(srows_out.at[pl.ds(0, rem)],
                            acc_sh.at[pl.ds(base_row + nfull * CE2, rem)])

    @pl.when(sid < NS - 1)
    def _():
        _zero_span(RPT)

    @pl.when(sid == NS - 1)
    def _():
        _zero_span(RPT_LAST)
    plsc.subcore_barrier()

    def _chunk(i, _):
        base = wid * EW + i * CE2
        pltpu.sync_copy(src_hbm.at[pl.ds(base, CE2)], src_v)
        pltpu.sync_copy(dst_hbm.at[pl.ds(base, CE2)], dst_v)
        cp1 = pltpu.async_copy(d2_hbm.at[dst_v], drows, sem1)
        cp2 = pltpu.async_copy(skv_hbm.at[src_v], srows_in, sem2)
        cp1.wait()
        cp2.wait()

        def _edge(e, _):
            dv = drows[e, :]
            sv = srows_in[e, pl.ds(0, 16)]
            wv = srows_in[e, pl.ds(16, 16)]
            ex = jnp.exp(dv * sv)
            srows_out[e, :] = ex * wv
            return 0
        lax.fori_loop(0, CE2, _edge, 0)
        pltpu.sync_copy(srows_out, acc_sh.at[dst_v], add=True)
        return 0
    lax.fori_loop(0, NCHUNK2, _chunk, 0)
    plsc.subcore_barrier()

    @pl.when(sid < NS - 1)
    def _():
        pltpu.sync_copy(acc_sh.at[pl.ds(base_row, RPT)],
                        out_hbm.at[cid, pl.ds(base_row, RPT)])

    @pl.when(sid == NS - 1)
    def _():
        pltpu.sync_copy(acc_sh.at[pl.ds(base_row, RPT_LAST)],
                        out_hbm.at[cid, pl.ds(base_row, RPT_LAST)])


def _stage4(d2, skv, src, dst):
    mesh = plsc.VectorSubcoreMesh(core_axis_name="c", subcore_axis_name="s", num_cores=NC, num_subcores=NS)
    return pl.kernel(
        _l2_edge_body,
        out_type=jax.ShapeDtypeStruct((NC, N, 16), jnp.float32),
        mesh=mesh,
        compiler_params=pltpu.CompilerParams(use_tc_tiling_on_sc=False),
        scratch_types=[
            pltpu.VMEM_SHARED((N, 16), jnp.float32),
            pltpu.VMEM((CE2,), jnp.int32),
            pltpu.VMEM((CE2,), jnp.int32),
            pltpu.VMEM((CE2, 16), jnp.float32),
            pltpu.VMEM((CE2, 32), jnp.float32),
            pltpu.VMEM((CE2, 16), jnp.float32),
            pltpu.SemaphoreType.DMA,
            pltpu.SemaphoreType.DMA,
        ],
    )(d2, skv, src, dst)


def _fin_body(a2_ref, y2_ref, wl_ref, bl_ref, out_ref):
    a = a2_ref[0] + a2_ref[1]
    den = a[:, 0:4]
    num = a[:, 4:8]
    r = num / (den + 1e-16) + y2_ref[:, 12:16]
    tot = jnp.sum(r, axis=0, keepdims=True) * (1.0 / N)
    out_ref[...] = (jnp.sum(tot * wl_ref[...], axis=1, keepdims=True)
                    + bl_ref[...])


def _stage5(acc2, y2, wl_t, bl2d):
    return pl.pallas_call(
        _fin_body,
        out_shape=jax.ShapeDtypeStruct((1, 1), jnp.float32),
    )(acc2, y2, wl_t, bl2d)


def kernel(x, edge_index, Wq1, bq1, Wk1, bk1, Wv1, bv1, Ws1, bs1,
           Wq2, bq2, Wk2, bk2, Wv2, bv2, Ws2, bs2, Wl, bl):
    w1cat = jnp.concatenate([Wq1, Wk1, Wv1, Ws1], axis=1)
    b1cat = jnp.concatenate([bq1, bk1, bv1, bs1])[None, :]
    w2cat = jnp.concatenate([Wq2, Wk2, Wv2, Ws2], axis=1)
    b2cat = jnp.concatenate([bq2, bk2, bv2, bs2])[None, :]
    rmat = jnp.kron(jnp.eye(H, dtype=jnp.float32),
                    jnp.ones((1, C1), jnp.float32))

    src = edge_index[0]
    dst = edge_index[1]
    q1, kv1, s1 = _stage1(x, w1cat, b1cat)
    acc1 = _stage2(q1, kv1, src, dst)
    d2, skv, y2 = _stage3(acc1, s1, rmat, w2cat, b2cat)
    acc2 = _stage4(d2, skv, src, dst)
    return _stage5(acc2, y2, Wl.T, bl[None, :])
    d2, skv, y2 = _stage3(acc1, s1, rmat, w2cat, b2cat)
    acc2 = _stage4(d2, skv, src, dst)
    return _stage5(acc2, y2, Wl.T, bl[None, :])

# --- scband reference (transcript-rebuilt; emitter-appended) ---
"""Pipeline reference for scband-gcn-2l-28690381537663 (READ-ONLY COPY).

The authoritative reference and input builder live on the scoring server;
editing this copy changes nothing except your own understanding.
"""

import jax, jax.numpy as jnp
import numpy as np

N = 10000
E = 320000
D_IN = 128
HID = 32
HEADS = 4
OUT = 1


def _lin(k, fi, fo):
    return jax.random.normal(k, (fi, fo), dtype=jnp.float32) / np.sqrt(fi)


def setup_inputs(seed: int = 0) -> dict:
    key = jax.random.key(seed)
    ks = jax.random.split(key, 16)
    x = jax.random.normal(ks[0], (N, D_IN), dtype=jnp.float32)
    edge_index = jax.random.randint(ks[1], (2, E), 0, N, dtype=jnp.int32)
    d1 = HEADS * HID  # 128
    d2 = HEADS * OUT  # 4
    inp = {
        'x': x,
        'edge_index': edge_index,
        'Wq1': _lin(ks[2], D_IN, d1), 'bq1': jnp.zeros((d1,), jnp.float32),
        'Wk1': _lin(ks[3], D_IN, d1), 'bk1': jnp.zeros((d1,), jnp.float32),
        'Wv1': _lin(ks[4], D_IN, d1), 'bv1': jnp.zeros((d1,), jnp.float32),
        'Ws1': _lin(ks[5], D_IN, d1), 'bs1': jnp.zeros((d1,), jnp.float32),
        'Wq2': _lin(ks[6], d1, d2), 'bq2': jnp.zeros((d2,), jnp.float32),
        'Wk2': _lin(ks[7], d1, d2), 'bk2': jnp.zeros((d2,), jnp.float32),
        'Wv2': _lin(ks[8], d1, d2), 'bv2': jnp.zeros((d2,), jnp.float32),
        'Ws2': _lin(ks[9], d1, d2), 'bs2': jnp.zeros((d2,), jnp.float32),
        'Wl': _lin(ks[10], HEADS, 1), 'bl': jnp.zeros((1,), jnp.float32),
    }
    return inp


def _tconv(x, src, dst, Wq, bq, Wk, bk, Wv, bv, Ws, bs, H, C):
    # Faithful PyG TransformerConv: concat=True, beta=False, root_weight=True, biases on.
    Nn = x.shape[0]
    q = (x @ Wq + bq).reshape(Nn, H, C)
    k = (x @ Wk + bk).reshape(Nn, H, C)
    v = (x @ Wv + bv).reshape(Nn, H, C)
    qi = q[dst]    # [E,H,C] gather at destination nodes
    kj = k[src]    # [E,H,C] gather at source nodes
    vj = v[src]    # [E,H,C]
    alpha = (qi * kj).sum(-1) / jnp.sqrt(jnp.float32(C))  # [E,H]
    amax = jax.ops.segment_max(alpha, dst, num_segments=Nn)
    amax = jnp.where(jnp.isfinite(amax), amax, 0.0)
    amax = jax.lax.stop_gradient(amax)
    ex = jnp.exp(alpha - amax[dst])
    den = jax.ops.segment_sum(ex, dst, num_segments=Nn)
    attn = ex / (den[dst] + 1e-16)
    out = jax.ops.segment_sum(attn[:, :, None] * vj, dst, num_segments=Nn)  # [N,H,C]
    out = out.reshape(Nn, H * C)
    return out + (x @ Ws + bs)


def reference(x, edge_index, Wq1, bq1, Wk1, bk1, Wv1, bv1, Ws1, bs1,
              Wq2, bq2, Wk2, bk2, Wv2, bv2, Ws2, bs2, Wl, bl):
    src = edge_index[0]
    dst = edge_index[1]
    h = _tconv(x, src, dst, Wq1, bq1, Wk1, bk1, Wv1, bv1, Ws1, bs1, HEADS, HID)
    h = jax.nn.relu(h)
    # dropout is identity in eval mode
    h = _tconv(h, src, dst, Wq2, bq2, Wk2, bk2, Wv2, bv2, Ws2, bs2, HEADS, OUT)
    out = h @ Wl + bl          # [N,1]
    return out.mean(axis=0, keepdims=True)  # [1,1]

if __name__ == "__main__":
    import jax
    _d = setup_inputs()
    print(jax.jit(kernel)(*tuple(_d.values())))

</pallas_src>

<mosaic_0001>
#map = affine_map<(d0, d1) -> (0, 0)>
#map1 = affine_map<(d0, d1) -> (0)>
#map2 = affine_map<(d0, d1) -> (0, 0, 0)>
module attributes {stable_mosaic.version = 14 : i64} {
  func.func @_l2_edge_body(%arg0: i32, %arg1: i32, %arg2: memref<10000x16xf32, #tpu.memory_space<hbm>>, %arg3: memref<10000x32xf32, #tpu.memory_space<hbm>>, %arg4: memref<320000xi32, #tpu.memory_space<hbm>>, %arg5: memref<320000xi32, #tpu.memory_space<hbm>>, %arg6: memref<2x10000x16xf32, #tpu.memory_space<hbm>>, %arg7: memref<10000x16xf32, #tpu.memory_space<vmem_shared>>, %arg8: memref<80xi32, #tpu.memory_space<vmem>>, %arg9: memref<80xi32, #tpu.memory_space<vmem>>, %arg10: memref<80x16xf32, #tpu.memory_space<vmem>>, %arg11: memref<80x32xf32, #tpu.memory_space<vmem>>, %arg12: memref<80x16xf32, #tpu.memory_space<vmem>>, %arg13: memref<!tpu.dma_semaphore, #tpu.memory_space<semaphore_mem>>, %arg14: memref<!tpu.dma_semaphore, #tpu.memory_space<semaphore_mem>>) attributes {dimension_semantics = [#tpu.dimension_semantics<core_parallel>, #tpu.dimension_semantics<subcore_parallel>], iteration_bounds = array<i64: 2, 16>, scalar_prefetch = 0 : i64, scratch_operands = 8 : i64, tpu.core_type = #tpu.core_type<sc_vector_subcore>, window_params = [{transform_indices = #map}, {transform_indices = #map}, {transform_indices = #map1}, {transform_indices = #map1}, {transform_indices = #map2}]} {
    %mul3A = arith.constant 16 : i32
    %mul3A_0 = arith.muli %arg0, %mul3A : i32
    %add3A = arith.addi %mul3A_0, %arg1 : i32
    %broadcast_in_dim3A = arith.constant 0.000000e+00 : f32
    %broadcast_in_dim3A_1 = vector.broadcast %broadcast_in_dim3A : f32 to vector<16xf32>
    %scan3A = arith.constant 0 : i32
    %scan3A_2 = arith.constant 0 : i32
    %scan3A_3 = arith.constant 80 : i32
    %scan3A_4 = arith.addi %scan3A_2, %scan3A_3 : i32
    %scan3A_5 = arith.constant 1 : i32
    %scan3A_6 = scf.for %scan3A_34 = %scan3A_2 to %scan3A_4 step %scan3A_5 iter_args(%scan3A_35 = %scan3A) -> (i32)  : i32 {
      %swap3A = arith.index_cast %scan3A_34 : i32 to index
      %swap3A_36 = arith.constant 0 : index
      %swap3A_37 = tpu.vector_load %arg12[%swap3A, %swap3A_36] {strides = array<i32>} : memref<80x16xf32, #tpu.memory_space<vmem>>, vector<1x16xf32>,
      %swap3A_38 = vector.shape_cast %swap3A_37 : vector<1x16xf32> to vector<16xf32>
      %swap3A_39 = vector.shape_cast %broadcast_in_dim3A_1 : vector<16xf32> to vector<1x16xf32>
      tpu.vector_store %arg12[%swap3A, %swap3A_36], %swap3A_39 {strides = array<i32>} : memref<80x16xf32, #tpu.memory_space<vmem>>, vector<1x16xf32>,
      %scan3A_40 = arith.constant 0 : i32
      scf.yield %scan3A_40 : i32
    }
    %scan3A_7 = arith.constant 80 : i32
    %mul3A_8 = arith.constant 632 : i32
    %mul3A_9 = arith.muli %arg1, %mul3A_8 : i32
    %lt3A = arith.constant 15 : i32
    %lt3A_10 = arith.cmpi slt, %arg1, %lt3A : i32
    %convert_element_type3A = arith.extui %lt3A_10 : i1 to i32
    %cond3A = arith.constant 0 : i32
    %cond3A_11 = arith.cmpi ne, %convert_element_type3A, %cond3A : i32
    scf.if %cond3A_11 {
      %add3A_34 = arith.constant 0 : i32
      %add3A_35 = arith.addi %mul3A_9, %add3A_34 : i32
      "tpu.region"() ({
        %run_scoped3A = tpu.sem_alloc : memref<!tpu.dma_semaphore, #tpu.memory_space<semaphore_mem>>
        %dma_start3A = arith.constant 0 : i32
        %dma_start3A_50 = tpu.memref_slice %arg7[%add3A_35, %dma_start3A] : memref<10000x16xf32, #tpu.memory_space<vmem_shared>> -> memref<80x16xf32, #tpu.memory_space<vmem_shared>>
        %dma_start3A_51 = arith.constant 0 : i32
        %dma_start3A_52 = tpu.memref_slice %arg7[%add3A_35, %dma_start3A_51] : memref<10000x16xf32, #tpu.memory_space<vmem_shared>> -> memref<80x16xf32, #tpu.memory_space<vmem_shared>>
        tpu.enqueue_dma source(%arg12 : memref<80x16xf32, #tpu.memory_space<vmem>>) target(%dma_start3A_52 : memref<80x16xf32, #tpu.memory_space<vmem_shared>>) target_semaphore(%run_scoped3A : memref<!tpu.dma_semaphore, #tpu.memory_space<semaphore_mem>>)
        %dma_wait3A = arith.constant 0 : i32
        %dma_wait3A_53 = tpu.memref_slice %arg7[%add3A_35, %dma_wait3A] : memref<10000x16xf32, #tpu.memory_space<vmem_shared>> -> memref<80x16xf32, #tpu.memory_space<vmem_shared>>
        %dma_wait3A_54 = arith.constant 0 : i32
        %dma_wait3A_55 = tpu.memref_slice %arg7[%add3A_35, %dma_wait3A_54] : memref<10000x16xf32, #tpu.memory_space<vmem_shared>> -> memref<80x16xf32, #tpu.memory_space<vmem_shared>>
        tpu.wait_dma2 semaphore(%run_scoped3A : memref<!tpu.dma_semaphore, #tpu.memory_space<semaphore_mem>>) src(%arg12 : memref<80x16xf32, #tpu.memory_space<vmem>>) dst(%dma_wait3A_55 : memref<80x16xf32, #tpu.memory_space<vmem_shared>>)
        tpu.yield
      }) : () -> ()
      %add3A_36 = arith.constant 80 : i32
      %add3A_37 = arith.addi %mul3A_9, %add3A_36 : i32
      "tpu.region"() ({
        %run_scoped3A = tpu.sem_alloc : memref<!tpu.dma_semaphore, #tpu.memory_space<semaphore_mem>>
        %dma_start3A = arith.constant 0 : i32
        %dma_start3A_50 = tpu.memref_slice %arg7[%add3A_37, %dma_start3A] : memref<10000x16xf32, #tpu.memory_space<vmem_shared>> -> memref<80x16xf32, #tpu.memory_space<vmem_shared>>
        %dma_start3A_51 = arith.constant 0 : i32
        %dma_start3A_52 = tpu.memref_slice %arg7[%add3A_37, %dma_start3A_51] : memref<10000x16xf32, #tpu.memory_space<vmem_shared>> -> memref<80x16xf32, #tpu.memory_space<vmem_shared>>
        tpu.enqueue_dma source(%arg12 : memref<80x16xf32, #tpu.memory_space<vmem>>) target(%dma_start3A_52 : memref<80x16xf32, #tpu.memory_space<vmem_shared>>) target_semaphore(%run_scoped3A : memref<!tpu.dma_semaphore, #tpu.memory_space<semaphore_mem>>)
        %dma_wait3A = arith.constant 0 : i32
        %dma_wait3A_53 = tpu.memref_slice %arg7[%add3A_37, %dma_wait3A] : memref<10000x16xf32, #tpu.memory_space<vmem_shared>> -> memref<80x16xf32, #tpu.memory_space<vmem_shared>>
        %dma_wait3A_54 = arith.constant 0 : i32
        %dma_wait3A_55 = tpu.memref_slice %arg7[%add3A_37, %dma_wait3A_54] : memref<10000x16xf32, #tpu.memory_space<vmem_shared>> -> memref<80x16xf32, #tpu.memory_space<vmem_shared>>
        tpu.wait_dma2 semaphore(%run_scoped3A : memref<!tpu.dma_semaphore, #tpu.memory_space<semaphore_mem>>) src(%arg12 : memref<80x16xf32, #tpu.memory_space<vmem>>) dst(%dma_wait3A_55 : memref<80x16xf32, #tpu.memory_space<vmem_shared>>)
        tpu.yield
      }) : () -> ()
      %add3A_38 = arith.constant 160 : i32
      %add3A_39 = arith.addi %mul3A_9, %add3A_38 : i32
      "tpu.region"() ({
        %run_scoped3A = tpu.sem_alloc : memref<!tpu.dma_semaphore, #tpu.memory_space<semaphore_mem>>
        %dma_start3A = arith.constant 0 : i32
        %dma_start3A_50 = tpu.memref_slice %arg7[%add3A_39, %dma_start3A] : memref<10000x16xf32, #tpu.memory_space<vmem_shared>> -> memref<80x16xf32, #tpu.memory_space<vmem_shared>>
        %dma_start3A_51 = arith.constant 0 : i32
        %dma_start3A_52 = tpu.memref_slice %arg7[%add3A_39, %dma_start3A_51] : memref<10000x16xf32, #tpu.memory_space<vmem_shared>> -> memref<80x16xf32, #tpu.memory_space<vmem_shared>>
        tpu.enqueue_dma source(%arg12 : memref<80x16xf32, #tpu.memory_space<vmem>>) target(%dma_start3A_52 : memref<80x16xf32, #tpu.memory_space<vmem_shared>>) target_semaphore(%run_scoped3A : memref<!tpu.dma_semaphore, #tpu.memory_space<semaphore_mem>>)
        %dma_wait3A = arith.constant 0 : i32
        %dma_wait3A_53 = tpu.memref_slice %arg7[%add3A_39, %dma_wait3A] : memref<10000x16xf32, #tpu.memory_space<vmem_shared>> -> memref<80x16xf32, #tpu.memory_space<vmem_shared>>
        %dma_wait3A_54 = arith.constant 0 : i32
        %dma_wait3A_55 = tpu.memref_slice %arg7[%add3A_39, %dma_wait3A_54] : memref<10000x16xf32, #tpu.memory_space<vmem_shared>> -> memref<80x16xf32, #tpu.memory_space<vmem_shared>>
        tpu.wait_dma2 semaphore(%run_scoped3A : memref<!tpu.dma_semaphore, #tpu.memory_space<semaphore_mem>>) src(%arg12 : memref<80x16xf32, #tpu.memory_space<vmem>>) dst(%dma_wait3A_55 : memref<80x16xf32, #tpu.memory_space<vmem_shared>>)
        tpu.yield
      }) : () -> ()
      %add3A_40 = arith.constant 240 : i32
      %add3A_41 = arith.addi %mul3A_9, %add3A_40 : i32
      "tpu.region"() ({
        %run_scoped3A = tpu.sem_alloc : memref<!tpu.dma_semaphore, #tpu.memory_space<semaphore_mem>>
        %dma_start3A = arith.constant 0 : i32
        %dma_start3A_50 = tpu.memref_slice %arg7[%add3A_41, %dma_start3A] : memref<10000x16xf32, #tpu.memory_space<vmem_shared>> -> memref<80x16xf32, #tpu.memory_space<vmem_shared>>
        %dma_start3A_51 = arith.constant 0 : i32
        %dma_start3A_52 = tpu.memref_slice %arg7[%add3A_41, %dma_start3A_51] : memref<10000x16xf32, #tpu.memory_space<vmem_shared>> -> memref<80x16xf32, #tpu.memory_space<vmem_shared>>
        tpu.enqueue_dma source(%arg12 : memref<80x16xf32, #tpu.memory_space<vmem>>) target(%dma_start3A_52 : memref<80x16xf32, #tpu.memory_space<vmem_shared>>) target_semaphore(%run_scoped3A : memref<!tpu.dma_semaphore, #tpu.memory_space<semaphore_mem>>)
        %dma_wait3A = arith.constant 0 : i32
        %dma_wait3A_53 = tpu.memref_slice %arg7[%add3A_41, %dma_wait3A] : memref<10000x16xf32, #tpu.memory_space<vmem_shared>> -> memref<80x16xf32, #tpu.memory_space<vmem_shared>>
        %dma_wait3A_54 = arith.constant 0 : i32
        %dma_wait3A_55 = tpu.memref_slice %arg7[%add3A_41, %dma_wait3A_54] : memref<10000x16xf32, #tpu.memory_space<vmem_shared>> -> memref<80x16xf32, #tpu.memory_space<vmem_shared>>
        tpu.wait_dma2 semaphore(%run_scoped3A : memref<!tpu.dma_semaphore, #tpu.memory_space<semaphore_mem>>) src(%arg12 : memref<80x16xf32, #tpu.memory_space<vmem>>) dst(%dma_wait3A_55 : memref<80x16xf32, #tpu.memory_space<vmem_shared>>)
        tpu.yield
      }) : () -> ()
      %add3A_42 = arith.constant 320 : i32
      %add3A_43 = arith.addi %mul3A_9, %add3A_42 : i32
      "tpu.region"() ({
        %run_scoped3A = tpu.sem_alloc : memref<!tpu.dma_semaphore, #tpu.memory_space<semaphore_mem>>
        %dma_start3A = arith.constant 0 : i32
        %dma_start3A_50 = tpu.memref_slice %arg7[%add3A_43, %dma_start3A] : memref<10000x16xf32, #tpu.memory_space<vmem_shared>> -> memref<80x16xf32, #tpu.memory_space<vmem_shared>>
        %dma_start3A_51 = arith.constant 0 : i32
        %dma_start3A_52 = tpu.memref_slice %arg7[%add3A_43, %dma_start3A_51] : memref<10000x16xf32, #tpu.memory_space<vmem_shared>> -> memref<80x16xf32, #tpu.memory_space<vmem_shared>>
        tpu.enqueue_dma source(%arg12 : memref<80x16xf32, #tpu.memory_space<vmem>>) target(%dma_start3A_52 : memref<80x16xf32, #tpu.memory_space<vmem_shared>>) target_semaphore(%run_scoped3A : memref<!tpu.dma_semaphore, #tpu.memory_space<semaphore_mem>>)
        %dma_wait3A = arith.constant 0 : i32
        %dma_wait3A_53 = tpu.memref_slice %arg7[%add3A_43, %dma_wait3A] : memref<10000x16xf32, #tpu.memory_space<vmem_shared>> -> memref<80x16xf32, #tpu.memory_space<vmem_shared>>
        %dma_wait3A_54 = arith.constant 0 : i32
        %dma_wait3A_55 = tpu.memref_slice %arg7[%add3A_43, %dma_wait3A_54] : memref<10000x16xf32, #tpu.memory_space<vmem_shared>> -> memref<80x16xf32, #tpu.memory_space<vmem_shared>>
        tpu.wait_dma2 semaphore(%run_scoped3A : memref<!tpu.dma_semaphore, #tpu.memory_space<semaphore_mem>>) src(%arg12 : memref<80x16xf32, #tpu.memory_space<vmem>>) dst(%dma_wait3A_55 : memref<80x16xf32, #tpu.memory_space<vmem_shared>>)
        tpu.yield
      }) : () -> ()
      %add3A_44 = arith.constant 400 : i32
      %add3A_45 = arith.addi %mul3A_9, %add3A_44 : i32
      "tpu.region"() ({
        %run_scoped3A = tpu.sem_alloc : memref<!tpu.dma_semaphore, #tpu.memory_space<semaphore_mem>>
        %dma_start3A = arith.constant 0 : i32
        %dma_start3A_50 = tpu.memref_slice %arg7[%add3A_45, %dma_start3A] : memref<10000x16xf32, #tpu.memory_space<vmem_shared>> -> memref<80x16xf32, #tpu.memory_space<vmem_shared>>
        %dma_start3A_51 = arith.constant 0 : i32
        %dma_start3A_52 = tpu.memref_slice %arg7[%add3A_45, %dma_start3A_51] : memref<10000x16xf32, #tpu.memory_space<vmem_shared>> -> memref<80x16xf32, #tpu.memory_space<vmem_shared>>
        tpu.enqueue_dma source(%arg12 : memref<80x16xf32, #tpu.memory_space<vmem>>) target(%dma_start3A_52 : memref<80x16xf32, #tpu.memory_space<vmem_shared>>) target_semaphore(%run_scoped3A : memref<!tpu.dma_semaphore, #tpu.memory_space<semaphore_mem>>)
        %dma_wait3A = arith.constant 0 : i32
        %dma_wait3A_53 = tpu.memref_slice %arg7[%add3A_45, %dma_wait3A] : memref<10000x16xf32, #tpu.memory_space<vmem_shared>> -> memref<80x16xf32, #tpu.memory_space<vmem_shared>>
        %dma_wait3A_54 = arith.constant 0 : i32
        %dma_wait3A_55 = tpu.memref_slice %arg7[%add3A_45, %dma_wait3A_54] : memref<10000x16xf32, #tpu.memory_space<vmem_shared>> -> memref<80x16xf32, #tpu.memory_space<vmem_shared>>
        tpu.wait_dma2 semaphore(%run_scoped3A : memref<!tpu.dma_semaphore, #tpu.memory_space<semaphore_mem>>) src(%arg12 : memref<80x16xf32, #tpu.memory_space<vmem>>) dst(%dma_wait3A_55 : memref<80x16xf32, #tpu.memory_space<vmem_shared>>)
        tpu.yield
      }) : () -> ()
      %add3A_46 = arith.constant 480 : i32
      %add3A_47 = arith.addi %mul3A_9, %add3A_46 : i32
      "tpu.region"() ({
        %run_scoped3A = tpu.sem_alloc : memref<!tpu.dma_semaphore, #tpu.memory_space<semaphore_mem>>
        %dma_start3A = arith.constant 0 : i32
        %dma_start3A_50 = tpu.memref_slice %arg7[%add3A_47, %dma_start3A] : memref<10000x16xf32, #tpu.memory_space<vmem_shared>> -> memref<80x16xf32, #tpu.memory_space<vmem_shared>>
        %dma_start3A_51 = arith.constant 0 : i32
        %dma_start3A_52 = tpu.memref_slice %arg7[%add3A_47, %dma_start3A_51] : memref<10000x16xf32, #tpu.memory_space<vmem_shared>> -> memref<80x16xf32, #tpu.memory_space<vmem_shared>>
        tpu.enqueue_dma source(%arg12 : memref<80x16xf32, #tpu.memory_space<vmem>>) target(%dma_start3A_52 : memref<80x16xf32, #tpu.memory_space<vmem_shared>>) target_semaphore(%run_scoped3A : memref<!tpu.dma_semaphore, #tpu.memory_space<semaphore_mem>>)
        %dma_wait3A = arith.constant 0 : i32
        %dma_wait3A_53 = tpu.memref_slice %arg7[%add3A_47, %dma_wait3A] : memref<10000x16xf32, #tpu.memory_space<vmem_shared>> -> memref<80x16xf32, #tpu.memory_space<vmem_shared>>
        %dma_wait3A_54 = arith.constant 0 : i32
        %dma_wait3A_55 = tpu.memref_slice %arg7[%add3A_47, %dma_wait3A_54] : memref<10000x16xf32, #tpu.memory_space<vmem_shared>> -> memref<80x16xf32, #tpu.memory_space<vmem_shared>>
        tpu.wait_dma2 semaphore(%run_scoped3A : memref<!tpu.dma_semaphore, #tpu.memory_space<semaphore_mem>>) src(%arg12 : memref<80x16xf32, #tpu.memory_space<vmem>>) dst(%dma_wait3A_55 : memref<80x16xf32, #tpu.memory_space<vmem_shared>>)
        tpu.yield
      }) : () -> ()
      %add3A_48 = arith.constant 560 : i32
      %add3A_49 = arith.addi %mul3A_9, %add3A_48 : i32
      "tpu.region"() ({
        %run_scoped3A = tpu.sem_alloc : memref<!tpu.dma_semaphore, #tpu.memory_space<semaphore_mem>>
        %dma_start3A = arith.constant 0 : i32
        %dma_start3A_50 = arith.constant 0 : i32
        %dma_start3A_51 = tpu.memref_slice %arg12[%dma_start3A, %dma_start3A_50] : memref<80x16xf32, #tpu.memory_space<vmem>> -> memref<72x16xf32, #tpu.memory_space<vmem>>
        %dma_start3A_52 = arith.constant 0 : i32
        %dma_start3A_53 = tpu.memref_slice %arg7[%add3A_49, %dma_start3A_52] : memref<10000x16xf32, #tpu.memory_space<vmem_shared>> -> memref<72x16xf32, #tpu.memory_space<vmem_shared>>
        %dma_start3A_54 = arith.constant 0 : i32
        %dma_start3A_55 = tpu.memref_slice %arg7[%add3A_49, %dma_start3A_54] : memref<10000x16xf32, #tpu.memory_space<vmem_shared>> -> memref<72x16xf32, #tpu.memory_space<vmem_shared>>
        %dma_start3A_56 = arith.constant 0 : i32
        %dma_start3A_57 = arith.constant 0 : i32
        %dma_start3A_58 = tpu.memref_slice %arg12[%dma_start3A_56, %dma_start3A_57] : memref<80x16xf32, #tpu.memory_space<vmem>> -> memref<72x16xf32, #tpu.memory_space<vmem>>
        tpu.enqueue_dma source(%dma_start3A_58 : memref<72x16xf32, #tpu.memory_space<vmem>>) target(%dma_start3A_55 : memref<72x16xf32, #tpu.memory_space<vmem_shared>>) target_semaphore(%run_scoped3A : memref<!tpu.dma_semaphore, #tpu.memory_space<semaphore_mem>>)
        %dma_wait3A = arith.constant 0 : i32
        %dma_wait3A_59 = arith.constant 0 : i32
        %dma_wait3A_60 = tpu.memref_slice %arg12[%dma_wait3A, %dma_wait3A_59] : memref<80x16xf32, #tpu.memory_space<vmem>> -> memref<72x16xf32, #tpu.memory_space<vmem>>
        %dma_wait3A_61 = arith.constant 0 : i32
        %dma_wait3A_62 = tpu.memref_slice %arg7[%add3A_49, %dma_wait3A_61] : memref<10000x16xf32, #tpu.memory_space<vmem_shared>> -> memref<72x16xf32, #tpu.memory_space<vmem_shared>>
        %dma_wait3A_63 = arith.constant 0 : i32
        %dma_wait3A_64 = tpu.memref_slice %arg7[%add3A_49, %dma_wait3A_63] : memref<10000x16xf32, #tpu.memory_space<vmem_shared>> -> memref<72x16xf32, #tpu.memory_space<vmem_shared>>
        %dma_wait3A_65 = arith.constant 0 : i32
        %dma_wait3A_66 = arith.constant 0 : i32
        %dma_wait3A_67 = tpu.memref_slice %arg12[%dma_wait3A_65, %dma_wait3A_66] : memref<80x16xf32, #tpu.memory_space<vmem>> -> memref<72x16xf32, #tpu.memory_space<vmem>>
        tpu.wait_dma2 semaphore(%run_scoped3A : memref<!tpu.dma_semaphore, #tpu.memory_space<semaphore_mem>>) src(%dma_wait3A_67 : memref<72x16xf32, #tpu.memory_space<vmem>>) dst(%dma_wait3A_64 : memref<72x16xf32, #tpu.memory_space<vmem_shared>>)
        tpu.yield
      }) : () -> ()
    } else {
    }
    %eq3A = arith.constant 15 : i32
    %eq3A_12 = arith.cmpi eq, %arg1, %eq3A : i32
    %convert_element_type3A_13 = arith.extui %eq3A_12 : i1 to i32
    %cond3A_14 = arith.constant 0 : i32
    %cond3A_15 = arith.cmpi ne, %convert_element_type3A_13, %cond3A_14 : i32
    scf.if %cond3A_15 {
      %add3A_34 = arith.constant 0 : i32
      %add3A_35 = arith.addi %mul3A_9, %add3A_34 : i32
      "tpu.region"() ({
        %run_scoped3A = tpu.sem_alloc : memref<!tpu.dma_semaphore, #tpu.memory_space<semaphore_mem>>
        %dma_start3A = arith.constant 0 : i32
        %dma_start3A_48 = tpu.memref_slice %arg7[%add3A_35, %dma_start3A] : memref<10000x16xf32, #tpu.memory_space<vmem_shared>> -> memref<80x16xf32, #tpu.memory_space<vmem_shared>>
        %dma_start3A_49 = arith.constant 0 : i32
        %dma_start3A_50 = tpu.memref_slice %arg7[%add3A_35, %dma_start3A_49] : memref<10000x16xf32, #tpu.memory_space<vmem_shared>> -> memref<80x16xf32, #tpu.memory_space<vmem_shared>>
        tpu.enqueue_dma source(%arg12 : memref<80x16xf32, #tpu.memory_space<vmem>>) target(%dma_start3A_50 : memref<80x16xf32, #tpu.memory_space<vmem_shared>>) target_semaphore(%run_scoped3A : memref<!tpu.dma_semaphore, #tpu.memory_space<semaphore_mem>>)
        %dma_wait3A = arith.constant 0 : i32
        %dma_wait3A_51 = tpu.memref_slice %arg7[%add3A_35, %dma_wait3A] : memref<10000x16xf32, #tpu.memory_space<vmem_shared>> -> memref<80x16xf32, #tpu.memory_space<vmem_shared>>
        %dma_wait3A_52 = arith.constant 0 : i32
        %dma_wait3A_53 = tpu.memref_slice %arg7[%add3A_35, %dma_wait3A_52] : memref<10000x16xf32, #tpu.memory_space<vmem_shared>> -> memref<80x16xf32, #tpu.memory_space<vmem_shared>>
        tpu.wait_dma2 semaphore(%run_scoped3A : memref<!tpu.dma_semaphore, #tpu.memory_space<semaphore_mem>>) src(%arg12 : memref<80x16xf32, #tpu.memory_space<vmem>>) dst(%dma_wait3A_53 : memref<80x16xf32, #tpu.memory_space<vmem_shared>>)
        tpu.yield
      }) : () -> ()
      %add3A_36 = arith.constant 80 : i32
      %add3A_37 = arith.addi %mul3A_9, %add3A_36 : i32
      "tpu.region"() ({
        %run_scoped3A = tpu.sem_alloc : memref<!tpu.dma_semaphore, #tpu.memory_space<semaphore_mem>>
        %dma_start3A = arith.constant 0 : i32
        %dma_start3A_48 = tpu.memref_slice %arg7[%add3A_37, %dma_start3A] : memref<10000x16xf32, #tpu.memory_space<vmem_shared>> -> memref<80x16xf32, #tpu.memory_space<vmem_shared>>
        %dma_start3A_49 = arith.constant 0 : i32
        %dma_start3A_50 = tpu.memref_slice %arg7[%add3A_37, %dma_start3A_49] : memref<10000x16xf32, #tpu.memory_space<vmem_shared>> -> memref<80x16xf32, #tpu.memory_space<vmem_shared>>
        tpu.enqueue_dma source(%arg12 : memref<80x16xf32, #tpu.memory_space<vmem>>) target(%dma_start3A_50 : memref<80x16xf32, #tpu.memory_space<vmem_shared>>) target_semaphore(%run_scoped3A : memref<!tpu.dma_semaphore, #tpu.memory_space<semaphore_mem>>)
        %dma_wait3A = arith.constant 0 : i32
        %dma_wait3A_51 = tpu.memref_slice %arg7[%add3A_37, %dma_wait3A] : memref<10000x16xf32, #tpu.memory_space<vmem_shared>> -> memref<80x16xf32, #tpu.memory_space<vmem_shared>>
        %dma_wait3A_52 = arith.constant 0 : i32
        %dma_wait3A_53 = tpu.memref_slice %arg7[%add3A_37, %dma_wait3A_52] : memref<10000x16xf32, #tpu.memory_space<vmem_shared>> -> memref<80x16xf32, #tpu.memory_space<vmem_shared>>
        tpu.wait_dma2 semaphore(%run_scoped3A : memref<!tpu.dma_semaphore, #tpu.memory_space<semaphore_mem>>) src(%arg12 : memref<80x16xf32, #tpu.memory_space<vmem>>) dst(%dma_wait3A_53 : memref<80x16xf32, #tpu.memory_space<vmem_shared>>)
        tpu.yield
      }) : () -> ()
      %add3A_38 = arith.constant 160 : i32
      %add3A_39 = arith.addi %mul3A_9, %add3A_38 : i32
      "tpu.region"() ({
        %run_scoped3A = tpu.sem_alloc : memref<!tpu.dma_semaphore, #tpu.memory_space<semaphore_mem>>
        %dma_start3A = arith.constant 0 : i32
        %dma_start3A_48 = tpu.memref_slice %arg7[%add3A_39, %dma_start3A] : memref<10000x16xf32, #tpu.memory_space<vmem_shared>> -> memref<80x16xf32, #tpu.memory_space<vmem_shared>>
        %dma_start3A_49 = arith.constant 0 : i32
        %dma_start3A_50 = tpu.memref_slice %arg7[%add3A_39, %dma_start3A_49] : memref<10000x16xf32, #tpu.memory_space<vmem_shared>> -> memref<80x16xf32, #tpu.memory_space<vmem_shared>>
        tpu.enqueue_dma source(%arg12 : memref<80x16xf32, #tpu.memory_space<vmem>>) target(%dma_start3A_50 : memref<80x16xf32, #tpu.memory_space<vmem_shared>>) target_semaphore(%run_scoped3A : memref<!tpu.dma_semaphore, #tpu.memory_space<semaphore_mem>>)
        %dma_wait3A = arith.constant 0 : i32
        %dma_wait3A_51 = tpu.memref_slice %arg7[%add3A_39, %dma_wait3A] : memref<10000x16xf32, #tpu.memory_space<vmem_shared>> -> memref<80x16xf32, #tpu.memory_space<vmem_shared>>
        %dma_wait3A_52 = arith.constant 0 : i32
        %dma_wait3A_53 = tpu.memref_slice %arg7[%add3A_39, %dma_wait3A_52] : memref<10000x16xf32, #tpu.memory_space<vmem_shared>> -> memref<80x16xf32, #tpu.memory_space<vmem_shared>>
        tpu.wait_dma2 semaphore(%run_scoped3A : memref<!tpu.dma_semaphore, #tpu.memory_space<semaphore_mem>>) src(%arg12 : memref<80x16xf32, #tpu.memory_space<vmem>>) dst(%dma_wait3A_53 : memref<80x16xf32, #tpu.memory_space<vmem_shared>>)
        tpu.yield
      }) : () -> ()
      %add3A_40 = arith.constant 240 : i32
      %add3A_41 = arith.addi %mul3A_9, %add3A_40 : i32
      "tpu.region"() ({
        %run_scoped3A = tpu.sem_alloc : memref<!tpu.dma_semaphore, #tpu.memory_space<semaphore_mem>>
        %dma_start3A = arith.constant 0 : i32
        %dma_start3A_48 = tpu.memref_slice %arg7[%add3A_41, %dma_start3A] : memref<10000x16xf32, #tpu.memory_space<vmem_shared>> -> memref<80x16xf32, #tpu.memory_space<vmem_shared>>
        %dma_start3A_49 = arith.constant 0 : i32
        %dma_start3A_50 = tpu.memref_slice %arg7[%add3A_41, %dma_start3A_49] : memref<10000x16xf32, #tpu.memory_space<vmem_shared>> -> memref<80x16xf32, #tpu.memory_space<vmem_shared>>
        tpu.enqueue_dma source(%arg12 : memref<80x16xf32, #tpu.memory_space<vmem>>) target(%dma_start3A_50 : memref<80x16xf32, #tpu.memory_space<vmem_shared>>) target_semaphore(%run_scoped3A : memref<!tpu.dma_semaphore, #tpu.memory_space<semaphore_mem>>)
        %dma_wait3A = arith.constant 0 : i32
        %dma_wait3A_51 = tpu.memref_slice %arg7[%add3A_41, %dma_wait3A] : memref<10000x16xf32, #tpu.memory_space<vmem_shared>> -> memref<80x16xf32, #tpu.memory_space<vmem_shared>>
        %dma_wait3A_52 = arith.constant 0 : i32
        %dma_wait3A_53 = tpu.memref_slice %arg7[%add3A_41, %dma_wait3A_52] : memref<10000x16xf32, #tpu.memory_space<vmem_shared>> -> memref<80x16xf32, #tpu.memory_space<vmem_shared>>
        tpu.wait_dma2 semaphore(%run_scoped3A : memref<!tpu.dma_semaphore, #tpu.memory_space<semaphore_mem>>) src(%arg12 : memref<80x16xf32, #tpu.memory_space<vmem>>) dst(%dma_wait3A_53 : memref<80x16xf32, #tpu.memory_space<vmem_shared>>)
        tpu.yield
      }) : () -> ()
      %add3A_42 = arith.constant 320 : i32
      %add3A_43 = arith.addi %mul3A_9, %add3A_42 : i32
      "tpu.region"() ({
        %run_scoped3A = tpu.sem_alloc : memref<!tpu.dma_semaphore, #tpu.memory_space<semaphore_mem>>
        %dma_start3A = arith.constant 0 : i32
        %dma_start3A_48 = tpu.memref_slice %arg7[%add3A_43, %dma_start3A] : memref<10000x16xf32, #tpu.memory_space<vmem_shared>> -> memref<80x16xf32, #tpu.memory_space<vmem_shared>>
        %dma_start3A_49 = arith.constant 0 : i32
        %dma_start3A_50 = tpu.memref_slice %arg7[%add3A_43, %dma_start3A_49] : memref<10000x16xf32, #tpu.memory_space<vmem_shared>> -> memref<80x16xf32, #tpu.memory_space<vmem_shared>>
        tpu.enqueue_dma source(%arg12 : memref<80x16xf32, #tpu.memory_space<vmem>>) target(%dma_start3A_50 : memref<80x16xf32, #tpu.memory_space<vmem_shared>>) target_semaphore(%run_scoped3A : memref<!tpu.dma_semaphore, #tpu.memory_space<semaphore_mem>>)
        %dma_wait3A = arith.constant 0 : i32
        %dma_wait3A_51 = tpu.memref_slice %arg7[%add3A_43, %dma_wait3A] : memref<10000x16xf32, #tpu.memory_space<vmem_shared>> -> memref<80x16xf32, #tpu.memory_space<vmem_shared>>
        %dma_wait3A_52 = arith.constant 0 : i32
        %dma_wait3A_53 = tpu.memref_slice %arg7[%add3A_43, %dma_wait3A_52] : memref<10000x16xf32, #tpu.memory_space<vmem_shared>> -> memref<80x16xf32, #tpu.memory_space<vmem_shared>>
        tpu.wait_dma2 semaphore(%run_scoped3A : memref<!tpu.dma_semaphore, #tpu.memory_space<semaphore_mem>>) src(%arg12 : memref<80x16xf32, #tpu.memory_space<vmem>>) dst(%dma_wait3A_53 : memref<80x16xf32, #tpu.memory_space<vmem_shared>>)
        tpu.yield
      }) : () -> ()
      %add3A_44 = arith.constant 400 : i32
      %add3A_45 = arith.addi %mul3A_9, %add3A_44 : i32
      "tpu.region"() ({
        %run_scoped3A = tpu.sem_alloc : memref<!tpu.dma_semaphore, #tpu.memory_space<semaphore_mem>>
        %dma_start3A = arith.constant 0 : i32
        %dma_start3A_48 = tpu.memref_slice %arg7[%add3A_45, %dma_start3A] : memref<10000x16xf32, #tpu.memory_space<vmem_shared>> -> memref<80x16xf32, #tpu.memory_space<vmem_shared>>
        %dma_start3A_49 = arith.constant 0 : i32
        %dma_start3A_50 = tpu.memref_slice %arg7[%add3A_45, %dma_start3A_49] : memref<10000x16xf32, #tpu.memory_space<vmem_shared>> -> memref<80x16xf32, #tpu.memory_space<vmem_shared>>
        tpu.enqueue_dma source(%arg12 : memref<80x16xf32, #tpu.memory_space<vmem>>) target(%dma_start3A_50 : memref<80x16xf32, #tpu.memory_space<vmem_shared>>) target_semaphore(%run_scoped3A : memref<!tpu.dma_semaphore, #tpu.memory_space<semaphore_mem>>)
        %dma_wait3A = arith.constant 0 : i32
        %dma_wait3A_51 = tpu.memref_slice %arg7[%add3A_45, %dma_wait3A] : memref<10000x16xf32, #tpu.memory_space<vmem_shared>> -> memref<80x16xf32, #tpu.memory_space<vmem_shared>>
        %dma_wait3A_52 = arith.constant 0 : i32
        %dma_wait3A_53 = tpu.memref_slice %arg7[%add3A_45, %dma_wait3A_52] : memref<10000x16xf32, #tpu.memory_space<vmem_shared>> -> memref<80x16xf32, #tpu.memory_space<vmem_shared>>
        tpu.wait_dma2 semaphore(%run_scoped3A : memref<!tpu.dma_semaphore, #tpu.memory_space<semaphore_mem>>) src(%arg12 : memref<80x16xf32, #tpu.memory_space<vmem>>) dst(%dma_wait3A_53 : memref<80x16xf32, #tpu.memory_space<vmem_shared>>)
        tpu.yield
      }) : () -> ()
      %add3A_46 = arith.constant 480 : i32
      %add3A_47 = arith.addi %mul3A_9, %add3A_46 : i32
      "tpu.region"() ({
        %run_scoped3A = tpu.sem_alloc : memref<!tpu.dma_semaphore, #tpu.memory_space<semaphore_mem>>
        %dma_start3A = arith.constant 0 : i32
        %dma_start3A_48 = arith.constant 0 : i32
        %dma_start3A_49 = tpu.memref_slice %arg12[%dma_start3A, %dma_start3A_48] : memref<80x16xf32, #tpu.memory_space<vmem>> -> memref<40x16xf32, #tpu.memory_space<vmem>>
        %dma_start3A_50 = arith.constant 0 : i32
        %dma_start3A_51 = tpu.memref_slice %arg7[%add3A_47, %dma_start3A_50] : memref<10000x16xf32, #tpu.memory_space<vmem_shared>> -> memref<40x16xf32, #tpu.memory_space<vmem_shared>>
        %dma_start3A_52 = arith.constant 0 : i32
        %dma_start3A_53 = tpu.memref_slice %arg7[%add3A_47, %dma_start3A_52] : memref<10000x16xf32, #tpu.memory_space<vmem_shared>> -> memref<40x16xf32, #tpu.memory_space<vmem_shared>>
        %dma_start3A_54 = arith.constant 0 : i32
        %dma_start3A_55 = arith.constant 0 : i32
        %dma_start3A_56 = tpu.memref_slice %arg12[%dma_start3A_54, %dma_start3A_55] : memref<80x16xf32, #tpu.memory_space<vmem>> -> memref<40x16xf32, #tpu.memory_space<vmem>>
        tpu.enqueue_dma source(%dma_start3A_56 : memref<40x16xf32, #tpu.memory_space<vmem>>) target(%dma_start3A_53 : memref<40x16xf32, #tpu.memory_space<vmem_shared>>) target_semaphore(%run_scoped3A : memref<!tpu.dma_semaphore, #tpu.memory_space<semaphore_mem>>)
        %dma_wait3A = arith.constant 0 : i32
        %dma_wait3A_57 = arith.constant 0 : i32
        %dma_wait3A_58 = tpu.memref_slice %arg12[%dma_wait3A, %dma_wait3A_57] : memref<80x16xf32, #tpu.memory_space<vmem>> -> memref<40x16xf32, #tpu.memory_space<vmem>>
        %dma_wait3A_59 = arith.constant 0 : i32
        %dma_wait3A_60 = tpu.memref_slice %arg7[%add3A_47, %dma_wait3A_59] : memref<10000x16xf32, #tpu.memory_space<vmem_shared>> -> memref<40x16xf32, #tpu.memory_space<vmem_shared>>
        %dma_wait3A_61 = arith.constant 0 : i32
        %dma_wait3A_62 = tpu.memref_slice %arg7[%add3A_47, %dma_wait3A_61] : memref<10000x16xf32, #tpu.memory_space<vmem_shared>> -> memref<40x16xf32, #tpu.memory_space<vmem_shared>>
        %dma_wait3A_63 = arith.constant 0 : i32
        %dma_wait3A_64 = arith.constant 0 : i32
        %dma_wait3A_65 = tpu.memref_slice %arg12[%dma_wait3A_63, %dma_wait3A_64] : memref<80x16xf32, #tpu.memory_space<vmem>> -> memref<40x16xf32, #tpu.memory_space<vmem>>
        tpu.wait_dma2 semaphore(%run_scoped3A : memref<!tpu.dma_semaphore, #tpu.memory_space<semaphore_mem>>) src(%dma_wait3A_65 : memref<40x16xf32, #tpu.memory_space<vmem>>) dst(%dma_wait3A_62 : memref<40x16xf32, #tpu.memory_space<vmem_shared>>)
        tpu.yield
      }) : () -> ()
    } else {
    }
    %barrier3A = arith.constant 0 : index
    tpu.barrier barrier_id(%barrier3A)
    %scan3A_16 = arith.constant 0 : i32
    %scan3A_17 = arith.constant 0 : i32
    %scan3A_18 = arith.constant 125 : i32
    %scan3A_19 = arith.addi %scan3A_17, %scan3A_18 : i32
    %scan3A_20 = arith.constant 1 : i32
    %scan3A_21 = scf.for %scan3A_34 = %scan3A_17 to %scan3A_19 step %scan3A_20 iter_args(%scan3A_35 = %scan3A_16) -> (i32)  : i32 {
      %mul3A_36 = arith.constant 10000 : i32
      %mul3A_37 = arith.muli %add3A, %mul3A_36 : i32
      %mul3A_38 = arith.constant 80 : i32
      %mul3A_39 = arith.muli %scan3A_34, %mul3A_38 : i32
      %add3A_40 = arith.addi %mul3A_37, %mul3A_39 : i32
      "tpu.region"() ({
        %run_scoped3A = tpu.sem_alloc : memref<!tpu.dma_semaphore, #tpu.memory_space<semaphore_mem>>
        %dma_start3A_59 = tpu.memref_slice %arg4[%add3A_40] : memref<320000xi32, #tpu.memory_space<hbm>> -> memref<80xi32, #tpu.memory_space<hbm>>
        %dma_start3A_60 = tpu.memref_slice %arg4[%add3A_40] : memref<320000xi32, #tpu.memory_space<hbm>> -> memref<80xi32, #tpu.memory_space<hbm>>
        tpu.enqueue_dma source(%dma_start3A_60 : memref<80xi32, #tpu.memory_space<hbm>>) target(%arg8 : memref<80xi32, #tpu.memory_space<vmem>>) target_semaphore(%run_scoped3A : memref<!tpu.dma_semaphore, #tpu.memory_space<semaphore_mem>>)
        %dma_wait3A_61 = tpu.memref_slice %arg4[%add3A_40] : memref<320000xi32, #tpu.memory_space<hbm>> -> memref<80xi32, #tpu.memory_space<hbm>>
        %dma_wait3A_62 = tpu.memref_slice %arg4[%add3A_40] : memref<320000xi32, #tpu.memory_space<hbm>> -> memref<80xi32, #tpu.memory_space<hbm>>
        tpu.wait_dma2 semaphore(%run_scoped3A : memref<!tpu.dma_semaphore, #tpu.memory_space<semaphore_mem>>) src(%dma_wait3A_62 : memref<80xi32, #tpu.memory_space<hbm>>) dst(%arg8 : memref<80xi32, #tpu.memory_space<vmem>>)
        tpu.yield
      }) : () -> ()
      "tpu.region"() ({
        %run_scoped3A = tpu.sem_alloc : memref<!tpu.dma_semaphore, #tpu.memory_space<semaphore_mem>>
        %dma_start3A_59 = tpu.memref_slice %arg5[%add3A_40] : memref<320000xi32, #tpu.memory_space<hbm>> -> memref<80xi32, #tpu.memory_space<hbm>>
        %dma_start3A_60 = tpu.memref_slice %arg5[%add3A_40] : memref<320000xi32, #tpu.memory_space<hbm>> -> memref<80xi32, #tpu.memory_space<hbm>>
        tpu.enqueue_dma source(%dma_start3A_60 : memref<80xi32, #tpu.memory_space<hbm>>) target(%arg9 : memref<80xi32, #tpu.memory_space<vmem>>) target_semaphore(%run_scoped3A : memref<!tpu.dma_semaphore, #tpu.memory_space<semaphore_mem>>)
        %dma_wait3A_61 = tpu.memref_slice %arg5[%add3A_40] : memref<320000xi32, #tpu.memory_space<hbm>> -> memref<80xi32, #tpu.memory_space<hbm>>
        %dma_wait3A_62 = tpu.memref_slice %arg5[%add3A_40] : memref<320000xi32, #tpu.memory_space<hbm>> -> memref<80xi32, #tpu.memory_space<hbm>>
        tpu.wait_dma2 semaphore(%run_scoped3A : memref<!tpu.dma_semaphore, #tpu.memory_space<semaphore_mem>>) src(%dma_wait3A_62 : memref<80xi32, #tpu.memory_space<hbm>>) dst(%arg9 : memref<80xi32, #tpu.memory_space<vmem>>)
        tpu.yield
      }) : () -> ()
      %dma_start3A = arith.constant 0 : i32
      %dma_start3A_41 = arith.constant 0 : i32
      %dma_start3A_42 = tpu.memref_slice %arg2[%dma_start3A, %dma_start3A_41] : memref<10000x16xf32, #tpu.memory_space<hbm>> -> memref<10000x16xf32, #tpu.memory_space<hbm>>
      tpu.enqueue_indirect_dma source(%dma_start3A_42 : memref<10000x16xf32, #tpu.memory_space<hbm>>) target(%arg10 : memref<80x16xf32, #tpu.memory_space<vmem>>) offsets(%arg9 : memref<80xi32, #tpu.memory_space<vmem>>) semaphore(%arg13 : memref<!tpu.dma_semaphore, #tpu.memory_space<semaphore_mem>>)
      %dma_start3A_43 = arith.constant 0 : i32
      %dma_start3A_44 = arith.constant 0 : i32
      %dma_start3A_45 = tpu.memref_slice %arg3[%dma_start3A_43, %dma_start3A_44] : memref<10000x32xf32, #tpu.memory_space<hbm>> -> memref<10000x32xf32, #tpu.memory_space<hbm>>
      tpu.enqueue_indirect_dma source(%dma_start3A_45 : memref<10000x32xf32, #tpu.memory_space<hbm>>) target(%arg11 : memref<80x32xf32, #tpu.memory_space<vmem>>) offsets(%arg8 : memref<80xi32, #tpu.memory_space<vmem>>) semaphore(%arg14 : memref<!tpu.dma_semaphore, #tpu.memory_space<semaphore_mem>>)
      %dma_wait3A = arith.constant 0 : i32
      %dma_wait3A_46 = arith.constant 0 : i32
      %dma_wait3A_47 = tpu.memref_slice %arg2[%dma_wait3A, %dma_wait3A_46] : memref<10000x16xf32, #tpu.memory_space<hbm>> -> memref<10000x16xf32, #tpu.memory_space<hbm>>
      tpu.wait_indirect_dma semaphore(%arg13 : memref<!tpu.dma_semaphore, #tpu.memory_space<semaphore_mem>>) src(%dma_wait3A_47 : memref<10000x16xf32, #tpu.memory_space<hbm>>) dst(%arg10 : memref<80x16xf32, #tpu.memory_space<vmem>>)
      %dma_wait3A_48 = arith.constant 0 : i32
      %dma_wait3A_49 = arith.constant 0 : i32
      %dma_wait3A_50 = tpu.memref_slice %arg3[%dma_wait3A_48, %dma_wait3A_49] : memref<10000x32xf32, #tpu.memory_space<hbm>> -> memref<10000x32xf32, #tpu.memory_space<hbm>>
      tpu.wait_indirect_dma semaphore(%arg14 : memref<!tpu.dma_semaphore, #tpu.memory_space<semaphore_mem>>) src(%dma_wait3A_50 : memref<10000x32xf32, #tpu.memory_space<hbm>>) dst(%arg11 : memref<80x32xf32, #tpu.memory_space<vmem>>)
      %scan3A_51 = arith.constant 0 : i32
      %scan3A_52 = arith.constant 0 : i32
      %scan3A_53 = arith.constant 80 : i32
      %scan3A_54 = arith.addi %scan3A_52, %scan3A_53 : i32
      %scan3A_55 = arith.constant 1 : i32
      %scan3A_56 = scf.for %scan3A_59 = %scan3A_52 to %scan3A_54 step %scan3A_55 iter_args(%scan3A_60 = %scan3A_51) -> (i32)  : i32 {
        %get3A = arith.index_cast %scan3A_59 : i32 to index
        %get3A_61 = arith.constant 0 : index
        %get3A_62 = tpu.vector_load %arg10[%get3A, %get3A_61] {strides = array<i32>} : memref<80x16xf32, #tpu.memory_space<vmem>>, vector<1x16xf32>,
        %get3A_63 = vector.shape_cast %get3A_62 : vector<1x16xf32> to vector<16xf32>
        %get3A_64 = arith.index_cast %scan3A_59 : i32 to index
        %get3A_65 = arith.constant 0 : index
        %get3A_66 = tpu.vector_load %arg11[%get3A_64, %get3A_65] {strides = array<i32>} : memref<80x32xf32, #tpu.memory_space<vmem>>, vector<1x16xf32>,
        %get3A_67 = vector.shape_cast %get3A_66 : vector<1x16xf32> to vector<16xf32>
        %get3A_68 = arith.index_cast %scan3A_59 : i32 to index
        %get3A_69 = arith.constant 16 : index
        %get3A_70 = tpu.vector_load %arg11[%get3A_68, %get3A_69] {strides = array<i32>} : memref<80x32xf32, #tpu.memory_space<vmem>>, vector<1x16xf32>,
        %get3A_71 = vector.shape_cast %get3A_70 : vector<1x16xf32> to vector<16xf32>
        %mul3A_72 = arith.mulf %get3A_63, %get3A_67 : vector<16xf32>
        %exp3A = math.exp %mul3A_72 : vector<16xf32>
        %mul3A_73 = arith.mulf %exp3A, %get3A_71 : vector<16xf32>
        %swap3A = arith.index_cast %scan3A_59 : i32 to index
        %swap3A_74 = arith.constant 0 : index
        %swap3A_75 = tpu.vector_load %arg12[%swap3A, %swap3A_74] {strides = array<i32>} : memref<80x16xf32, #tpu.memory_space<vmem>>, vector<1x16xf32>,
        %swap3A_76 = vector.shape_cast %swap3A_75 : vector<1x16xf32> to vector<16xf32>
        %swap3A_77 = vector.shape_cast %mul3A_73 : vector<16xf32> to vector<1x16xf32>
        tpu.vector_store %arg12[%swap3A, %swap3A_74], %swap3A_77 {strides = array<i32>} : memref<80x16xf32, #tpu.memory_space<vmem>>, vector<1x16xf32>,
        %scan3A_78 = arith.constant 0 : i32
        scf.yield %scan3A_78 : i32
      }
      %scan3A_57 = arith.constant 80 : i32
      "tpu.region"() ({
        %run_scoped3A = tpu.sem_alloc : memref<!tpu.dma_semaphore, #tpu.memory_space<semaphore_mem>>
        %dma_start3A_59 = arith.constant 0 : i32
        %dma_start3A_60 = arith.constant 0 : i32
        %dma_start3A_61 = tpu.memref_slice %arg7[%dma_start3A_59, %dma_start3A_60] : memref<10000x16xf32, #tpu.memory_space<vmem_shared>> -> memref<10000x16xf32, #tpu.memory_space<vmem_shared>>
        tpu.enqueue_indirect_dma source(%arg12 : memref<80x16xf32, #tpu.memory_space<vmem>>) target(%dma_start3A_61 : memref<10000x16xf32, #tpu.memory_space<vmem_shared>>) offsets(%arg9 : memref<80xi32, #tpu.memory_space<vmem>>) semaphore(%run_scoped3A : memref<!tpu.dma_semaphore, #tpu.memory_space<semaphore_mem>>) {add = true}
        %dma_wait3A_62 = arith.constant 0 : i32
        %dma_wait3A_63 = arith.constant 0 : i32
        %dma_wait3A_64 = tpu.memref_slice %arg7[%dma_wait3A_62, %dma_wait3A_63] : memref<10000x16xf32, #tpu.memory_space<vmem_shared>> -> memref<10000x16xf32, #tpu.memory_space<vmem_shared>>
        tpu.wait_indirect_dma semaphore(%run_scoped3A : memref<!tpu.dma_semaphore, #tpu.memory_space<semaphore_mem>>) src(%arg12 : memref<80x16xf32, #tpu.memory_space<vmem>>) dst(%dma_wait3A_64 : memref<10000x16xf32, #tpu.memory_space<vmem_shared>>)
        tpu.yield
      }) : () -> ()
      %scan3A_58 = arith.constant 0 : i32
      scf.yield %scan3A_58 : i32
    }
    %scan3A_22 = arith.constant 125 : i32
    %barrier3A_23 = arith.constant 0 : index
    tpu.barrier barrier_id(%barrier3A_23)
    %lt3A_24 = arith.constant 15 : i32
    %lt3A_25 = arith.cmpi slt, %arg1, %lt3A_24 : i32
    %convert_element_type3A_26 = arith.extui %lt3A_25 : i1 to i32
    %cond3A_27 = arith.constant 0 : i32
    %cond3A_28 = arith.cmpi ne, %convert_element_type3A_26, %cond3A_27 : i32
    scf.if %cond3A_28 {
      "tpu.region"() ({
        %run_scoped3A = tpu.sem_alloc : memref<!tpu.dma_semaphore, #tpu.memory_space<semaphore_mem>>
        %dma_start3A = arith.constant 0 : i32
        %dma_start3A_34 = tpu.memref_slice %arg6[%arg0, %mul3A_9, %dma_start3A] : memref<2x10000x16xf32, #tpu.memory_space<hbm>> -> memref<1x632x16xf32, #tpu.memory_space<hbm>>
        %dma_start3A_35 = tpu.memref_squeeze %dma_start3A_34 : memref<1x632x16xf32, #tpu.memory_space<hbm>> -> memref<632x16xf32, #tpu.memory_space<hbm>>
        %dma_start3A_36 = arith.constant 0 : i32
        %dma_start3A_37 = tpu.memref_slice %arg7[%mul3A_9, %dma_start3A_36] : memref<10000x16xf32, #tpu.memory_space<vmem_shared>> -> memref<632x16xf32, #tpu.memory_space<vmem_shared>>
        tpu.enqueue_dma source(%dma_start3A_37 : memref<632x16xf32, #tpu.memory_space<vmem_shared>>) target(%dma_start3A_35 : memref<632x16xf32, #tpu.memory_space<hbm>>) target_semaphore(%run_scoped3A : memref<!tpu.dma_semaphore, #tpu.memory_space<semaphore_mem>>)
        %dma_wait3A = arith.constant 0 : i32
        %dma_wait3A_38 = tpu.memref_slice %arg6[%arg0, %mul3A_9, %dma_wait3A] : memref<2x10000x16xf32, #tpu.memory_space<hbm>> -> memref<1x632x16xf32, #tpu.memory_space<hbm>>
        %dma_wait3A_39 = tpu.memref_squeeze %dma_wait3A_38 : memref<1x632x16xf32, #tpu.memory_space<hbm>> -> memref<632x16xf32, #tpu.memory_space<hbm>>
        %dma_wait3A_40 = arith.constant 0 : i32
        %dma_wait3A_41 = tpu.memref_slice %arg7[%mul3A_9, %dma_wait3A_40] : memref<10000x16xf32, #tpu.memory_space<vmem_shared>> -> memref<632x16xf32, #tpu.memory_space<vmem_shared>>
        tpu.wait_dma2 semaphore(%run_scoped3A : memref<!tpu.dma_semaphore, #tpu.memory_space<semaphore_mem>>) src(%dma_wait3A_41 : memref<632x16xf32, #tpu.memory_space<vmem_shared>>) dst(%dma_wait3A_39 : memref<632x16xf32, #tpu.memory_space<hbm>>)
        tpu.yield
      }) : () -> ()
    } else {
    }
    %eq3A_29 = arith.constant 15 : i32
    %eq3A_30 = arith.cmpi eq, %arg1, %eq3A_29 : i32
    %convert_element_type3A_31 = arith.extui %eq3A_30 : i1 to i32
    %cond3A_32 = arith.constant 0 : i32
    %cond3A_33 = arith.cmpi ne, %convert_element_type3A_31, %cond3A_32 : i32
    scf.if %cond3A_33 {
      "tpu.region"() ({
        %run_scoped3A = tpu.sem_alloc : memref<!tpu.dma_semaphore, #tpu.memory_space<semaphore_mem>>
        %dma_start3A = arith.constant 0 : i32
        %dma_start3A_34 = tpu.memref_slice %arg6[%arg0, %mul3A_9, %dma_start3A] : memref<2x10000x16xf32, #tpu.memory_space<hbm>> -> memref<1x520x16xf32, #tpu.memory_space<hbm>>
        %dma_start3A_35 = tpu.memref_squeeze %dma_start3A_34 : memref<1x520x16xf32, #tpu.memory_space<hbm>> -> memref<520x16xf32, #tpu.memory_space<hbm>>
        %dma_start3A_36 = arith.constant 0 : i32
        %dma_start3A_37 = tpu.memref_slice %arg7[%mul3A_9, %dma_start3A_36] : memref<10000x16xf32, #tpu.memory_space<vmem_shared>> -> memref<520x16xf32, #tpu.memory_space<vmem_shared>>
        tpu.enqueue_dma source(%dma_start3A_37 : memref<520x16xf32, #tpu.memory_space<vmem_shared>>) target(%dma_start3A_35 : memref<520x16xf32, #tpu.memory_space<hbm>>) target_semaphore(%run_scoped3A : memref<!tpu.dma_semaphore, #tpu.memory_space<semaphore_mem>>)
        %dma_wait3A = arith.constant 0 : i32
        %dma_wait3A_38 = tpu.memref_slice %arg6[%arg0, %mul3A_9, %dma_wait3A] : memref<2x10000x16xf32, #tpu.memory_space<hbm>> -> memref<1x520x16xf32, #tpu.memory_space<hbm>>
        %dma_wait3A_39 = tpu.memref_squeeze %dma_wait3A_38 : memref<1x520x16xf32, #tpu.memory_space<hbm>> -> memref<520x16xf32, #tpu.memory_space<hbm>>
        %dma_wait3A_40 = arith.constant 0 : i32
        %dma_wait3A_41 = tpu.memref_slice %arg7[%mul3A_9, %dma_wait3A_40] : memref<10000x16xf32, #tpu.memory_space<vmem_shared>> -> memref<520x16xf32, #tpu.memory_space<vmem_shared>>
        tpu.wait_dma2 semaphore(%run_scoped3A : memref<!tpu.dma_semaphore, #tpu.memory_space<semaphore_mem>>) src(%dma_wait3A_41 : memref<520x16xf32, #tpu.memory_space<vmem_shared>>) dst(%dma_wait3A_39 : memref<520x16xf32, #tpu.memory_space<hbm>>)
        tpu.yield
      }) : () -> ()
    } else {
    }
    return
  }
}

#map = affine_map<(d0, d1) -> (0, 0)>
#map1 = affine_map<(d0, d1) -> (0)>
#map2 = affine_map<(d0, d1) -> (0, 0, 0)>
module attributes {stable_mosaic.version = 14 : i64} {
  func.func @_l1_edge_body(%arg0: i32, %arg1: i32, %arg2: memref<10000x128xf32, #tpu.memory_space<hbm>>, %arg3: memref<10000x256xf32, #tpu.memory_space<hbm>>, %arg4: memref<320000xi32, #tpu.memory_space<hbm>>, %arg5: memref<320000xi32, #tpu.memory_space<hbm>>, %arg6: memref<2x10000x144xf32, #tpu.memory_space<hbm>>, %arg7: memref<10000x144xf32, #tpu.memory_space<vmem_shared>>, %arg8: memref<72xi32, #tpu.memory_space<vmem>>, %arg9: memref<72xi32, #tpu.memory_space<vmem>>, %arg10: memref<64xi32, #tpu.memory_space<vmem>>, %arg11: memref<64xi32, #tpu.memory_space<vmem>>, %arg12: memref<72x128xf32, #tpu.memory_space<vmem>>, %arg13: memref<72x256xf32, #tpu.memory_space<vmem>>, %arg14: memref<72x144xf32, #tpu.memory_space<vmem>>, %arg15: memref<!tpu.dma_semaphore, #tpu.memory_space<semaphore_mem>>, %arg16: memref<!tpu.dma_semaphore, #tpu.memory_space<semaphore_mem>>) attributes {dimension_semantics = [#tpu.dimension_semantics<core_parallel>, #tpu.dimension_semantics<subcore_parallel>], iteration_bounds = array<i64: 2, 16>, scalar_prefetch = 0 : i64, scratch_operands = 10 : i64, tpu.core_type = #tpu.core_type<sc_vector_subcore>, window_params = [{transform_indices = #map}, {transform_indices = #map}, {transform_indices = #map1}, {transform_indices = #map1}, {transform_indices = #map2}]} {
    %mul3A = arith.constant 16 : i32
    %mul3A_0 = arith.muli %arg0, %mul3A : i32
    %add3A = arith.addi %mul3A_0, %arg1 : i32
    %broadcast_in_dim3A = arith.constant 0.000000e+00 : f32
    %broadcast_in_dim3A_1 = vector.broadcast %broadcast_in_dim3A : f32 to vector<16xf32>
    %iota3A = tpu.iota {dimensions = array<i32: 0>} : vector<16xi32>
    %xor3A = arith.constant 8 : i32
    %xor3A_2 = vector.broadcast %xor3A : i32 to vector<16xi32>
    %xor3A_3 = arith.xori %iota3A, %xor3A_2 : vector<16xi32>
    %xor3A_4 = arith.constant 4 : i32
    %xor3A_5 = vector.broadcast %xor3A_4 : i32 to vector<16xi32>
    %xor3A_6 = arith.xori %iota3A, %xor3A_5 : vector<16xi32>
    %xor3A_7 = arith.constant 2 : i32
    %xor3A_8 = vector.broadcast %xor3A_7 : i32 to vector<16xi32>
    %xor3A_9 = arith.xori %iota3A, %xor3A_8 : vector<16xi32>
    %xor3A_10 = arith.constant 1 : i32
    %xor3A_11 = vector.broadcast %xor3A_10 : i32 to vector<16xi32>
    %xor3A_12 = arith.xori %iota3A, %xor3A_11 : vector<16xi32>
    %scan3A = arith.constant 0 : i32
    %scan3A_13 = arith.constant 0 : i32
    %scan3A_14 = arith.constant 72 : i32
    %scan3A_15 = arith.addi %scan3A_13, %scan3A_14 : i32
    %scan3A_16 = arith.constant 1 : i32
    %scan3A_17 = scf.for %scan3A_78 = %scan3A_13 to %scan3A_15 step %scan3A_16 iter_args(%scan3A_79 = %scan3A) -> (i32)  : i32 {
      %swap3A = arith.index_cast %scan3A_78 : i32 to index
      %swap3A_80 = arith.constant 0 : index
      %swap3A_81 = tpu.vector_load %arg14[%swap3A, %swap3A_80] {strides = array<i32>} : memref<72x144xf32, #tpu.memory_space<vmem>>, vector<1x16xf32>,
      %swap3A_82 = vector.shape_cast %swap3A_81 : vector<1x16xf32> to vector<16xf32>
      %swap3A_83 = vector.shape_cast %broadcast_in_dim3A_1 : vector<16xf32> to vector<1x16xf32>
      tpu.vector_store %arg14[%swap3A, %swap3A_80], %swap3A_83 {strides = array<i32>} : memref<72x144xf32, #tpu.memory_space<vmem>>, vector<1x16xf32>,
      %swap3A_84 = arith.index_cast %scan3A_78 : i32 to index
      %swap3A_85 = arith.constant 16 : index
      %swap3A_86 = tpu.vector_load %arg14[%swap3A_84, %swap3A_85] {strides = array<i32>} : memref<72x144xf32, #tpu.memory_space<vmem>>, vector<1x16xf32>,
      %swap3A_87 = vector.shape_cast %swap3A_86 : vector<1x16xf32> to vector<16xf32>
      %swap3A_88 = vector.shape_cast %broadcast_in_dim3A_1 : vector<16xf32> to vector<1x16xf32>
      tpu.vector_store %arg14[%swap3A_84, %swap3A_85], %swap3A_88 {strides = array<i32>} : memref<72x144xf32, #tpu.memory_space<vmem>>, vector<1x16xf32>,
      %swap3A_89 = arith.index_cast %scan3A_78 : i32 to index
      %swap3A_90 = arith.constant 32 : index
      %swap3A_91 = tpu.vector_load %arg14[%swap3A_89, %swap3A_90] {strides = array<i32>} : memref<72x144xf32, #tpu.memory_space<vmem>>, vector<1x16xf32>,
      %swap3A_92 = vector.shape_cast %swap3A_91 : vector<1x16xf32> to vector<16xf32>
      %swap3A_93 = vector.shape_cast %broadcast_in_dim3A_1 : vector<16xf32> to vector<1x16xf32>
      tpu.vector_store %arg14[%swap3A_89, %swap3A_90], %swap3A_93 {strides = array<i32>} : memref<72x144xf32, #tpu.memory_space<vmem>>, vector<1x16xf32>,
      %swap3A_94 = arith.index_cast %scan3A_78 : i32 to index
      %swap3A_95 = arith.constant 48 : index
      %swap3A_96 = tpu.vector_load %arg14[%swap3A_94, %swap3A_95] {strides = array<i32>} : memref<72x144xf32, #tpu.memory_space<vmem>>, vector<1x16xf32>,
      %swap3A_97 = vector.shape_cast %swap3A_96 : vector<1x16xf32> to vector<16xf32>
      %swap3A_98 = vector.shape_cast %broadcast_in_dim3A_1 : vector<16xf32> to vector<1x16xf32>
      tpu.vector_store %arg14[%swap3A_94, %swap3A_95], %swap3A_98 {strides = array<i32>} : memref<72x144xf32, #tpu.memory_space<vmem>>, vector<1x16xf32>,
      %swap3A_99 = arith.index_cast %scan3A_78 : i32 to index
      %swap3A_100 = arith.constant 64 : index
      %swap3A_101 = tpu.vector_load %arg14[%swap3A_99, %swap3A_100] {strides = array<i32>} : memref<72x144xf32, #tpu.memory_space<vmem>>, vector<1x16xf32>,
      %swap3A_102 = vector.shape_cast %swap3A_101 : vector<1x16xf32> to vector<16xf32>
      %swap3A_103 = vector.shape_cast %broadcast_in_dim3A_1 : vector<16xf32> to vector<1x16xf32>
      tpu.vector_store %arg14[%swap3A_99, %swap3A_100], %swap3A_103 {strides = array<i32>} : memref<72x144xf32, #tpu.memory_space<vmem>>, vector<1x16xf32>,
      %swap3A_104 = arith.index_cast %scan3A_78 : i32 to index
      %swap3A_105 = arith.constant 80 : index
      %swap3A_106 = tpu.vector_load %arg14[%swap3A_104, %swap3A_105] {strides = array<i32>} : memref<72x144xf32, #tpu.memory_space<vmem>>, vector<1x16xf32>,
      %swap3A_107 = vector.shape_cast %swap3A_106 : vector<1x16xf32> to vector<16xf32>
      %swap3A_108 = vector.shape_cast %broadcast_in_dim3A_1 : vector<16xf32> to vector<1x16xf32>
      tpu.vector_store %arg14[%swap3A_104, %swap3A_105], %swap3A_108 {strides = array<i32>} : memref<72x144xf32, #tpu.memory_space<vmem>>, vector<1x16xf32>,
      %swap3A_109 = arith.index_cast %scan3A_78 : i32 to index
      %swap3A_110 = arith.constant 96 : index
      %swap3A_111 = tpu.vector_load %arg14[%swap3A_109, %swap3A_110] {strides = array<i32>} : memref<72x144xf32, #tpu.memory_space<vmem>>, vector<1x16xf32>,
      %swap3A_112 = vector.shape_cast %swap3A_111 : vector<1x16xf32> to vector<16xf32>
      %swap3A_113 = vector.shape_cast %broadcast_in_dim3A_1 : vector<16xf32> to vector<1x16xf32>
      tpu.vector_store %arg14[%swap3A_109, %swap3A_110], %swap3A_113 {strides = array<i32>} : memref<72x144xf32, #tpu.memory_space<vmem>>, vector<1x16xf32>,
      %swap3A_114 = arith.index_cast %scan3A_78 : i32 to index
      %swap3A_115 = arith.constant 112 : index
      %swap3A_116 = tpu.vector_load %arg14[%swap3A_114, %swap3A_115] {strides = array<i32>} : memref<72x144xf32, #tpu.memory_space<vmem>>, vector<1x16xf32>,
      %swap3A_117 = vector.shape_cast %swap3A_116 : vector<1x16xf32> to vector<16xf32>
      %swap3A_118 = vector.shape_cast %broadcast_in_dim3A_1 : vector<16xf32> to vector<1x16xf32>
      tpu.vector_store %arg14[%swap3A_114, %swap3A_115], %swap3A_118 {strides = array<i32>} : memref<72x144xf32, #tpu.memory_space<vmem>>, vector<1x16xf32>,
      %swap3A_119 = arith.index_cast %scan3A_78 : i32 to index
      %swap3A_120 = arith.constant 128 : index
      %swap3A_121 = tpu.vector_load %arg14[%swap3A_119, %swap3A_120] {strides = array<i32>} : memref<72x144xf32, #tpu.memory_space<vmem>>, vector<1x16xf32>,
      %swap3A_122 = vector.shape_cast %swap3A_121 : vector<1x16xf32> to vector<16xf32>
      %swap3A_123 = vector.shape_cast %broadcast_in_dim3A_1 : vector<16xf32> to vector<1x16xf32>
      tpu.vector_store %arg14[%swap3A_119, %swap3A_120], %swap3A_123 {strides = array<i32>} : memref<72x144xf32, #tpu.memory_space<vmem>>, vector<1x16xf32>,
      %scan3A_124 = arith.constant 0 : i32
      scf.yield %scan3A_124 : i32
    }
    %scan3A_18 = arith.constant 72 : i32
    %mul3A_19 = arith.constant 632 : i32
    %mul3A_20 = arith.muli %arg1, %mul3A_19 : i32
    %lt3A = arith.constant 15 : i32
    %lt3A_21 = arith.cmpi slt, %arg1, %lt3A : i32
    %convert_element_type3A = arith.extui %lt3A_21 : i1 to i32
    %cond3A = arith.constant 0 : i32
    %cond3A_22 = arith.cmpi ne, %convert_element_type3A, %cond3A : i32
    scf.if %cond3A_22 {
      %add3A_78 = arith.constant 0 : i32
      %add3A_79 = arith.addi %mul3A_20, %add3A_78 : i32
      "tpu.region"() ({
        %run_scoped3A = tpu.sem_alloc : memref<!tpu.dma_semaphore, #tpu.memory_space<semaphore_mem>>
        %dma_start3A_96 = arith.constant 0 : i32
        %dma_start3A_97 = tpu.memref_slice %arg7[%add3A_79, %dma_start3A_96] : memref<10000x144xf32, #tpu.memory_space<vmem_shared>> -> memref<72x144xf32, #tpu.memory_space<vmem_shared>>
        %dma_start3A_98 = arith.constant 0 : i32
        %dma_start3A_99 = tpu.memref_slice %arg7[%add3A_79, %dma_start3A_98] : memref<10000x144xf32, #tpu.memory_space<vmem_shared>> -> memref<72x144xf32, #tpu.memory_space<vmem_shared>>
        tpu.enqueue_dma source(%arg14 : memref<72x144xf32, #tpu.memory_space<vmem>>) target(%dma_start3A_99 : memref<72x144xf32, #tpu.memory_space<vmem_shared>>) target_semaphore(%run_scoped3A : memref<!tpu.dma_semaphore, #tpu.memory_space<semaphore_mem>>)
        %dma_wait3A_100 = arith.constant 0 : i32
        %dma_wait3A_101 = tpu.memref_slice %arg7[%add3A_79, %dma_wait3A_100] : memref<10000x144xf32, #tpu.memory_space<vmem_shared>> -> memref<72x144xf32, #tpu.memory_space<vmem_shared>>
        %dma_wait3A_102 = arith.constant 0 : i32
        %dma_wait3A_103 = tpu.memref_slice %arg7[%add3A_79, %dma_wait3A_102] : memref<10000x144xf32, #tpu.memory_space<vmem_shared>> -> memref<72x144xf32, #tpu.memory_space<vmem_shared>>
        tpu.wait_dma2 semaphore(%run_scoped3A : memref<!tpu.dma_semaphore, #tpu.memory_space<semaphore_mem>>) src(%arg14 : memref<72x144xf32, #tpu.memory_space<vmem>>) dst(%dma_wait3A_103 : memref<72x144xf32, #tpu.memory_space<vmem_shared>>)
        tpu.yield
      }) : () -> ()
      %add3A_80 = arith.constant 72 : i32
      %add3A_81 = arith.addi %mul3A_20, %add3A_80 : i32
      "tpu.region"() ({
        %run_scoped3A = tpu.sem_alloc : memref<!tpu.dma_semaphore, #tpu.memory_space<semaphore_mem>>
        %dma_start3A_96 = arith.constant 0 : i32
        %dma_start3A_97 = tpu.memref_slice %arg7[%add3A_81, %dma_start3A_96] : memref<10000x144xf32, #tpu.memory_space<vmem_shared>> -> memref<72x144xf32, #tpu.memory_space<vmem_shared>>
        %dma_start3A_98 = arith.constant 0 : i32
        %dma_start3A_99 = tpu.memref_slice %arg7[%add3A_81, %dma_start3A_98] : memref<10000x144xf32, #tpu.memory_space<vmem_shared>> -> memref<72x144xf32, #tpu.memory_space<vmem_shared>>
        tpu.enqueue_dma source(%arg14 : memref<72x144xf32, #tpu.memory_space<vmem>>) target(%dma_start3A_99 : memref<72x144xf32, #tpu.memory_space<vmem_shared>>) target_semaphore(%run_scoped3A : memref<!tpu.dma_semaphore, #tpu.memory_space<semaphore_mem>>)
        %dma_wait3A_100 = arith.constant 0 : i32
        %dma_wait3A_101 = tpu.memref_slice %arg7[%add3A_81, %dma_wait3A_100] : memref<10000x144xf32, #tpu.memory_space<vmem_shared>> -> memref<72x144xf32, #tpu.memory_space<vmem_shared>>
        %dma_wait3A_102 = arith.constant 0 : i32
        %dma_wait3A_103 = tpu.memref_slice %arg7[%add3A_81, %dma_wait3A_102] : memref<10000x144xf32, #tpu.memory_space<vmem_shared>> -> memref<72x144xf32, #tpu.memory_space<vmem_shared>>
        tpu.wait_dma2 semaphore(%run_scoped3A : memref<!tpu.dma_semaphore, #tpu.memory_space<semaphore_mem>>) src(%arg14 : memref<72x144xf32, #tpu.memory_space<vmem>>) dst(%dma_wait3A_103 : memref<72x144xf32, #tpu.memory_space<vmem_shared>>)
        tpu.yield
      }) : () -> ()
      %add3A_82 = arith.constant 144 : i32
      %add3A_83 = arith.addi %mul3A_20, %add3A_82 : i32
      "tpu.region"() ({
        %run_scoped3A = tpu.sem_alloc : memref<!tpu.dma_semaphore, #tpu.memory_space<semaphore_mem>>
        %dma_start3A_96 = arith.constant 0 : i32
        %dma_start3A_97 = tpu.memref_slice %arg7[%add3A_83, %dma_start3A_96] : memref<10000x144xf32, #tpu.memory_space<vmem_shared>> -> memref<72x144xf32, #tpu.memory_space<vmem_shared>>
        %dma_start3A_98 = arith.constant 0 : i32
        %dma_start3A_99 = tpu.memref_slice %arg7[%add3A_83, %dma_start3A_98] : memref<10000x144xf32, #tpu.memory_space<vmem_shared>> -> memref<72x144xf32, #tpu.memory_space<vmem_shared>>
        tpu.enqueue_dma source(%arg14 : memref<72x144xf32, #tpu.memory_space<vmem>>) target(%dma_start3A_99 : memref<72x144xf32, #tpu.memory_space<vmem_shared>>) target_semaphore(%run_scoped3A : memref<!tpu.dma_semaphore, #tpu.memory_space<semaphore_mem>>)
        %dma_wait3A_100 = arith.constant 0 : i32
        %dma_wait3A_101 = tpu.memref_slice %arg7[%add3A_83, %dma_wait3A_100] : memref<10000x144xf32, #tpu.memory_space<vmem_shared>> -> memref<72x144xf32, #tpu.memory_space<vmem_shared>>
        %dma_wait3A_102 = arith.constant 0 : i32
        %dma_wait3A_103 = tpu.memref_slice %arg7[%add3A_83, %dma_wait3A_102] : memref<10000x144xf32, #tpu.memory_space<vmem_shared>> -> memref<72x144xf32, #tpu.memory_space<vmem_shared>>
        tpu.wait_dma2 semaphore(%run_scoped3A : memref<!tpu.dma_semaphore, #tpu.memory_space<semaphore_mem>>) src(%arg14 : memref<72x144xf32, #tpu.memory_space<vmem>>) dst(%dma_wait3A_103 : memref<72x144xf32, #tpu.memory_space<vmem_shared>>)
        tpu.yield
      }) : () -> ()
      %add3A_84 = arith.constant 216 : i32
      %add3A_85 = arith.addi %mul3A_20, %add3A_84 : i32
      "tpu.region"() ({
        %run_scoped3A = tpu.sem_alloc : memref<!tpu.dma_semaphore, #tpu.memory_space<semaphore_mem>>
        %dma_start3A_96 = arith.constant 0 : i32
        %dma_start3A_97 = tpu.memref_slice %arg7[%add3A_85, %dma_start3A_96] : memref<10000x144xf32, #tpu.memory_space<vmem_shared>> -> memref<72x144xf32, #tpu.memory_space<vmem_shared>>
        %dma_start3A_98 = arith.constant 0 : i32
        %dma_start3A_99 = tpu.memref_slice %arg7[%add3A_85, %dma_start3A_98] : memref<10000x144xf32, #tpu.memory_space<vmem_shared>> -> memref<72x144xf32, #tpu.memory_space<vmem_shared>>
        tpu.enqueue_dma source(%arg14 : memref<72x144xf32, #tpu.memory_space<vmem>>) target(%dma_start3A_99 : memref<72x144xf32, #tpu.memory_space<vmem_shared>>) target_semaphore(%run_scoped3A : memref<!tpu.dma_semaphore, #tpu.memory_space<semaphore_mem>>)
        %dma_wait3A_100 = arith.constant 0 : i32
        %dma_wait3A_101 = tpu.memref_slice %arg7[%add3A_85, %dma_wait3A_100] : memref<10000x144xf32, #tpu.memory_space<vmem_shared>> -> memref<72x144xf32, #tpu.memory_space<vmem_shared>>
        %dma_wait3A_102 = arith.constant 0 : i32
        %dma_wait3A_103 = tpu.memref_slice %arg7[%add3A_85, %dma_wait3A_102] : memref<10000x144xf32, #tpu.memory_space<vmem_shared>> -> memref<72x144xf32, #tpu.memory_space<vmem_shared>>
        tpu.wait_dma2 semaphore(%run_scoped3A : memref<!tpu.dma_semaphore, #tpu.memory_space<semaphore_mem>>) src(%arg14 : memref<72x144xf32, #tpu.memory_space<vmem>>) dst(%dma_wait3A_103 : memref<72x144xf32, #tpu.memory_space<vmem_shared>>)
        tpu.yield
      }) : () -> ()
      %add3A_86 = arith.constant 288 : i32
      %add3A_87 = arith.addi %mul3A_20, %add3A_86 : i32
      "tpu.region"() ({
        %run_scoped3A = tpu.sem_alloc : memref<!tpu.dma_semaphore, #tpu.memory_space<semaphore_mem>>
        %dma_start3A_96 = arith.constant 0 : i32
        %dma_start3A_97 = tpu.memref_slice %arg7[%add3A_87, %dma_start3A_96] : memref<10000x144xf32, #tpu.memory_space<vmem_shared>> -> memref<72x144xf32, #tpu.memory_space<vmem_shared>>
        %dma_start3A_98 = arith.constant 0 : i32
        %dma_start3A_99 = tpu.memref_slice %arg7[%add3A_87, %dma_start3A_98] : memref<10000x144xf32, #tpu.memory_space<vmem_shared>> -> memref<72x144xf32, #tpu.memory_space<vmem_shared>>
        tpu.enqueue_dma source(%arg14 : memref<72x144xf32, #tpu.memory_space<vmem>>) target(%dma_start3A_99 : memref<72x144xf32, #tpu.memory_space<vmem_shared>>) target_semaphore(%run_scoped3A : memref<!tpu.dma_semaphore, #tpu.memory_space<semaphore_mem>>)
        %dma_wait3A_100 = arith.constant 0 : i32
        %dma_wait3A_101 = tpu.memref_slice %arg7[%add3A_87, %dma_wait3A_100] : memref<10000x144xf32, #tpu.memory_space<vmem_shared>> -> memref<72x144xf32, #tpu.memory_space<vmem_shared>>
        %dma_wait3A_102 = arith.constant 0 : i32
        %dma_wait3A_103 = tpu.memref_slice %arg7[%add3A_87, %dma_wait3A_102] : memref<10000x144xf32, #tpu.memory_space<vmem_shared>> -> memref<72x144xf32, #tpu.memory_space<vmem_shared>>
        tpu.wait_dma2 semaphore(%run_scoped3A : memref<!tpu.dma_semaphore, #tpu.memory_space<semaphore_mem>>) src(%arg14 : memref<72x144xf32, #tpu.memory_space<vmem>>) dst(%dma_wait3A_103 : memref<72x144xf32, #tpu.memory_space<vmem_shared>>)
        tpu.yield
      }) : () -> ()
      %add3A_88 = arith.constant 360 : i32
      %add3A_89 = arith.addi %mul3A_20, %add3A_88 : i32
      "tpu.region"() ({
        %run_scoped3A = tpu.sem_alloc : memref<!tpu.dma_semaphore, #tpu.memory_space<semaphore_mem>>
        %dma_start3A_96 = arith.constant 0 : i32
        %dma_start3A_97 = tpu.memref_slice %arg7[%add3A_89, %dma_start3A_96] : memref<10000x144xf32, #tpu.memory_space<vmem_shared>> -> memref<72x144xf32, #tpu.memory_space<vmem_shared>>
        %dma_start3A_98 = arith.constant 0 : i32
        %dma_start3A_99 = tpu.memref_slice %arg7[%add3A_89, %dma_start3A_98] : memref<10000x144xf32, #tpu.memory_space<vmem_shared>> -> memref<72x144xf32, #tpu.memory_space<vmem_shared>>
        tpu.enqueue_dma source(%arg14 : memref<72x144xf32, #tpu.memory_space<vmem>>) target(%dma_start3A_99 : memref<72x144xf32, #tpu.memory_space<vmem_shared>>) target_semaphore(%run_scoped3A : memref<!tpu.dma_semaphore, #tpu.memory_space<semaphore_mem>>)
        %dma_wait3A_100 = arith.constant 0 : i32
        %dma_wait3A_101 = tpu.memref_slice %arg7[%add3A_89, %dma_wait3A_100] : memref<10000x144xf32, #tpu.memory_space<vmem_shared>> -> memref<72x144xf32, #tpu.memory_space<vmem_shared>>
        %dma_wait3A_102 = arith.constant 0 : i32
        %dma_wait3A_103 = tpu.memref_slice %arg7[%add3A_89, %dma_wait3A_102] : memref<10000x144xf32, #tpu.memory_space<vmem_shared>> -> memref<72x144xf32, #tpu.memory_space<vmem_shared>>
        tpu.wait_dma2 semaphore(%run_scoped3A : memref<!tpu.dma_semaphore, #tpu.memory_space<semaphore_mem>>) src(%arg14 : memref<72x144xf32, #tpu.memory_space<vmem>>) dst(%dma_wait3A_103 : memref<72x144xf32, #tpu.memory_space<vmem_shared>>)
        tpu.yield
      }) : () -> ()
      %add3A_90 = arith.constant 432 : i32
      %add3A_91 = arith.addi %mul3A_20, %add3A_90 : i32
      "tpu.region"() ({
        %run_scoped3A = tpu.sem_alloc : memref<!tpu.dma_semaphore, #tpu.memory_space<semaphore_mem>>
        %dma_start3A_96 = arith.constant 0 : i32
        %dma_start3A_97 = tpu.memref_slice %arg7[%add3A_91, %dma_start3A_96] : memref<10000x144xf32, #tpu.memory_space<vmem_shared>> -> memref<72x144xf32, #tpu.memory_space<vmem_shared>>
        %dma_start3A_98 = arith.constant 0 : i32
        %dma_start3A_99 = tpu.memref_slice %arg7[%add3A_91, %dma_start3A_98] : memref<10000x144xf32, #tpu.memory_space<vmem_shared>> -> memref<72x144xf32, #tpu.memory_space<vmem_shared>>
        tpu.enqueue_dma source(%arg14 : memref<72x144xf32, #tpu.memory_space<vmem>>) target(%dma_start3A_99 : memref<72x144xf32, #tpu.memory_space<vmem_shared>>) target_semaphore(%run_scoped3A : memref<!tpu.dma_semaphore, #tpu.memory_space<semaphore_mem>>)
        %dma_wait3A_100 = arith.constant 0 : i32
        %dma_wait3A_101 = tpu.memref_slice %arg7[%add3A_91, %dma_wait3A_100] : memref<10000x144xf32, #tpu.memory_space<vmem_shared>> -> memref<72x144xf32, #tpu.memory_space<vmem_shared>>
        %dma_wait3A_102 = arith.constant 0 : i32
        %dma_wait3A_103 = tpu.memref_slice %arg7[%add3A_91, %dma_wait3A_102] : memref<10000x144xf32, #tpu.memory_space<vmem_shared>> -> memref<72x144xf32, #tpu.memory_space<vmem_shared>>
        tpu.wait_dma2 semaphore(%run_scoped3A : memref<!tpu.dma_semaphore, #tpu.memory_space<semaphore_mem>>) src(%arg14 : memref<72x144xf32, #tpu.memory_space<vmem>>) dst(%dma_wait3A_103 : memref<72x144xf32, #tpu.memory_space<vmem_shared>>)
        tpu.yield
      }) : () -> ()
      %add3A_92 = arith.constant 504 : i32
      %add3A_93 = arith.addi %mul3A_20, %add3A_92 : i32
      "tpu.region"() ({
        %run_scoped3A = tpu.sem_alloc : memref<!tpu.dma_semaphore, #tpu.memory_space<semaphore_mem>>
        %dma_start3A_96 = arith.constant 0 : i32
        %dma_start3A_97 = tpu.memref_slice %arg7[%add3A_93, %dma_start3A_96] : memref<10000x144xf32, #tpu.memory_space<vmem_shared>> -> memref<72x144xf32, #tpu.memory_space<vmem_shared>>
        %dma_start3A_98 = arith.constant 0 : i32
        %dma_start3A_99 = tpu.memref_slice %arg7[%add3A_93, %dma_start3A_98] : memref<10000x144xf32, #tpu.memory_space<vmem_shared>> -> memref<72x144xf32, #tpu.memory_space<vmem_shared>>
        tpu.enqueue_dma source(%arg14 : memref<72x144xf32, #tpu.memory_space<vmem>>) target(%dma_start3A_99 : memref<72x144xf32, #tpu.memory_space<vmem_shared>>) target_semaphore(%run_scoped3A : memref<!tpu.dma_semaphore, #tpu.memory_space<semaphore_mem>>)
        %dma_wait3A_100 = arith.constant 0 : i32
        %dma_wait3A_101 = tpu.memref_slice %arg7[%add3A_93, %dma_wait3A_100] : memref<10000x144xf32, #tpu.memory_space<vmem_shared>> -> memref<72x144xf32, #tpu.memory_space<vmem_shared>>
        %dma_wait3A_102 = arith.constant 0 : i32
        %dma_wait3A_103 = tpu.memref_slice %arg7[%add3A_93, %dma_wait3A_102] : memref<10000x144xf32, #tpu.memory_space<vmem_shared>> -> memref<72x144xf32, #tpu.memory_space<vmem_shared>>
        tpu.wait_dma2 semaphore(%run_scoped3A : memref<!tpu.dma_semaphore, #tpu.memory_space<semaphore_mem>>) src(%arg14 : memref<72x144xf32, #tpu.memory_space<vmem>>) dst(%dma_wait3A_103 : memref<72x144xf32, #tpu.memory_space<vmem_shared>>)
        tpu.yield
      }) : () -> ()
      %add3A_94 = arith.constant 576 : i32
      %add3A_95 = arith.addi %mul3A_20, %add3A_94 : i32
      "tpu.region"() ({
        %run_scoped3A = tpu.sem_alloc : memref<!tpu.dma_semaphore, #tpu.memory_space<semaphore_mem>>
        %dma_start3A_96 = arith.constant 0 : i32
        %dma_start3A_97 = arith.constant 0 : i32
        %dma_start3A_98 = tpu.memref_slice %arg14[%dma_start3A_96, %dma_start3A_97] : memref<72x144xf32, #tpu.memory_space<vmem>> -> memref<56x144xf32, #tpu.memory_space<vmem>>
        %dma_start3A_99 = arith.constant 0 : i32
        %dma_start3A_100 = tpu.memref_slice %arg7[%add3A_95, %dma_start3A_99] : memref<10000x144xf32, #tpu.memory_space<vmem_shared>> -> memref<56x144xf32, #tpu.memory_space<vmem_shared>>
        %dma_start3A_101 = arith.constant 0 : i32
        %dma_start3A_102 = tpu.memref_slice %arg7[%add3A_95, %dma_start3A_101] : memref<10000x144xf32, #tpu.memory_space<vmem_shared>> -> memref<56x144xf32, #tpu.memory_space<vmem_shared>>
        %dma_start3A_103 = arith.constant 0 : i32
        %dma_start3A_104 = arith.constant 0 : i32
        %dma_start3A_105 = tpu.memref_slice %arg14[%dma_start3A_103, %dma_start3A_104] : memref<72x144xf32, #tpu.memory_space<vmem>> -> memref<56x144xf32, #tpu.memory_space<vmem>>
        tpu.enqueue_dma source(%dma_start3A_105 : memref<56x144xf32, #tpu.memory_space<vmem>>) target(%dma_start3A_102 : memref<56x144xf32, #tpu.memory_space<vmem_shared>>) target_semaphore(%run_scoped3A : memref<!tpu.dma_semaphore, #tpu.memory_space<semaphore_mem>>)
        %dma_wait3A_106 = arith.constant 0 : i32
        %dma_wait3A_107 = arith.constant 0 : i32
        %dma_wait3A_108 = tpu.memref_slice %arg14[%dma_wait3A_106, %dma_wait3A_107] : memref<72x144xf32, #tpu.memory_space<vmem>> -> memref<56x144xf32, #tpu.memory_space<vmem>>
        %dma_wait3A_109 = arith.constant 0 : i32
        %dma_wait3A_110 = tpu.memref_slice %arg7[%add3A_95, %dma_wait3A_109] : memref<10000x144xf32, #tpu.memory_space<vmem_shared>> -> memref<56x144xf32, #tpu.memory_space<vmem_shared>>
        %dma_wait3A_111 = arith.constant 0 : i32
        %dma_wait3A_112 = tpu.memref_slice %arg7[%add3A_95, %dma_wait3A_111] : memref<10000x144xf32, #tpu.memory_space<vmem_shared>> -> memref<56x144xf32, #tpu.memory_space<vmem_shared>>
        %dma_wait3A_113 = arith.constant 0 : i32
        %dma_wait3A_114 = arith.constant 0 : i32
        %dma_wait3A_115 = tpu.memref_slice %arg14[%dma_wait3A_113, %dma_wait3A_114] : memref<72x144xf32, #tpu.memory_space<vmem>> -> memref<56x144xf32, #tpu.memory_space<vmem>>
        tpu.wait_dma2 semaphore(%run_scoped3A : memref<!tpu.dma_semaphore, #tpu.memory_space<semaphore_mem>>) src(%dma_wait3A_115 : memref<56x144xf32, #tpu.memory_space<vmem>>) dst(%dma_wait3A_112 : memref<56x144xf32, #tpu.memory_space<vmem_shared>>)
        tpu.yield
      }) : () -> ()
    } else {
    }
    %eq3A = arith.constant 15 : i32
    %eq3A_23 = arith.cmpi eq, %arg1, %eq3A : i32
    %convert_element_type3A_24 = arith.extui %eq3A_23 : i1 to i32
    %cond3A_25 = arith.constant 0 : i32
    %cond3A_26 = arith.cmpi ne, %convert_element_type3A_24, %cond3A_25 : i32
    scf.if %cond3A_26 {
      %add3A_78 = arith.constant 0 : i32
      %add3A_79 = arith.addi %mul3A_20, %add3A_78 : i32
      "tpu.region"() ({
        %run_scoped3A = tpu.sem_alloc : memref<!tpu.dma_semaphore, #tpu.memory_space<semaphore_mem>>
        %dma_start3A_94 = arith.constant 0 : i32
        %dma_start3A_95 = tpu.memref_slice %arg7[%add3A_79, %dma_start3A_94] : memref<10000x144xf32, #tpu.memory_space<vmem_shared>> -> memref<72x144xf32, #tpu.memory_space<vmem_shared>>
        %dma_start3A_96 = arith.constant 0 : i32
        %dma_start3A_97 = tpu.memref_slice %arg7[%add3A_79, %dma_start3A_96] : memref<10000x144xf32, #tpu.memory_space<vmem_shared>> -> memref<72x144xf32, #tpu.memory_space<vmem_shared>>
        tpu.enqueue_dma source(%arg14 : memref<72x144xf32, #tpu.memory_space<vmem>>) target(%dma_start3A_97 : memref<72x144xf32, #tpu.memory_space<vmem_shared>>) target_semaphore(%run_scoped3A : memref<!tpu.dma_semaphore, #tpu.memory_space<semaphore_mem>>)
        %dma_wait3A_98 = arith.constant 0 : i32
        %dma_wait3A_99 = tpu.memref_slice %arg7[%add3A_79, %dma_wait3A_98] : memref<10000x144xf32, #tpu.memory_space<vmem_shared>> -> memref<72x144xf32, #tpu.memory_space<vmem_shared>>
        %dma_wait3A_100 = arith.constant 0 : i32
        %dma_wait3A_101 = tpu.memref_slice %arg7[%add3A_79, %dma_wait3A_100] : memref<10000x144xf32, #tpu.memory_space<vmem_shared>> -> memref<72x144xf32, #tpu.memory_space<vmem_shared>>
        tpu.wait_dma2 semaphore(%run_scoped3A : memref<!tpu.dma_semaphore, #tpu.memory_space<semaphore_mem>>) src(%arg14 : memref<72x144xf32, #tpu.memory_space<vmem>>) dst(%dma_wait3A_101 : memref<72x144xf32, #tpu.memory_space<vmem_shared>>)
        tpu.yield
      }) : () -> ()
      %add3A_80 = arith.constant 72 : i32
      %add3A_81 = arith.addi %mul3A_20, %add3A_80 : i32
      "tpu.region"() ({
        %run_scoped3A = tpu.sem_alloc : memref<!tpu.dma_semaphore, #tpu.memory_space<semaphore_mem>>
        %dma_start3A_94 = arith.constant 0 : i32
        %dma_start3A_95 = tpu.memref_slice %arg7[%add3A_81, %dma_start3A_94] : memref<10000x144xf32, #tpu.memory_space<vmem_shared>> -> memref<72x144xf32, #tpu.memory_space<vmem_shared>>
        %dma_start3A_96 = arith.constant 0 : i32
        %dma_start3A_97 = tpu.memref_slice %arg7[%add3A_81, %dma_start3A_96] : memref<10000x144xf32, #tpu.memory_space<vmem_shared>> -> memref<72x144xf32, #tpu.memory_space<vmem_shared>>
        tpu.enqueue_dma source(%arg14 : memref<72x144xf32, #tpu.memory_space<vmem>>) target(%dma_start3A_97 : memref<72x144xf32, #tpu.memory_space<vmem_shared>>) target_semaphore(%run_scoped3A : memref<!tpu.dma_semaphore, #tpu.memory_space<semaphore_mem>>)
        %dma_wait3A_98 = arith.constant 0 : i32
        %dma_wait3A_99 = tpu.memref_slice %arg7[%add3A_81, %dma_wait3A_98] : memref<10000x144xf32, #tpu.memory_space<vmem_shared>> -> memref<72x144xf32, #tpu.memory_space<vmem_shared>>
        %dma_wait3A_100 = arith.constant 0 : i32
        %dma_wait3A_101 = tpu.memref_slice %arg7[%add3A_81, %dma_wait3A_100] : memref<10000x144xf32, #tpu.memory_space<vmem_shared>> -> memref<72x144xf32, #tpu.memory_space<vmem_shared>>
        tpu.wait_dma2 semaphore(%run_scoped3A : memref<!tpu.dma_semaphore, #tpu.memory_space<semaphore_mem>>) src(%arg14 : memref<72x144xf32, #tpu.memory_space<vmem>>) dst(%dma_wait3A_101 : memref<72x144xf32, #tpu.memory_space<vmem_shared>>)
        tpu.yield
      }) : () -> ()
      %add3A_82 = arith.constant 144 : i32
      %add3A_83 = arith.addi %mul3A_20, %add3A_82 : i32
      "tpu.region"() ({
        %run_scoped3A = tpu.sem_alloc : memref<!tpu.dma_semaphore, #tpu.memory_space<semaphore_mem>>
        %dma_start3A_94 = arith.constant 0 : i32
        %dma_start3A_95 = tpu.memref_slice %arg7[%add3A_83, %dma_start3A_94] : memref<10000x144xf32, #tpu.memory_space<vmem_shared>> -> memref<72x144xf32, #tpu.memory_space<vmem_shared>>
        %dma_start3A_96 = arith.constant 0 : i32
        %dma_start3A_97 = tpu.memref_slice %arg7[%add3A_83, %dma_start3A_96] : memref<10000x144xf32, #tpu.memory_space<vmem_shared>> -> memref<72x144xf32, #tpu.memory_space<vmem_shared>>
        tpu.enqueue_dma source(%arg14 : memref<72x144xf32, #tpu.memory_space<vmem>>) target(%dma_start3A_97 : memref<72x144xf32, #tpu.memory_space<vmem_shared>>) target_semaphore(%run_scoped3A : memref<!tpu.dma_semaphore, #tpu.memory_space<semaphore_mem>>)
        %dma_wait3A_98 = arith.constant 0 : i32
        %dma_wait3A_99 = tpu.memref_slice %arg7[%add3A_83, %dma_wait3A_98] : memref<10000x144xf32, #tpu.memory_space<vmem_shared>> -> memref<72x144xf32, #tpu.memory_space<vmem_shared>>
        %dma_wait3A_100 = arith.constant 0 : i32
        %dma_wait3A_101 = tpu.memref_slice %arg7[%add3A_83, %dma_wait3A_100] : memref<10000x144xf32, #tpu.memory_space<vmem_shared>> -> memref<72x144xf32, #tpu.memory_space<vmem_shared>>
        tpu.wait_dma2 semaphore(%run_scoped3A : memref<!tpu.dma_semaphore, #tpu.memory_space<semaphore_mem>>) src(%arg14 : memref<72x144xf32, #tpu.memory_space<vmem>>) dst(%dma_wait3A_101 : memref<72x144xf32, #tpu.memory_space<vmem_shared>>)
        tpu.yield
      }) : () -> ()
      %add3A_84 = arith.constant 216 : i32
      %add3A_85 = arith.addi %mul3A_20, %add3A_84 : i32
      "tpu.region"() ({
        %run_scoped3A = tpu.sem_alloc : memref<!tpu.dma_semaphore, #tpu.memory_space<semaphore_mem>>
        %dma_start3A_94 = arith.constant 0 : i32
        %dma_start3A_95 = tpu.memref_slice %arg7[%add3A_85, %dma_start3A_94] : memref<10000x144xf32, #tpu.memory_space<vmem_shared>> -> memref<72x144xf32, #tpu.memory_space<vmem_shared>>
        %dma_start3A_96 = arith.constant 0 : i32
        %dma_start3A_97 = tpu.memref_slice %arg7[%add3A_85, %dma_start3A_96] : memref<10000x144xf32, #tpu.memory_space<vmem_shared>> -> memref<72x144xf32, #tpu.memory_space<vmem_shared>>
        tpu.enqueue_dma source(%arg14 : memref<72x144xf32, #tpu.memory_space<vmem>>) target(%dma_start3A_97 : memref<72x144xf32, #tpu.memory_space<vmem_shared>>) target_semaphore(%run_scoped3A : memref<!tpu.dma_semaphore, #tpu.memory_space<semaphore_mem>>)
        %dma_wait3A_98 = arith.constant 0 : i32
        %dma_wait3A_99 = tpu.memref_slice %arg7[%add3A_85, %dma_wait3A_98] : memref<10000x144xf32, #tpu.memory_space<vmem_shared>> -> memref<72x144xf32, #tpu.memory_space<vmem_shared>>
        %dma_wait3A_100 = arith.constant 0 : i32
        %dma_wait3A_101 = tpu.memref_slice %arg7[%add3A_85, %dma_wait3A_100] : memref<10000x144xf32, #tpu.memory_space<vmem_shared>> -> memref<72x144xf32, #tpu.memory_space<vmem_shared>>
        tpu.wait_dma2 semaphore(%run_scoped3A : memref<!tpu.dma_semaphore, #tpu.memory_space<semaphore_mem>>) src(%arg14 : memref<72x144xf32, #tpu.memory_space<vmem>>) dst(%dma_wait3A_101 : memref<72x144xf32, #tpu.memory_space<vmem_shared>>)
        tpu.yield
      }) : () -> ()
      %add3A_86 = arith.constant 288 : i32
      %add3A_87 = arith.addi %mul3A_20, %add3A_86 : i32
      "tpu.region"() ({
        %run_scoped3A = tpu.sem_alloc : memref<!tpu.dma_semaphore, #tpu.memory_space<semaphore_mem>>
        %dma_start3A_94 = arith.constant 0 : i32
        %dma_start3A_95 = tpu.memref_slice %arg7[%add3A_87, %dma_start3A_94] : memref<10000x144xf32, #tpu.memory_space<vmem_shared>> -> memref<72x144xf32, #tpu.memory_space<vmem_shared>>
        %dma_start3A_96 = arith.constant 0 : i32
        %dma_start3A_97 = tpu.memref_slice %arg7[%add3A_87, %dma_start3A_96] : memref<10000x144xf32, #tpu.memory_space<vmem_shared>> -> memref<72x144xf32, #tpu.memory_space<vmem_shared>>
        tpu.enqueue_dma source(%arg14 : memref<72x144xf32, #tpu.memory_space<vmem>>) target(%dma_start3A_97 : memref<72x144xf32, #tpu.memory_space<vmem_shared>>) target_semaphore(%run_scoped3A : memref<!tpu.dma_semaphore, #tpu.memory_space<semaphore_mem>>)
        %dma_wait3A_98 = arith.constant 0 : i32
        %dma_wait3A_99 = tpu.memref_slice %arg7[%add3A_87, %dma_wait3A_98] : memref<10000x144xf32, #tpu.memory_space<vmem_shared>> -> memref<72x144xf32, #tpu.memory_space<vmem_shared>>
        %dma_wait3A_100 = arith.constant 0 : i32
        %dma_wait3A_101 = tpu.memref_slice %arg7[%add3A_87, %dma_wait3A_100] : memref<10000x144xf32, #tpu.memory_space<vmem_shared>> -> memref<72x144xf32, #tpu.memory_space<vmem_shared>>
        tpu.wait_dma2 semaphore(%run_scoped3A : memref<!tpu.dma_semaphore, #tpu.memory_space<semaphore_mem>>) src(%arg14 : memref<72x144xf32, #tpu.memory_space<vmem>>) dst(%dma_wait3A_101 : memref<72x144xf32, #tpu.memory_space<vmem_shared>>)
        tpu.yield
      }) : () -> ()
      %add3A_88 = arith.constant 360 : i32
      %add3A_89 = arith.addi %mul3A_20, %add3A_88 : i32
      "tpu.region"() ({
        %run_scoped3A = tpu.sem_alloc : memref<!tpu.dma_semaphore, #tpu.memory_space<semaphore_mem>>
        %dma_start3A_94 = arith.constant 0 : i32
        %dma_start3A_95 = tpu.memref_slice %arg7[%add3A_89, %dma_start3A_94] : memref<10000x144xf32, #tpu.memory_space<vmem_shared>> -> memref<72x144xf32, #tpu.memory_space<vmem_shared>>
        %dma_start3A_96 = arith.constant 0 : i32
        %dma_start3A_97 = tpu.memref_slice %arg7[%add3A_89, %dma_start3A_96] : memref<10000x144xf32, #tpu.memory_space<vmem_shared>> -> memref<72x144xf32, #tpu.memory_space<vmem_shared>>
        tpu.enqueue_dma source(%arg14 : memref<72x144xf32, #tpu.memory_space<vmem>>) target(%dma_start3A_97 : memref<72x144xf32, #tpu.memory_space<vmem_shared>>) target_semaphore(%run_scoped3A : memref<!tpu.dma_semaphore, #tpu.memory_space<semaphore_mem>>)
        %dma_wait3A_98 = arith.constant 0 : i32
        %dma_wait3A_99 = tpu.memref_slice %arg7[%add3A_89, %dma_wait3A_98] : memref<10000x144xf32, #tpu.memory_space<vmem_shared>> -> memref<72x144xf32, #tpu.memory_space<vmem_shared>>
        %dma_wait3A_100 = arith.constant 0 : i32
        %dma_wait3A_101 = tpu.memref_slice %arg7[%add3A_89, %dma_wait3A_100] : memref<10000x144xf32, #tpu.memory_space<vmem_shared>> -> memref<72x144xf32, #tpu.memory_space<vmem_shared>>
        tpu.wait_dma2 semaphore(%run_scoped3A : memref<!tpu.dma_semaphore, #tpu.memory_space<semaphore_mem>>) src(%arg14 : memref<72x144xf32, #tpu.memory_space<vmem>>) dst(%dma_wait3A_101 : memref<72x144xf32, #tpu.memory_space<vmem_shared>>)
        tpu.yield
      }) : () -> ()
      %add3A_90 = arith.constant 432 : i32
      %add3A_91 = arith.addi %mul3A_20, %add3A_90 : i32
      "tpu.region"() ({
        %run_scoped3A = tpu.sem_alloc : memref<!tpu.dma_semaphore, #tpu.memory_space<semaphore_mem>>
        %dma_start3A_94 = arith.constant 0 : i32
        %dma_start3A_95 = tpu.memref_slice %arg7[%add3A_91, %dma_start3A_94] : memref<10000x144xf32, #tpu.memory_space<vmem_shared>> -> memref<72x144xf32, #tpu.memory_space<vmem_shared>>
        %dma_start3A_96 = arith.constant 0 : i32
        %dma_start3A_97 = tpu.memref_slice %arg7[%add3A_91, %dma_start3A_96] : memref<10000x144xf32, #tpu.memory_space<vmem_shared>> -> memref<72x144xf32, #tpu.memory_space<vmem_shared>>
        tpu.enqueue_dma source(%arg14 : memref<72x144xf32, #tpu.memory_space<vmem>>) target(%dma_start3A_97 : memref<72x144xf32, #tpu.memory_space<vmem_shared>>) target_semaphore(%run_scoped3A : memref<!tpu.dma_semaphore, #tpu.memory_space<semaphore_mem>>)
        %dma_wait3A_98 = arith.constant 0 : i32
        %dma_wait3A_99 = tpu.memref_slice %arg7[%add3A_91, %dma_wait3A_98] : memref<10000x144xf32, #tpu.memory_space<vmem_shared>> -> memref<72x144xf32, #tpu.memory_space<vmem_shared>>
        %dma_wait3A_100 = arith.constant 0 : i32
        %dma_wait3A_101 = tpu.memref_slice %arg7[%add3A_91, %dma_wait3A_100] : memref<10000x144xf32, #tpu.memory_space<vmem_shared>> -> memref<72x144xf32, #tpu.memory_space<vmem_shared>>
        tpu.wait_dma2 semaphore(%run_scoped3A : memref<!tpu.dma_semaphore, #tpu.memory_space<semaphore_mem>>) src(%arg14 : memref<72x144xf32, #tpu.memory_space<vmem>>) dst(%dma_wait3A_101 : memref<72x144xf32, #tpu.memory_space<vmem_shared>>)
        tpu.yield
      }) : () -> ()
      %add3A_92 = arith.constant 504 : i32
      %add3A_93 = arith.addi %mul3A_20, %add3A_92 : i32
      "tpu.region"() ({
        %run_scoped3A = tpu.sem_alloc : memref<!tpu.dma_semaphore, #tpu.memory_space<semaphore_mem>>
        %dma_start3A_94 = arith.constant 0 : i32
        %dma_start3A_95 = arith.constant 0 : i32
        %dma_start3A_96 = tpu.memref_slice %arg14[%dma_start3A_94, %dma_start3A_95] : memref<72x144xf32, #tpu.memory_space<vmem>> -> memref<16x144xf32, #tpu.memory_space<vmem>>
        %dma_start3A_97 = arith.constant 0 : i32
        %dma_start3A_98 = tpu.memref_slice %arg7[%add3A_93, %dma_start3A_97] : memref<10000x144xf32, #tpu.memory_space<vmem_shared>> -> memref<16x144xf32, #tpu.memory_space<vmem_shared>>
        %dma_start3A_99 = arith.constant 0 : i32
        %dma_start3A_100 = tpu.memref_slice %arg7[%add3A_93, %dma_start3A_99] : memref<10000x144xf32, #tpu.memory_space<vmem_shared>> -> memref<16x144xf32, #tpu.memory_space<vmem_shared>>
        %dma_start3A_101 = arith.constant 0 : i32
        %dma_start3A_102 = arith.constant 0 : i32
        %dma_start3A_103 = tpu.memref_slice %arg14[%dma_start3A_101, %dma_start3A_102] : memref<72x144xf32, #tpu.memory_space<vmem>> -> memref<16x144xf32, #tpu.memory_space<vmem>>
        tpu.enqueue_dma source(%dma_start3A_103 : memref<16x144xf32, #tpu.memory_space<vmem>>) target(%dma_start3A_100 : memref<16x144xf32, #tpu.memory_space<vmem_shared>>) target_semaphore(%run_scoped3A : memref<!tpu.dma_semaphore, #tpu.memory_space<semaphore_mem>>)
        %dma_wait3A_104 = arith.constant 0 : i32
        %dma_wait3A_105 = arith.constant 0 : i32
        %dma_wait3A_106 = tpu.memref_slice %arg14[%dma_wait3A_104, %dma_wait3A_105] : memref<72x144xf32, #tpu.memory_space<vmem>> -> memref<16x144xf32, #tpu.memory_space<vmem>>
        %dma_wait3A_107 = arith.constant 0 : i32
        %dma_wait3A_108 = tpu.memref_slice %arg7[%add3A_93, %dma_wait3A_107] : memref<10000x144xf32, #tpu.memory_space<vmem_shared>> -> memref<16x144xf32, #tpu.memory_space<vmem_shared>>
        %dma_wait3A_109 = arith.constant 0 : i32
        %dma_wait3A_110 = tpu.memref_slice %arg7[%add3A_93, %dma_wait3A_109] : memref<10000x144xf32, #tpu.memory_space<vmem_shared>> -> memref<16x144xf32, #tpu.memory_space<vmem_shared>>
        %dma_wait3A_111 = arith.constant 0 : i32
        %dma_wait3A_112 = arith.constant 0 : i32
        %dma_wait3A_113 = tpu.memref_slice %arg14[%dma_wait3A_111, %dma_wait3A_112] : memref<72x144xf32, #tpu.memory_space<vmem>> -> memref<16x144xf32, #tpu.memory_space<vmem>>
        tpu.wait_dma2 semaphore(%run_scoped3A : memref<!tpu.dma_semaphore, #tpu.memory_space<semaphore_mem>>) src(%dma_wait3A_113 : memref<16x144xf32, #tpu.memory_space<vmem>>) dst(%dma_wait3A_110 : memref<16x144xf32, #tpu.memory_space<vmem_shared>>)
        tpu.yield
      }) : () -> ()
    } else {
    }
    %barrier3A = arith.constant 0 : index
    tpu.barrier barrier_id(%barrier3A)
    %scan3A_27 = arith.constant 0 : i32
    %scan3A_28 = arith.constant 0 : i32
    %scan3A_29 = arith.constant 138 : i32
    %scan3A_30 = arith.addi %scan3A_28, %scan3A_29 : i32
    %scan3A_31 = arith.constant 1 : i32
    %scan3A_32 = scf.for %scan3A_78 = %scan3A_28 to %scan3A_30 step %scan3A_31 iter_args(%scan3A_79 = %scan3A_27) -> (i32)  : i32 {
      %mul3A_80 = arith.constant 10000 : i32
      %mul3A_81 = arith.muli %add3A, %mul3A_80 : i32
      %mul3A_82 = arith.constant 72 : i32
      %mul3A_83 = arith.muli %scan3A_78, %mul3A_82 : i32
      %add3A_84 = arith.addi %mul3A_81, %mul3A_83 : i32
      "tpu.region"() ({
        %run_scoped3A = tpu.sem_alloc : memref<!tpu.dma_semaphore, #tpu.memory_space<semaphore_mem>>
        %dma_start3A_105 = tpu.memref_slice %arg4[%add3A_84] : memref<320000xi32, #tpu.memory_space<hbm>> -> memref<72xi32, #tpu.memory_space<hbm>>
        %dma_start3A_106 = tpu.memref_slice %arg4[%add3A_84] : memref<320000xi32, #tpu.memory_space<hbm>> -> memref<72xi32, #tpu.memory_space<hbm>>
        tpu.enqueue_dma source(%dma_start3A_106 : memref<72xi32, #tpu.memory_space<hbm>>) target(%arg8 : memref<72xi32, #tpu.memory_space<vmem>>) target_semaphore(%run_scoped3A : memref<!tpu.dma_semaphore, #tpu.memory_space<semaphore_mem>>)
        %dma_wait3A_107 = tpu.memref_slice %arg4[%add3A_84] : memref<320000xi32, #tpu.memory_space<hbm>> -> memref<72xi32, #tpu.memory_space<hbm>>
        %dma_wait3A_108 = tpu.memref_slice %arg4[%add3A_84] : memref<320000xi32, #tpu.memory_space<hbm>> -> memref<72xi32, #tpu.memory_space<hbm>>
        tpu.wait_dma2 semaphore(%run_scoped3A : memref<!tpu.dma_semaphore, #tpu.memory_space<semaphore_mem>>) src(%dma_wait3A_108 : memref<72xi32, #tpu.memory_space<hbm>>) dst(%arg8 : memref<72xi32, #tpu.memory_space<vmem>>)
        tpu.yield
      }) : () -> ()
      "tpu.region"() ({
        %run_scoped3A = tpu.sem_alloc : memref<!tpu.dma_semaphore, #tpu.memory_space<semaphore_mem>>
        %dma_start3A_105 = tpu.memref_slice %arg5[%add3A_84] : memref<320000xi32, #tpu.memory_space<hbm>> -> memref<72xi32, #tpu.memory_space<hbm>>
        %dma_start3A_106 = tpu.memref_slice %arg5[%add3A_84] : memref<320000xi32, #tpu.memory_space<hbm>> -> memref<72xi32, #tpu.memory_space<hbm>>
        tpu.enqueue_dma source(%dma_start3A_106 : memref<72xi32, #tpu.memory_space<hbm>>) target(%arg9 : memref<72xi32, #tpu.memory_space<vmem>>) target_semaphore(%run_scoped3A : memref<!tpu.dma_semaphore, #tpu.memory_space<semaphore_mem>>)
        %dma_wait3A_107 = tpu.memref_slice %arg5[%add3A_84] : memref<320000xi32, #tpu.memory_space<hbm>> -> memref<72xi32, #tpu.memory_space<hbm>>
        %dma_wait3A_108 = tpu.memref_slice %arg5[%add3A_84] : memref<320000xi32, #tpu.memory_space<hbm>> -> memref<72xi32, #tpu.memory_space<hbm>>
        tpu.wait_dma2 semaphore(%run_scoped3A : memref<!tpu.dma_semaphore, #tpu.memory_space<semaphore_mem>>) src(%dma_wait3A_108 : memref<72xi32, #tpu.memory_space<hbm>>) dst(%arg9 : memref<72xi32, #tpu.memory_space<vmem>>)
        tpu.yield
      }) : () -> ()
      %dma_start3A_85 = arith.constant 0 : i32
      %dma_start3A_86 = arith.constant 0 : i32
      %dma_start3A_87 = tpu.memref_slice %arg2[%dma_start3A_85, %dma_start3A_86] : memref<10000x128xf32, #tpu.memory_space<hbm>> -> memref<10000x128xf32, #tpu.memory_space<hbm>>
      tpu.enqueue_indirect_dma source(%dma_start3A_87 : memref<10000x128xf32, #tpu.memory_space<hbm>>) target(%arg12 : memref<72x128xf32, #tpu.memory_space<vmem>>) offsets(%arg9 : memref<72xi32, #tpu.memory_space<vmem>>) semaphore(%arg15 : memref<!tpu.dma_semaphore, #tpu.memory_space<semaphore_mem>>)
      %dma_start3A_88 = arith.constant 0 : i32
      %dma_start3A_89 = arith.constant 0 : i32
      %dma_start3A_90 = tpu.memref_slice %arg3[%dma_start3A_88, %dma_start3A_89] : memref<10000x256xf32, #tpu.memory_space<hbm>> -> memref<10000x256xf32, #tpu.memory_space<hbm>>
      tpu.enqueue_indirect_dma source(%dma_start3A_90 : memref<10000x256xf32, #tpu.memory_space<hbm>>) target(%arg13 : memref<72x256xf32, #tpu.memory_space<vmem>>) offsets(%arg8 : memref<72xi32, #tpu.memory_space<vmem>>) semaphore(%arg16 : memref<!tpu.dma_semaphore, #tpu.memory_space<semaphore_mem>>)
      %dma_wait3A_91 = arith.constant 0 : i32
      %dma_wait3A_92 = arith.constant 0 : i32
      %dma_wait3A_93 = tpu.memref_slice %arg2[%dma_wait3A_91, %dma_wait3A_92] : memref<10000x128xf32, #tpu.memory_space<hbm>> -> memref<10000x128xf32, #tpu.memory_space<hbm>>
      tpu.wait_indirect_dma semaphore(%arg15 : memref<!tpu.dma_semaphore, #tpu.memory_space<semaphore_mem>>) src(%dma_wait3A_93 : memref<10000x128xf32, #tpu.memory_space<hbm>>) dst(%arg12 : memref<72x128xf32, #tpu.memory_space<vmem>>)
      %dma_wait3A_94 = arith.constant 0 : i32
      %dma_wait3A_95 = arith.constant 0 : i32
      %dma_wait3A_96 = tpu.memref_slice %arg3[%dma_wait3A_94, %dma_wait3A_95] : memref<10000x256xf32, #tpu.memory_space<hbm>> -> memref<10000x256xf32, #tpu.memory_space<hbm>>
      tpu.wait_indirect_dma semaphore(%arg16 : memref<!tpu.dma_semaphore, #tpu.memory_space<semaphore_mem>>) src(%dma_wait3A_96 : memref<10000x256xf32, #tpu.memory_space<hbm>>) dst(%arg13 : memref<72x256xf32, #tpu.memory_space<vmem>>)
      %scan3A_97 = arith.constant 0 : i32
      %scan3A_98 = arith.constant 0 : i32
      %scan3A_99 = arith.constant 72 : i32
      %scan3A_100 = arith.addi %scan3A_98, %scan3A_99 : i32
      %scan3A_101 = arith.constant 1 : i32
      %scan3A_102 = scf.for %scan3A_105 = %scan3A_98 to %scan3A_100 step %scan3A_101 iter_args(%scan3A_106 = %scan3A_97) -> (i32)  : i32 {
        %get3A = arith.index_cast %scan3A_105 : i32 to index
        %get3A_107 = arith.constant 0 : index
        %get3A_108 = tpu.vector_load %arg12[%get3A, %get3A_107] {strides = array<i32>} : memref<72x128xf32, #tpu.memory_space<vmem>>, vector<1x16xf32>,
        %get3A_109 = vector.shape_cast %get3A_108 : vector<1x16xf32> to vector<16xf32>
        %get3A_110 = arith.index_cast %scan3A_105 : i32 to index
        %get3A_111 = arith.constant 16 : index
        %get3A_112 = tpu.vector_load %arg12[%get3A_110, %get3A_111] {strides = array<i32>} : memref<72x128xf32, #tpu.memory_space<vmem>>, vector<1x16xf32>,
        %get3A_113 = vector.shape_cast %get3A_112 : vector<1x16xf32> to vector<16xf32>
        %get3A_114 = arith.index_cast %scan3A_105 : i32 to index
        %get3A_115 = arith.constant 32 : index
        %get3A_116 = tpu.vector_load %arg12[%get3A_114, %get3A_115] {strides = array<i32>} : memref<72x128xf32, #tpu.memory_space<vmem>>, vector<1x16xf32>,
        %get3A_117 = vector.shape_cast %get3A_116 : vector<1x16xf32> to vector<16xf32>
        %get3A_118 = arith.index_cast %scan3A_105 : i32 to index
        %get3A_119 = arith.constant 48 : index
        %get3A_120 = tpu.vector_load %arg12[%get3A_118, %get3A_119] {strides = array<i32>} : memref<72x128xf32, #tpu.memory_space<vmem>>, vector<1x16xf32>,
        %get3A_121 = vector.shape_cast %get3A_120 : vector<1x16xf32> to vector<16xf32>
        %get3A_122 = arith.index_cast %scan3A_105 : i32 to index
        %get3A_123 = arith.constant 64 : index
        %get3A_124 = tpu.vector_load %arg12[%get3A_122, %get3A_123] {strides = array<i32>} : memref<72x128xf32, #tpu.memory_space<vmem>>, vector<1x16xf32>,
        %get3A_125 = vector.shape_cast %get3A_124 : vector<1x16xf32> to vector<16xf32>
        %get3A_126 = arith.index_cast %scan3A_105 : i32 to index
        %get3A_127 = arith.constant 80 : index
        %get3A_128 = tpu.vector_load %arg12[%get3A_126, %get3A_127] {strides = array<i32>} : memref<72x128xf32, #tpu.memory_space<vmem>>, vector<1x16xf32>,
        %get3A_129 = vector.shape_cast %get3A_128 : vector<1x16xf32> to vector<16xf32>
        %get3A_130 = arith.index_cast %scan3A_105 : i32 to index
        %get3A_131 = arith.constant 96 : index
        %get3A_132 = tpu.vector_load %arg12[%get3A_130, %get3A_131] {strides = array<i32>} : memref<72x128xf32, #tpu.memory_space<vmem>>, vector<1x16xf32>,
        %get3A_133 = vector.shape_cast %get3A_132 : vector<1x16xf32> to vector<16xf32>
        %get3A_134 = arith.index_cast %scan3A_105 : i32 to index
        %get3A_135 = arith.constant 112 : index
        %get3A_136 = tpu.vector_load %arg12[%get3A_134, %get3A_135] {strides = array<i32>} : memref<72x128xf32, #tpu.memory_space<vmem>>, vector<1x16xf32>,
        %get3A_137 = vector.shape_cast %get3A_136 : vector<1x16xf32> to vector<16xf32>
        %get3A_138 = arith.index_cast %scan3A_105 : i32 to index
        %get3A_139 = arith.constant 0 : index
        %get3A_140 = tpu.vector_load %arg13[%get3A_138, %get3A_139] {strides = array<i32>} : memref<72x256xf32, #tpu.memory_space<vmem>>, vector<1x16xf32>,
        %get3A_141 = vector.shape_cast %get3A_140 : vector<1x16xf32> to vector<16xf32>
        %get3A_142 = arith.index_cast %scan3A_105 : i32 to index
        %get3A_143 = arith.constant 16 : index
        %get3A_144 = tpu.vector_load %arg13[%get3A_142, %get3A_143] {strides = array<i32>} : memref<72x256xf32, #tpu.memory_space<vmem>>, vector<1x16xf32>,
        %get3A_145 = vector.shape_cast %get3A_144 : vector<1x16xf32> to vector<16xf32>
        %get3A_146 = arith.index_cast %scan3A_105 : i32 to index
        %get3A_147 = arith.constant 32 : index
        %get3A_148 = tpu.vector_load %arg13[%get3A_146, %get3A_147] {strides = array<i32>} : memref<72x256xf32, #tpu.memory_space<vmem>>, vector<1x16xf32>,
        %get3A_149 = vector.shape_cast %get3A_148 : vector<1x16xf32> to vector<16xf32>
        %get3A_150 = arith.index_cast %scan3A_105 : i32 to index
        %get3A_151 = arith.constant 48 : index
        %get3A_152 = tpu.vector_load %arg13[%get3A_150, %get3A_151] {strides = array<i32>} : memref<72x256xf32, #tpu.memory_space<vmem>>, vector<1x16xf32>,
        %get3A_153 = vector.shape_cast %get3A_152 : vector<1x16xf32> to vector<16xf32>
        %get3A_154 = arith.index_cast %scan3A_105 : i32 to index
        %get3A_155 = arith.constant 64 : index
        %get3A_156 = tpu.vector_load %arg13[%get3A_154, %get3A_155] {strides = array<i32>} : memref<72x256xf32, #tpu.memory_space<vmem>>, vector<1x16xf32>,
        %get3A_157 = vector.shape_cast %get3A_156 : vector<1x16xf32> to vector<16xf32>
        %get3A_158 = arith.index_cast %scan3A_105 : i32 to index
        %get3A_159 = arith.constant 80 : index
        %get3A_160 = tpu.vector_load %arg13[%get3A_158, %get3A_159] {strides = array<i32>} : memref<72x256xf32, #tpu.memory_space<vmem>>, vector<1x16xf32>,
        %get3A_161 = vector.shape_cast %get3A_160 : vector<1x16xf32> to vector<16xf32>
        %get3A_162 = arith.index_cast %scan3A_105 : i32 to index
        %get3A_163 = arith.constant 96 : index
        %get3A_164 = tpu.vector_load %arg13[%get3A_162, %get3A_163] {strides = array<i32>} : memref<72x256xf32, #tpu.memory_space<vmem>>, vector<1x16xf32>,
        %get3A_165 = vector.shape_cast %get3A_164 : vector<1x16xf32> to vector<16xf32>
        %get3A_166 = arith.index_cast %scan3A_105 : i32 to index
        %get3A_167 = arith.constant 112 : index
        %get3A_168 = tpu.vector_load %arg13[%get3A_166, %get3A_167] {strides = array<i32>} : memref<72x256xf32, #tpu.memory_space<vmem>>, vector<1x16xf32>,
        %get3A_169 = vector.shape_cast %get3A_168 : vector<1x16xf32> to vector<16xf32>
        %get3A_170 = arith.index_cast %scan3A_105 : i32 to index
        %get3A_171 = arith.constant 128 : index
        %get3A_172 = tpu.vector_load %arg13[%get3A_170, %get3A_171] {strides = array<i32>} : memref<72x256xf32, #tpu.memory_space<vmem>>, vector<1x16xf32>,
        %get3A_173 = vector.shape_cast %get3A_172 : vector<1x16xf32> to vector<16xf32>
        %get3A_174 = arith.index_cast %scan3A_105 : i32 to index
        %get3A_175 = arith.constant 144 : index
        %get3A_176 = tpu.vector_load %arg13[%get3A_174, %get3A_175] {strides = array<i32>} : memref<72x256xf32, #tpu.memory_space<vmem>>, vector<1x16xf32>,
        %get3A_177 = vector.shape_cast %get3A_176 : vector<1x16xf32> to vector<16xf32>
        %get3A_178 = arith.index_cast %scan3A_105 : i32 to index
        %get3A_179 = arith.constant 160 : index
        %get3A_180 = tpu.vector_load %arg13[%get3A_178, %get3A_179] {strides = array<i32>} : memref<72x256xf32, #tpu.memory_space<vmem>>, vector<1x16xf32>,
        %get3A_181 = vector.shape_cast %get3A_180 : vector<1x16xf32> to vector<16xf32>
        %get3A_182 = arith.index_cast %scan3A_105 : i32 to index
        %get3A_183 = arith.constant 176 : index
        %get3A_184 = tpu.vector_load %arg13[%get3A_182, %get3A_183] {strides = array<i32>} : memref<72x256xf32, #tpu.memory_space<vmem>>, vector<1x16xf32>,
        %get3A_185 = vector.shape_cast %get3A_184 : vector<1x16xf32> to vector<16xf32>
        %get3A_186 = arith.index_cast %scan3A_105 : i32 to index
        %get3A_187 = arith.constant 192 : index
        %get3A_188 = tpu.vector_load %arg13[%get3A_186, %get3A_187] {strides = array<i32>} : memref<72x256xf32, #tpu.memory_space<vmem>>, vector<1x16xf32>,
        %get3A_189 = vector.shape_cast %get3A_188 : vector<1x16xf32> to vector<16xf32>
        %get3A_190 = arith.index_cast %scan3A_105 : i32 to index
        %get3A_191 = arith.constant 208 : index
        %get3A_192 = tpu.vector_load %arg13[%get3A_190, %get3A_191] {strides = array<i32>} : memref<72x256xf32, #tpu.memory_space<vmem>>, vector<1x16xf32>,
        %get3A_193 = vector.shape_cast %get3A_192 : vector<1x16xf32> to vector<16xf32>
        %get3A_194 = arith.index_cast %scan3A_105 : i32 to index
        %get3A_195 = arith.constant 224 : index
        %get3A_196 = tpu.vector_load %arg13[%get3A_194, %get3A_195] {strides = array<i32>} : memref<72x256xf32, #tpu.memory_space<vmem>>, vector<1x16xf32>,
        %get3A_197 = vector.shape_cast %get3A_196 : vector<1x16xf32> to vector<16xf32>
        %get3A_198 = arith.index_cast %scan3A_105 : i32 to index
        %get3A_199 = arith.constant 240 : index
        %get3A_200 = tpu.vector_load %arg13[%get3A_198, %get3A_199] {strides = array<i32>} : memref<72x256xf32, #tpu.memory_space<vmem>>, vector<1x16xf32>,
        %get3A_201 = vector.shape_cast %get3A_200 : vector<1x16xf32> to vector<16xf32>
        %mul3A_202 = arith.mulf %get3A_109, %get3A_141 : vector<16xf32>
        %mul3A_203 = arith.mulf %get3A_113, %get3A_145 : vector<16xf32>
        %add3A_204 = arith.addf %mul3A_202, %mul3A_203 : vector<16xf32>
        %broadcast_in_dim3A_205 = vector.shape_cast %xor3A_3 : vector<16xi32> to vector<16x1xi32>
        %gather3A = vector.shape_cast %broadcast_in_dim3A_205 : vector<16x1xi32> to vector<16xi32>
        %gather3A_206 = tpu.dynamic_gather %add3A_204[%gather3A] in [0] : vector<16xf32>, vector<16xi32> -> vector<16xf32>
        %add3A_207 = arith.addf %add3A_204, %gather3A_206 : vector<16xf32>
        %broadcast_in_dim3A_208 = vector.shape_cast %xor3A_6 : vector<16xi32> to vector<16x1xi32>
        %gather3A_209 = vector.shape_cast %broadcast_in_dim3A_208 : vector<16x1xi32> to vector<16xi32>
        %gather3A_210 = tpu.dynamic_gather %add3A_207[%gather3A_209] in [0] : vector<16xf32>, vector<16xi32> -> vector<16xf32>
        %add3A_211 = arith.addf %add3A_207, %gather3A_210 : vector<16xf32>
        %broadcast_in_dim3A_212 = vector.shape_cast %xor3A_9 : vector<16xi32> to vector<16x1xi32>
        %gather3A_213 = vector.shape_cast %broadcast_in_dim3A_212 : vector<16x1xi32> to vector<16xi32>
        %gather3A_214 = tpu.dynamic_gather %add3A_211[%gather3A_213] in [0] : vector<16xf32>, vector<16xi32> -> vector<16xf32>
        %add3A_215 = arith.addf %add3A_211, %gather3A_214 : vector<16xf32>
        %broadcast_in_dim3A_216 = vector.shape_cast %xor3A_12 : vector<16xi32> to vector<16x1xi32>
        %gather3A_217 = vector.shape_cast %broadcast_in_dim3A_216 : vector<16x1xi32> to vector<16xi32>
        %gather3A_218 = tpu.dynamic_gather %add3A_215[%gather3A_217] in [0] : vector<16xf32>, vector<16xi32> -> vector<16xf32>
        %add3A_219 = arith.addf %add3A_215, %gather3A_218 : vector<16xf32>
        %mul3A_220 = arith.constant 0.176776692 : f32
        %mul3A_221 = vector.broadcast %mul3A_220 : f32 to vector<16xf32>
        %mul3A_222 = arith.mulf %add3A_219, %mul3A_221 : vector<16xf32>
        %exp3A = math.exp %mul3A_222 : vector<16xf32>
        %mul3A_223 = arith.mulf %get3A_117, %get3A_149 : vector<16xf32>
        %mul3A_224 = arith.mulf %get3A_121, %get3A_153 : vector<16xf32>
        %add3A_225 = arith.addf %mul3A_223, %mul3A_224 : vector<16xf32>
        %broadcast_in_dim3A_226 = vector.shape_cast %xor3A_3 : vector<16xi32> to vector<16x1xi32>
        %gather3A_227 = vector.shape_cast %broadcast_in_dim3A_226 : vector<16x1xi32> to vector<16xi32>
        %gather3A_228 = tpu.dynamic_gather %add3A_225[%gather3A_227] in [0] : vector<16xf32>, vector<16xi32> -> vector<16xf32>
        %add3A_229 = arith.addf %add3A_225, %gather3A_228 : vector<16xf32>
        %broadcast_in_dim3A_230 = vector.shape_cast %xor3A_6 : vector<16xi32> to vector<16x1xi32>
        %gather3A_231 = vector.shape_cast %broadcast_in_dim3A_230 : vector<16x1xi32> to vector<16xi32>
        %gather3A_232 = tpu.dynamic_gather %add3A_229[%gather3A_231] in [0] : vector<16xf32>, vector<16xi32> -> vector<16xf32>
        %add3A_233 = arith.addf %add3A_229, %gather3A_232 : vector<16xf32>
        %broadcast_in_dim3A_234 = vector.shape_cast %xor3A_9 : vector<16xi32> to vector<16x1xi32>
        %gather3A_235 = vector.shape_cast %broadcast_in_dim3A_234 : vector<16x1xi32> to vector<16xi32>
        %gather3A_236 = tpu.dynamic_gather %add3A_233[%gather3A_235] in [0] : vector<16xf32>, vector<16xi32> -> vector<16xf32>
        %add3A_237 = arith.addf %add3A_233, %gather3A_236 : vector<16xf32>
        %broadcast_in_dim3A_238 = vector.shape_cast %xor3A_12 : vector<16xi32> to vector<16x1xi32>
        %gather3A_239 = vector.shape_cast %broadcast_in_dim3A_238 : vector<16x1xi32> to vector<16xi32>
        %gather3A_240 = tpu.dynamic_gather %add3A_237[%gather3A_239] in [0] : vector<16xf32>, vector<16xi32> -> vector<16xf32>
        %add3A_241 = arith.addf %add3A_237, %gather3A_240 : vector<16xf32>
        %mul3A_242 = arith.constant 0.176776692 : f32
        %mul3A_243 = vector.broadcast %mul3A_242 : f32 to vector<16xf32>
        %mul3A_244 = arith.mulf %add3A_241, %mul3A_243 : vector<16xf32>
        %exp3A_245 = math.exp %mul3A_244 : vector<16xf32>
        %mul3A_246 = arith.mulf %get3A_125, %get3A_157 : vector<16xf32>
        %mul3A_247 = arith.mulf %get3A_129, %get3A_161 : vector<16xf32>
        %add3A_248 = arith.addf %mul3A_246, %mul3A_247 : vector<16xf32>
        %broadcast_in_dim3A_249 = vector.shape_cast %xor3A_3 : vector<16xi32> to vector<16x1xi32>
        %gather3A_250 = vector.shape_cast %broadcast_in_dim3A_249 : vector<16x1xi32> to vector<16xi32>
        %gather3A_251 = tpu.dynamic_gather %add3A_248[%gather3A_250] in [0] : vector<16xf32>, vector<16xi32> -> vector<16xf32>
        %add3A_252 = arith.addf %add3A_248, %gather3A_251 : vector<16xf32>
        %broadcast_in_dim3A_253 = vector.shape_cast %xor3A_6 : vector<16xi32> to vector<16x1xi32>
        %gather3A_254 = vector.shape_cast %broadcast_in_dim3A_253 : vector<16x1xi32> to vector<16xi32>
        %gather3A_255 = tpu.dynamic_gather %add3A_252[%gather3A_254] in [0] : vector<16xf32>, vector<16xi32> -> vector<16xf32>
        %add3A_256 = arith.addf %add3A_252, %gather3A_255 : vector<16xf32>
        %broadcast_in_dim3A_257 = vector.shape_cast %xor3A_9 : vector<16xi32> to vector<16x1xi32>
        %gather3A_258 = vector.shape_cast %broadcast_in_dim3A_257 : vector<16x1xi32> to vector<16xi32>
        %gather3A_259 = tpu.dynamic_gather %add3A_256[%gather3A_258] in [0] : vector<16xf32>, vector<16xi32> -> vector<16xf32>
        %add3A_260 = arith.addf %add3A_256, %gather3A_259 : vector<16xf32>
        %broadcast_in_dim3A_261 = vector.shape_cast %xor3A_12 : vector<16xi32> to vector<16x1xi32>
        %gather3A_262 = vector.shape_cast %broadcast_in_dim3A_261 : vector<16x1xi32> to vector<16xi32>
        %gather3A_263 = tpu.dynamic_gather %add3A_260[%gather3A_262] in [0] : vector<16xf32>, vector<16xi32> -> vector<16xf32>
        %add3A_264 = arith.addf %add3A_260, %gather3A_263 : vector<16xf32>
        %mul3A_265 = arith.constant 0.176776692 : f32
        %mul3A_266 = vector.broadcast %mul3A_265 : f32 to vector<16xf32>
        %mul3A_267 = arith.mulf %add3A_264, %mul3A_266 : vector<16xf32>
        %exp3A_268 = math.exp %mul3A_267 : vector<16xf32>
        %mul3A_269 = arith.mulf %get3A_133, %get3A_165 : vector<16xf32>
        %mul3A_270 = arith.mulf %get3A_137, %get3A_169 : vector<16xf32>
        %add3A_271 = arith.addf %mul3A_269, %mul3A_270 : vector<16xf32>
        %broadcast_in_dim3A_272 = vector.shape_cast %xor3A_3 : vector<16xi32> to vector<16x1xi32>
        %gather3A_273 = vector.shape_cast %broadcast_in_dim3A_272 : vector<16x1xi32> to vector<16xi32>
        %gather3A_274 = tpu.dynamic_gather %add3A_271[%gather3A_273] in [0] : vector<16xf32>, vector<16xi32> -> vector<16xf32>
        %add3A_275 = arith.addf %add3A_271, %gather3A_274 : vector<16xf32>
        %broadcast_in_dim3A_276 = vector.shape_cast %xor3A_6 : vector<16xi32> to vector<16x1xi32>
        %gather3A_277 = vector.shape_cast %broadcast_in_dim3A_276 : vector<16x1xi32> to vector<16xi32>
        %gather3A_278 = tpu.dynamic_gather %add3A_275[%gather3A_277] in [0] : vector<16xf32>, vector<16xi32> -> vector<16xf32>
        %add3A_279 = arith.addf %add3A_275, %gather3A_278 : vector<16xf32>
        %broadcast_in_dim3A_280 = vector.shape_cast %xor3A_9 : vector<16xi32> to vector<16x1xi32>
        %gather3A_281 = vector.shape_cast %broadcast_in_dim3A_280 : vector<16x1xi32> to vector<16xi32>
        %gather3A_282 = tpu.dynamic_gather %add3A_279[%gather3A_281] in [0] : vector<16xf32>, vector<16xi32> -> vector<16xf32>
        %add3A_283 = arith.addf %add3A_279, %gather3A_282 : vector<16xf32>
        %broadcast_in_dim3A_284 = vector.shape_cast %xor3A_12 : vector<16xi32> to vector<16x1xi32>
        %gather3A_285 = vector.shape_cast %broadcast_in_dim3A_284 : vector<16x1xi32> to vector<16xi32>
        %gather3A_286 = tpu.dynamic_gather %add3A_283[%gather3A_285] in [0] : vector<16xf32>, vector<16xi32> -> vector<16xf32>
        %add3A_287 = arith.addf %add3A_283, %gather3A_286 : vector<16xf32>
        %mul3A_288 = arith.constant 0.176776692 : f32
        %mul3A_289 = vector.broadcast %mul3A_288 : f32 to vector<16xf32>
        %mul3A_290 = arith.mulf %add3A_287, %mul3A_289 : vector<16xf32>
        %exp3A_291 = math.exp %mul3A_290 : vector<16xf32>
        %mul3A_292 = arith.mulf %get3A_173, %exp3A : vector<16xf32>
        %swap3A = arith.index_cast %scan3A_105 : i32 to index
        %swap3A_293 = arith.constant 0 : index
        %swap3A_294 = tpu.vector_load %arg14[%swap3A, %swap3A_293] {strides = array<i32>} : memref<72x144xf32, #tpu.memory_space<vmem>>, vector<1x16xf32>,
        %swap3A_295 = vector.shape_cast %swap3A_294 : vector<1x16xf32> to vector<16xf32>
        %swap3A_296 = vector.shape_cast %mul3A_292 : vector<16xf32> to vector<1x16xf32>
        tpu.vector_store %arg14[%swap3A, %swap3A_293], %swap3A_296 {strides = array<i32>} : memref<72x144xf32, #tpu.memory_space<vmem>>, vector<1x16xf32>,
        %mul3A_297 = arith.mulf %get3A_177, %exp3A : vector<16xf32>
        %swap3A_298 = arith.index_cast %scan3A_105 : i32 to index
        %swap3A_299 = arith.constant 16 : index
        %swap3A_300 = tpu.vector_load %arg14[%swap3A_298, %swap3A_299] {strides = array<i32>} : memref<72x144xf32, #tpu.memory_space<vmem>>, vector<1x16xf32>,
        %swap3A_301 = vector.shape_cast %swap3A_300 : vector<1x16xf32> to vector<16xf32>
        %swap3A_302 = vector.shape_cast %mul3A_297 : vector<16xf32> to vector<1x16xf32>
        tpu.vector_store %arg14[%swap3A_298, %swap3A_299], %swap3A_302 {strides = array<i32>} : memref<72x144xf32, #tpu.memory_space<vmem>>, vector<1x16xf32>,
        %mul3A_303 = arith.mulf %get3A_181, %exp3A_245 : vector<16xf32>
        %swap3A_304 = arith.index_cast %scan3A_105 : i32 to index
        %swap3A_305 = arith.constant 32 : index
        %swap3A_306 = tpu.vector_load %arg14[%swap3A_304, %swap3A_305] {strides = array<i32>} : memref<72x144xf32, #tpu.memory_space<vmem>>, vector<1x16xf32>,
        %swap3A_307 = vector.shape_cast %swap3A_306 : vector<1x16xf32> to vector<16xf32>
        %swap3A_308 = vector.shape_cast %mul3A_303 : vector<16xf32> to vector<1x16xf32>
        tpu.vector_store %arg14[%swap3A_304, %swap3A_305], %swap3A_308 {strides = array<i32>} : memref<72x144xf32, #tpu.memory_space<vmem>>, vector<1x16xf32>,
        %mul3A_309 = arith.mulf %get3A_185, %exp3A_245 : vector<16xf32>
        %swap3A_310 = arith.index_cast %scan3A_105 : i32 to index
        %swap3A_311 = arith.constant 48 : index
        %swap3A_312 = tpu.vector_load %arg14[%swap3A_310, %swap3A_311] {strides = array<i32>} : memref<72x144xf32, #tpu.memory_space<vmem>>, vector<1x16xf32>,
        %swap3A_313 = vector.shape_cast %swap3A_312 : vector<1x16xf32> to vector<16xf32>
        %swap3A_314 = vector.shape_cast %mul3A_309 : vector<16xf32> to vector<1x16xf32>
        tpu.vector_store %arg14[%swap3A_310, %swap3A_311], %swap3A_314 {strides = array<i32>} : memref<72x144xf32, #tpu.memory_space<vmem>>, vector<1x16xf32>,
        %mul3A_315 = arith.mulf %get3A_189, %exp3A_268 : vector<16xf32>
        %swap3A_316 = arith.index_cast %scan3A_105 : i32 to index
        %swap3A_317 = arith.constant 64 : index
        %swap3A_318 = tpu.vector_load %arg14[%swap3A_316, %swap3A_317] {strides = array<i32>} : memref<72x144xf32, #tpu.memory_space<vmem>>, vector<1x16xf32>,
        %swap3A_319 = vector.shape_cast %swap3A_318 : vector<1x16xf32> to vector<16xf32>
        %swap3A_320 = vector.shape_cast %mul3A_315 : vector<16xf32> to vector<1x16xf32>
        tpu.vector_store %arg14[%swap3A_316, %swap3A_317], %swap3A_320 {strides = array<i32>} : memref<72x144xf32, #tpu.memory_space<vmem>>, vector<1x16xf32>,
        %mul3A_321 = arith.mulf %get3A_193, %exp3A_268 : vector<16xf32>
        %swap3A_322 = arith.index_cast %scan3A_105 : i32 to index
        %swap3A_323 = arith.constant 80 : index
        %swap3A_324 = tpu.vector_load %arg14[%swap3A_322, %swap3A_323] {strides = array<i32>} : memref<72x144xf32, #tpu.memory_space<vmem>>, vector<1x16xf32>,
        %swap3A_325 = vector.shape_cast %swap3A_324 : vector<1x16xf32> to vector<16xf32>
        %swap3A_326 = vector.shape_cast %mul3A_321 : vector<16xf32> to vector<1x16xf32>
        tpu.vector_store %arg14[%swap3A_322, %swap3A_323], %swap3A_326 {strides = array<i32>} : memref<72x144xf32, #tpu.memory_space<vmem>>, vector<1x16xf32>,
        %mul3A_327 = arith.mulf %get3A_197, %exp3A_291 : vector<16xf32>
        %swap3A_328 = arith.index_cast %scan3A_105 : i32 to index
        %swap3A_329 = arith.constant 96 : index
        %swap3A_330 = tpu.vector_load %arg14[%swap3A_328, %swap3A_329] {strides = array<i32>} : memref<72x144xf32, #tpu.memory_space<vmem>>, vector<1x16xf32>,
        %swap3A_331 = vector.shape_cast %swap3A_330 : vector<1x16xf32> to vector<16xf32>
        %swap3A_332 = vector.shape_cast %mul3A_327 : vector<16xf32> to vector<1x16xf32>
        tpu.vector_store %arg14[%swap3A_328, %swap3A_329], %swap3A_332 {strides = array<i32>} : memref<72x144xf32, #tpu.memory_space<vmem>>, vector<1x16xf32>,
        %mul3A_333 = arith.mulf %get3A_201, %exp3A_291 : vector<16xf32>
        %swap3A_334 = arith.index_cast %scan3A_105 : i32 to index
        %swap3A_335 = arith.constant 112 : index
        %swap3A_336 = tpu.vector_load %arg14[%swap3A_334, %swap3A_335] {strides = array<i32>} : memref<72x144xf32, #tpu.memory_space<vmem>>, vector<1x16xf32>,
        %swap3A_337 = vector.shape_cast %swap3A_336 : vector<1x16xf32> to vector<16xf32>
        %swap3A_338 = vector.shape_cast %mul3A_333 : vector<16xf32> to vector<1x16xf32>
        tpu.vector_store %arg14[%swap3A_334, %swap3A_335], %swap3A_338 {strides = array<i32>} : memref<72x144xf32, #tpu.memory_space<vmem>>, vector<1x16xf32>,
        %lt3A_339 = arith.constant 1 : i32
        %lt3A_340 = vector.broadcast %lt3A_339 : i32 to vector<16xi32>
        %lt3A_341 = arith.cmpi slt, %iota3A, %lt3A_340 : vector<16xi32>
        %lt3A_342 = arith.constant 2 : i32
        %lt3A_343 = vector.broadcast %lt3A_342 : i32 to vector<16xi32>
        %lt3A_344 = arith.cmpi slt, %iota3A, %lt3A_343 : vector<16xi32>
        %lt3A_345 = arith.constant 3 : i32
        %lt3A_346 = vector.broadcast %lt3A_345 : i32 to vector<16xi32>
        %lt3A_347 = arith.cmpi slt, %iota3A, %lt3A_346 : vector<16xi32>
        %select_n3A = arith.select %lt3A_347, %exp3A_268, %exp3A_291 : vector<16xi1>, vector<16xf32>
        %select_n3A_348 = arith.select %lt3A_344, %exp3A_245, %select_n3A : vector<16xi1>, vector<16xf32>
        %select_n3A_349 = arith.select %lt3A_341, %exp3A, %select_n3A_348 : vector<16xi1>, vector<16xf32>
        %lt3A_350 = arith.constant 4 : i32
        %lt3A_351 = vector.broadcast %lt3A_350 : i32 to vector<16xi32>
        %lt3A_352 = arith.cmpi slt, %iota3A, %lt3A_351 : vector<16xi32>
        %jit3A = arith.constant 0.000000e+00 : f32
        %broadcast_in_dim3A_353 = vector.broadcast %jit3A : f32 to vector<16xf32>
        %select_n3A_354 = arith.select %lt3A_352, %select_n3A_349, %broadcast_in_dim3A_353 : vector<16xi1>, vector<16xf32>
        %swap3A_355 = arith.index_cast %scan3A_105 : i32 to index
        %swap3A_356 = arith.constant 128 : index
        %swap3A_357 = tpu.vector_load %arg14[%swap3A_355, %swap3A_356] {strides = array<i32>} : memref<72x144xf32, #tpu.memory_space<vmem>>, vector<1x16xf32>,
        %swap3A_358 = vector.shape_cast %swap3A_357 : vector<1x16xf32> to vector<16xf32>
        %swap3A_359 = vector.shape_cast %select_n3A_354 : vector<16xf32> to vector<1x16xf32>
        tpu.vector_store %arg14[%swap3A_355, %swap3A_356], %swap3A_359 {strides = array<i32>} : memref<72x144xf32, #tpu.memory_space<vmem>>, vector<1x16xf32>,
        %scan3A_360 = arith.constant 0 : i32
        scf.yield %scan3A_360 : i32
      }
      %scan3A_103 = arith.constant 72 : i32
      "tpu.region"() ({
        %run_scoped3A = tpu.sem_alloc : memref<!tpu.dma_semaphore, #tpu.memory_space<semaphore_mem>>
        %dma_start3A_105 = arith.constant 0 : i32
        %dma_start3A_106 = arith.constant 0 : i32
        %dma_start3A_107 = tpu.memref_slice %arg7[%dma_start3A_105, %dma_start3A_106] : memref<10000x144xf32, #tpu.memory_space<vmem_shared>> -> memref<10000x144xf32, #tpu.memory_space<vmem_shared>>
        tpu.enqueue_indirect_dma source(%arg14 : memref<72x144xf32, #tpu.memory_space<vmem>>) target(%dma_start3A_107 : memref<10000x144xf32, #tpu.memory_space<vmem_shared>>) offsets(%arg9 : memref<72xi32, #tpu.memory_space<vmem>>) semaphore(%run_scoped3A : memref<!tpu.dma_semaphore, #tpu.memory_space<semaphore_mem>>) {add = true}
        %dma_wait3A_108 = arith.constant 0 : i32
        %dma_wait3A_109 = arith.constant 0 : i32
        %dma_wait3A_110 = tpu.memref_slice %arg7[%dma_wait3A_108, %dma_wait3A_109] : memref<10000x144xf32, #tpu.memory_space<vmem_shared>> -> memref<10000x144xf32, #tpu.memory_space<vmem_shared>>
        tpu.wait_indirect_dma semaphore(%run_scoped3A : memref<!tpu.dma_semaphore, #tpu.memory_space<semaphore_mem>>) src(%arg14 : memref<72x144xf32, #tpu.memory_space<vmem>>) dst(%dma_wait3A_110 : memref<10000x144xf32, #tpu.memory_space<vmem_shared>>)
        tpu.yield
      }) : () -> ()
      %scan3A_104 = arith.constant 0 : i32
      scf.yield %scan3A_104 : i32
    }
    %scan3A_33 = arith.constant 138 : i32
    %mul3A_34 = arith.constant 10000 : i32
    %mul3A_35 = arith.muli %add3A, %mul3A_34 : i32
    %add3A_36 = arith.constant 9936 : i32
    %add3A_37 = arith.addi %mul3A_35, %add3A_36 : i32
    "tpu.region"() ({
      %run_scoped3A = tpu.sem_alloc : memref<!tpu.dma_semaphore, #tpu.memory_space<semaphore_mem>>
      %dma_start3A_78 = tpu.memref_slice %arg4[%add3A_37] : memref<320000xi32, #tpu.memory_space<hbm>> -> memref<64xi32, #tpu.memory_space<hbm>>
      %dma_start3A_79 = tpu.memref_slice %arg4[%add3A_37] : memref<320000xi32, #tpu.memory_space<hbm>> -> memref<64xi32, #tpu.memory_space<hbm>>
      tpu.enqueue_dma source(%dma_start3A_79 : memref<64xi32, #tpu.memory_space<hbm>>) target(%arg10 : memref<64xi32, #tpu.memory_space<vmem>>) target_semaphore(%run_scoped3A : memref<!tpu.dma_semaphore, #tpu.memory_space<semaphore_mem>>)
      %dma_wait3A_80 = tpu.memref_slice %arg4[%add3A_37] : memref<320000xi32, #tpu.memory_space<hbm>> -> memref<64xi32, #tpu.memory_space<hbm>>
      %dma_wait3A_81 = tpu.memref_slice %arg4[%add3A_37] : memref<320000xi32, #tpu.memory_space<hbm>> -> memref<64xi32, #tpu.memory_space<hbm>>
      tpu.wait_dma2 semaphore(%run_scoped3A : memref<!tpu.dma_semaphore, #tpu.memory_space<semaphore_mem>>) src(%dma_wait3A_81 : memref<64xi32, #tpu.memory_space<hbm>>) dst(%arg10 : memref<64xi32, #tpu.memory_space<vmem>>)
      tpu.yield
    }) : () -> ()
    "tpu.region"() ({
      %run_scoped3A = tpu.sem_alloc : memref<!tpu.dma_semaphore, #tpu.memory_space<semaphore_mem>>
      %dma_start3A_78 = tpu.memref_slice %arg5[%add3A_37] : memref<320000xi32, #tpu.memory_space<hbm>> -> memref<64xi32, #tpu.memory_space<hbm>>
      %dma_start3A_79 = tpu.memref_slice %arg5[%add3A_37] : memref<320000xi32, #tpu.memory_space<hbm>> -> memref<64xi32, #tpu.memory_space<hbm>>
      tpu.enqueue_dma source(%dma_start3A_79 : memref<64xi32, #tpu.memory_space<hbm>>) target(%arg11 : memref<64xi32, #tpu.memory_space<vmem>>) target_semaphore(%run_scoped3A : memref<!tpu.dma_semaphore, #tpu.memory_space<semaphore_mem>>)
      %dma_wait3A_80 = tpu.memref_slice %arg5[%add3A_37] : memref<320000xi32, #tpu.memory_space<hbm>> -> memref<64xi32, #tpu.memory_space<hbm>>
      %dma_wait3A_81 = tpu.memref_slice %arg5[%add3A_37] : memref<320000xi32, #tpu.memory_space<hbm>> -> memref<64xi32, #tpu.memory_space<hbm>>
      tpu.wait_dma2 semaphore(%run_scoped3A : memref<!tpu.dma_semaphore, #tpu.memory_space<semaphore_mem>>) src(%dma_wait3A_81 : memref<64xi32, #tpu.memory_space<hbm>>) dst(%arg11 : memref<64xi32, #tpu.memory_space<vmem>>)
      tpu.yield
    }) : () -> ()
    %dma_start3A = arith.constant 0 : i32
    %dma_start3A_38 = arith.constant 0 : i32
    %dma_start3A_39 = tpu.memref_slice %arg12[%dma_start3A, %dma_start3A_38] : memref<72x128xf32, #tpu.memory_space<vmem>> -> memref<64x128xf32, #tpu.memory_space<vmem>>
    %dma_start3A_40 = arith.constant 0 : i32
    %dma_start3A_41 = arith.constant 0 : i32
    %dma_start3A_42 = tpu.memref_slice %arg2[%dma_start3A_40, %dma_start3A_41] : memref<10000x128xf32, #tpu.memory_space<hbm>> -> memref<10000x128xf32, #tpu.memory_space<hbm>>
    tpu.enqueue_indirect_dma source(%dma_start3A_42 : memref<10000x128xf32, #tpu.memory_space<hbm>>) target(%dma_start3A_39 : memref<64x128xf32, #tpu.memory_space<vmem>>) offsets(%arg11 : memref<64xi32, #tpu.memory_space<vmem>>) semaphore(%arg15 : memref<!tpu.dma_semaphore, #tpu.memory_space<semaphore_mem>>)
    %dma_start3A_43 = arith.constant 0 : i32
    %dma_start3A_44 = arith.constant 0 : i32
    %dma_start3A_45 = tpu.memref_slice %arg13[%dma_start3A_43, %dma_start3A_44] : memref<72x256xf32, #tpu.memory_space<vmem>> -> memref<64x256xf32, #tpu.memory_space<vmem>>
    %dma_start3A_46 = arith.constant 0 : i32
    %dma_start3A_47 = arith.constant 0 : i32
    %dma_start3A_48 = tpu.memref_slice %arg3[%dma_start3A_46, %dma_start3A_47] : memref<10000x256xf32, #tpu.memory_space<hbm>> -> memref<10000x256xf32, #tpu.memory_space<hbm>>
    tpu.enqueue_indirect_dma source(%dma_start3A_48 : memref<10000x256xf32, #tpu.memory_space<hbm>>) target(%dma_start3A_45 : memref<64x256xf32, #tpu.memory_space<vmem>>) offsets(%arg10 : memref<64xi32, #tpu.memory_space<vmem>>) semaphore(%arg16 : memref<!tpu.dma_semaphore, #tpu.memory_space<semaphore_mem>>)
    %dma_wait3A = arith.constant 0 : i32
    %dma_wait3A_49 = arith.constant 0 : i32
    %dma_wait3A_50 = tpu.memref_slice %arg12[%dma_wait3A, %dma_wait3A_49] : memref<72x128xf32, #tpu.memory_space<vmem>> -> memref<64x128xf32, #tpu.memory_space<vmem>>
    %dma_wait3A_51 = arith.constant 0 : i32
    %dma_wait3A_52 = arith.constant 0 : i32
    %dma_wait3A_53 = tpu.memref_slice %arg2[%dma_wait3A_51, %dma_wait3A_52] : memref<10000x128xf32, #tpu.memory_space<hbm>> -> memref<10000x128xf32, #tpu.memory_space<hbm>>
    tpu.wait_indirect_dma semaphore(%arg15 : memref<!tpu.dma_semaphore, #tpu.memory_space<semaphore_mem>>) src(%dma_wait3A_53 : memref<10000x128xf32, #tpu.memory_space<hbm>>) dst(%dma_wait3A_50 : memref<64x128xf32, #tpu.memory_space<vmem>>)
    %dma_wait3A_54 = arith.constant 0 : i32
    %dma_wait3A_55 = arith.constant 0 : i32
    %dma_wait3A_56 = tpu.memref_slice %arg13[%dma_wait3A_54, %dma_wait3A_55] : memref<72x256xf32, #tpu.memory_space<vmem>> -> memref<64x256xf32, #tpu.memory_space<vmem>>
    %dma_wait3A_57 = arith.constant 0 : i32
    %dma_wait3A_58 = arith.constant 0 : i32
    %dma_wait3A_59 = tpu.memref_slice %arg3[%dma_wait3A_57, %dma_wait3A_58] : memref<10000x256xf32, #tpu.memory_space<hbm>> -> memref<10000x256xf32, #tpu.memory_space<hbm>>
    tpu.wait_indirect_dma semaphore(%arg16 : memref<!tpu.dma_semaphore, #tpu.memory_space<semaphore_mem>>) src(%dma_wait3A_59 : memref<10000x256xf32, #tpu.memory_space<hbm>>) dst(%dma_wait3A_56 : memref<64x256xf32, #tpu.memory_space<vmem>>)
    %scan3A_60 = arith.constant 0 : i32
    %scan3A_61 = arith.constant 0 : i32
    %scan3A_62 = arith.constant 64 : i32
    %scan3A_63 = arith.addi %scan3A_61, %scan3A_62 : i32
    %scan3A_64 = arith.constant 1 : i32
    %scan3A_65 = scf.for %scan3A_78 = %scan3A_61 to %scan3A_63 step %scan3A_64 iter_args(%scan3A_79 = %scan3A_60) -> (i32)  : i32 {
      %get3A = arith.index_cast %scan3A_78 : i32 to index
      %get3A_80 = arith.constant 0 : index
      %get3A_81 = tpu.vector_load %arg12[%get3A, %get3A_80] {strides = array<i32>} : memref<72x128xf32, #tpu.memory_space<vmem>>, vector<1x16xf32>,
      %get3A_82 = vector.shape_cast %get3A_81 : vector<1x16xf32> to vector<16xf32>
      %get3A_83 = arith.index_cast %scan3A_78 : i32 to index
      %get3A_84 = arith.constant 16 : index
      %get3A_85 = tpu.vector_load %arg12[%get3A_83, %get3A_84] {strides = array<i32>} : memref<72x128xf32, #tpu.memory_space<vmem>>, vector<1x16xf32>,
      %get3A_86 = vector.shape_cast %get3A_85 : vector<1x16xf32> to vector<16xf32>
      %get3A_87 = arith.index_cast %scan3A_78 : i32 to index
      %get3A_88 = arith.constant 32 : index
      %get3A_89 = tpu.vector_load %arg12[%get3A_87, %get3A_88] {strides = array<i32>} : memref<72x128xf32, #tpu.memory_space<vmem>>, vector<1x16xf32>,
      %get3A_90 = vector.shape_cast %get3A_89 : vector<1x16xf32> to vector<16xf32>
      %get3A_91 = arith.index_cast %scan3A_78 : i32 to index
      %get3A_92 = arith.constant 48 : index
      %get3A_93 = tpu.vector_load %arg12[%get3A_91, %get3A_92] {strides = array<i32>} : memref<72x128xf32, #tpu.memory_space<vmem>>, vector<1x16xf32>,
      %get3A_94 = vector.shape_cast %get3A_93 : vector<1x16xf32> to vector<16xf32>
      %get3A_95 = arith.index_cast %scan3A_78 : i32 to index
      %get3A_96 = arith.constant 64 : index
      %get3A_97 = tpu.vector_load %arg12[%get3A_95, %get3A_96] {strides = array<i32>} : memref<72x128xf32, #tpu.memory_space<vmem>>, vector<1x16xf32>,
      %get3A_98 = vector.shape_cast %get3A_97 : vector<1x16xf32> to vector<16xf32>
      %get3A_99 = arith.index_cast %scan3A_78 : i32 to index
      %get3A_100 = arith.constant 80 : index
      %get3A_101 = tpu.vector_load %arg12[%get3A_99, %get3A_100] {strides = array<i32>} : memref<72x128xf32, #tpu.memory_space<vmem>>, vector<1x16xf32>,
      %get3A_102 = vector.shape_cast %get3A_101 : vector<1x16xf32> to vector<16xf32>
      %get3A_103 = arith.index_cast %scan3A_78 : i32 to index
      %get3A_104 = arith.constant 96 : index
      %get3A_105 = tpu.vector_load %arg12[%get3A_103, %get3A_104] {strides = array<i32>} : memref<72x128xf32, #tpu.memory_space<vmem>>, vector<1x16xf32>,
      %get3A_106 = vector.shape_cast %get3A_105 : vector<1x16xf32> to vector<16xf32>
      %get3A_107 = arith.index_cast %scan3A_78 : i32 to index
      %get3A_108 = arith.constant 112 : index
      %get3A_109 = tpu.vector_load %arg12[%get3A_107, %get3A_108] {strides = array<i32>} : memref<72x128xf32, #tpu.memory_space<vmem>>, vector<1x16xf32>,
      %get3A_110 = vector.shape_cast %get3A_109 : vector<1x16xf32> to vector<16xf32>
      %get3A_111 = arith.index_cast %scan3A_78 : i32 to index
      %get3A_112 = arith.constant 0 : index
      %get3A_113 = tpu.vector_load %arg13[%get3A_111, %get3A_112] {strides = array<i32>} : memref<72x256xf32, #tpu.memory_space<vmem>>, vector<1x16xf32>,
      %get3A_114 = vector.shape_cast %get3A_113 : vector<1x16xf32> to vector<16xf32>
      %get3A_115 = arith.index_cast %scan3A_78 : i32 to index
      %get3A_116 = arith.constant 16 : index
      %get3A_117 = tpu.vector_load %arg13[%get3A_115, %get3A_116] {strides = array<i32>} : memref<72x256xf32, #tpu.memory_space<vmem>>, vector<1x16xf32>,
      %get3A_118 = vector.shape_cast %get3A_117 : vector<1x16xf32> to vector<16xf32>
      %get3A_119 = arith.index_cast %scan3A_78 : i32 to index
      %get3A_120 = arith.constant 32 : index
      %get3A_121 = tpu.vector_load %arg13[%get3A_119, %get3A_120] {strides = array<i32>} : memref<72x256xf32, #tpu.memory_space<vmem>>, vector<1x16xf32>,
      %get3A_122 = vector.shape_cast %get3A_121 : vector<1x16xf32> to vector<16xf32>
      %get3A_123 = arith.index_cast %scan3A_78 : i32 to index
      %get3A_124 = arith.constant 48 : index
      %get3A_125 = tpu.vector_load %arg13[%get3A_123, %get3A_124] {strides = array<i32>} : memref<72x256xf32, #tpu.memory_space<vmem>>, vector<1x16xf32>,
      %get3A_126 = vector.shape_cast %get3A_125 : vector<1x16xf32> to vector<16xf32>
      %get3A_127 = arith.index_cast %scan3A_78 : i32 to index
      %get3A_128 = arith.constant 64 : index
      %get3A_129 = tpu.vector_load %arg13[%get3A_127, %get3A_128] {strides = array<i32>} : memref<72x256xf32, #tpu.memory_space<vmem>>, vector<1x16xf32>,
      %get3A_130 = vector.shape_cast %get3A_129 : vector<1x16xf32> to vector<16xf32>
      %get3A_131 = arith.index_cast %scan3A_78 : i32 to index
      %get3A_132 = arith.constant 80 : index
      %get3A_133 = tpu.vector_load %arg13[%get3A_131, %get3A_132] {strides = array<i32>} : memref<72x256xf32, #tpu.memory_space<vmem>>, vector<1x16xf32>,
      %get3A_134 = vector.shape_cast %get3A_133 : vector<1x16xf32> to vector<16xf32>
      %get3A_135 = arith.index_cast %scan3A_78 : i32 to index
      %get3A_136 = arith.constant 96 : index
      %get3A_137 = tpu.vector_load %arg13[%get3A_135, %get3A_136] {strides = array<i32>} : memref<72x256xf32, #tpu.memory_space<vmem>>, vector<1x16xf32>,
      %get3A_138 = vector.shape_cast %get3A_137 : vector<1x16xf32> to vector<16xf32>
      %get3A_139 = arith.index_cast %scan3A_78 : i32 to index
      %get3A_140 = arith.constant 112 : index
      %get3A_141 = tpu.vector_load %arg13[%get3A_139, %get3A_140] {strides = array<i32>} : memref<72x256xf32, #tpu.memory_space<vmem>>, vector<1x16xf32>,
      %get3A_142 = vector.shape_cast %get3A_141 : vector<1x16xf32> to vector<16xf32>
      %get3A_143 = arith.index_cast %scan3A_78 : i32 to index
      %get3A_144 = arith.constant 128 : index
      %get3A_145 = tpu.vector_load %arg13[%get3A_143, %get3A_144] {strides = array<i32>} : memref<72x256xf32, #tpu.memory_space<vmem>>, vector<1x16xf32>,
      %get3A_146 = vector.shape_cast %get3A_145 : vector<1x16xf32> to vector<16xf32>
      %get3A_147 = arith.index_cast %scan3A_78 : i32 to index
      %get3A_148 = arith.constant 144 : index
      %get3A_149 = tpu.vector_load %arg13[%get3A_147, %get3A_148] {strides = array<i32>} : memref<72x256xf32, #tpu.memory_space<vmem>>, vector<1x16xf32>,
      %get3A_150 = vector.shape_cast %get3A_149 : vector<1x16xf32> to vector<16xf32>
      %get3A_151 = arith.index_cast %scan3A_78 : i32 to index
      %get3A_152 = arith.constant 160 : index
      %get3A_153 = tpu.vector_load %arg13[%get3A_151, %get3A_152] {strides = array<i32>} : memref<72x256xf32, #tpu.memory_space<vmem>>, vector<1x16xf32>,
      %get3A_154 = vector.shape_cast %get3A_153 : vector<1x16xf32> to vector<16xf32>
      %get3A_155 = arith.index_cast %scan3A_78 : i32 to index
      %get3A_156 = arith.constant 176 : index
      %get3A_157 = tpu.vector_load %arg13[%get3A_155, %get3A_156] {strides = array<i32>} : memref<72x256xf32, #tpu.memory_space<vmem>>, vector<1x16xf32>,
      %get3A_158 = vector.shape_cast %get3A_157 : vector<1x16xf32> to vector<16xf32>
      %get3A_159 = arith.index_cast %scan3A_78 : i32 to index
      %get3A_160 = arith.constant 192 : index
      %get3A_161 = tpu.vector_load %arg13[%get3A_159, %get3A_160] {strides = array<i32>} : memref<72x256xf32, #tpu.memory_space<vmem>>, vector<1x16xf32>,
      %get3A_162 = vector.shape_cast %get3A_161 : vector<1x16xf32> to vector<16xf32>
      %get3A_163 = arith.index_cast %scan3A_78 : i32 to index
      %get3A_164 = arith.constant 208 : index
      %get3A_165 = tpu.vector_load %arg13[%get3A_163, %get3A_164] {strides = array<i32>} : memref<72x256xf32, #tpu.memory_space<vmem>>, vector<1x16xf32>,
      %get3A_166 = vector.shape_cast %get3A_165 : vector<1x16xf32> to vector<16xf32>
      %get3A_167 = arith.index_cast %scan3A_78 : i32 to index
      %get3A_168 = arith.constant 224 : index
      %get3A_169 = tpu.vector_load %arg13[%get3A_167, %get3A_168] {strides = array<i32>} : memref<72x256xf32, #tpu.memory_space<vmem>>, vector<1x16xf32>,
      %get3A_170 = vector.shape_cast %get3A_169 : vector<1x16xf32> to vector<16xf32>
      %get3A_171 = arith.index_cast %scan3A_78 : i32 to index
      %get3A_172 = arith.constant 240 : index
      %get3A_173 = tpu.vector_load %arg13[%get3A_171, %get3A_172] {strides = array<i32>} : memref<72x256xf32, #tpu.memory_space<vmem>>, vector<1x16xf32>,
      %get3A_174 = vector.shape_cast %get3A_173 : vector<1x16xf32> to vector<16xf32>
      %mul3A_175 = arith.mulf %get3A_82, %get3A_114 : vector<16xf32>
      %mul3A_176 = arith.mulf %get3A_86, %get3A_118 : vector<16xf32>
      %add3A_177 = arith.addf %mul3A_175, %mul3A_176 : vector<16xf32>
      %broadcast_in_dim3A_178 = vector.shape_cast %xor3A_3 : vector<16xi32> to vector<16x1xi32>
      %gather3A = vector.shape_cast %broadcast_in_dim3A_178 : vector<16x1xi32> to vector<16xi32>
      %gather3A_179 = tpu.dynamic_gather %add3A_177[%gather3A] in [0] : vector<16xf32>, vector<16xi32> -> vector<16xf32>
      %add3A_180 = arith.addf %add3A_177, %gather3A_179 : vector<16xf32>
      %broadcast_in_dim3A_181 = vector.shape_cast %xor3A_6 : vector<16xi32> to vector<16x1xi32>
      %gather3A_182 = vector.shape_cast %broadcast_in_dim3A_181 : vector<16x1xi32> to vector<16xi32>
      %gather3A_183 = tpu.dynamic_gather %add3A_180[%gather3A_182] in [0] : vector<16xf32>, vector<16xi32> -> vector<16xf32>
      %add3A_184 = arith.addf %add3A_180, %gather3A_183 : vector<16xf32>
      %broadcast_in_dim3A_185 = vector.shape_cast %xor3A_9 : vector<16xi32> to vector<16x1xi32>
      %gather3A_186 = vector.shape_cast %broadcast_in_dim3A_185 : vector<16x1xi32> to vector<16xi32>
      %gather3A_187 = tpu.dynamic_gather %add3A_184[%gather3A_186] in [0] : vector<16xf32>, vector<16xi32> -> vector<16xf32>
      %add3A_188 = arith.addf %add3A_184, %gather3A_187 : vector<16xf32>
      %broadcast_in_dim3A_189 = vector.shape_cast %xor3A_12 : vector<16xi32> to vector<16x1xi32>
      %gather3A_190 = vector.shape_cast %broadcast_in_dim3A_189 : vector<16x1xi32> to vector<16xi32>
      %gather3A_191 = tpu.dynamic_gather %add3A_188[%gather3A_190] in [0] : vector<16xf32>, vector<16xi32> -> vector<16xf32>
      %add3A_192 = arith.addf %add3A_188, %gather3A_191 : vector<16xf32>
      %mul3A_193 = arith.constant 0.176776692 : f32
      %mul3A_194 = vector.broadcast %mul3A_193 : f32 to vector<16xf32>
      %mul3A_195 = arith.mulf %add3A_192, %mul3A_194 : vector<16xf32>
      %exp3A = math.exp %mul3A_195 : vector<16xf32>
      %mul3A_196 = arith.mulf %get3A_90, %get3A_122 : vector<16xf32>
      %mul3A_197 = arith.mulf %get3A_94, %get3A_126 : vector<16xf32>
      %add3A_198 = arith.addf %mul3A_196, %mul3A_197 : vector<16xf32>
      %broadcast_in_dim3A_199 = vector.shape_cast %xor3A_3 : vector<16xi32> to vector<16x1xi32>
      %gather3A_200 = vector.shape_cast %broadcast_in_dim3A_199 : vector<16x1xi32> to vector<16xi32>
      %gather3A_201 = tpu.dynamic_gather %add3A_198[%gather3A_200] in [0] : vector<16xf32>, vector<16xi32> -> vector<16xf32>
      %add3A_202 = arith.addf %add3A_198, %gather3A_201 : vector<16xf32>
      %broadcast_in_dim3A_203 = vector.shape_cast %xor3A_6 : vector<16xi32> to vector<16x1xi32>
      %gather3A_204 = vector.shape_cast %broadcast_in_dim3A_203 : vector<16x1xi32> to vector<16xi32>
      %gather3A_205 = tpu.dynamic_gather %add3A_202[%gather3A_204] in [0] : vector<16xf32>, vector<16xi32> -> vector<16xf32>
      %add3A_206 = arith.addf %add3A_202, %gather3A_205 : vector<16xf32>
      %broadcast_in_dim3A_207 = vector.shape_cast %xor3A_9 : vector<16xi32> to vector<16x1xi32>
      %gather3A_208 = vector.shape_cast %broadcast_in_dim3A_207 : vector<16x1xi32> to vector<16xi32>
      %gather3A_209 = tpu.dynamic_gather %add3A_206[%gather3A_208] in [0] : vector<16xf32>, vector<16xi32> -> vector<16xf32>
      %add3A_210 = arith.addf %add3A_206, %gather3A_209 : vector<16xf32>
      %broadcast_in_dim3A_211 = vector.shape_cast %xor3A_12 : vector<16xi32> to vector<16x1xi32>
      %gather3A_212 = vector.shape_cast %broadcast_in_dim3A_211 : vector<16x1xi32> to vector<16xi32>
      %gather3A_213 = tpu.dynamic_gather %add3A_210[%gather3A_212] in [0] : vector<16xf32>, vector<16xi32> -> vector<16xf32>
      %add3A_214 = arith.addf %add3A_210, %gather3A_213 : vector<16xf32>
      %mul3A_215 = arith.constant 0.176776692 : f32
      %mul3A_216 = vector.broadcast %mul3A_215 : f32 to vector<16xf32>
      %mul3A_217 = arith.mulf %add3A_214, %mul3A_216 : vector<16xf32>
      %exp3A_218 = math.exp %mul3A_217 : vector<16xf32>
      %mul3A_219 = arith.mulf %get3A_98, %get3A_130 : vector<16xf32>
      %mul3A_220 = arith.mulf %get3A_102, %get3A_134 : vector<16xf32>
      %add3A_221 = arith.addf %mul3A_219, %mul3A_220 : vector<16xf32>
      %broadcast_in_dim3A_222 = vector.shape_cast %xor3A_3 : vector<16xi32> to vector<16x1xi32>
      %gather3A_223 = vector.shape_cast %broadcast_in_dim3A_222 : vector<16x1xi32> to vector<16xi32>
      %gather3A_224 = tpu.dynamic_gather %add3A_221[%gather3A_223] in [0] : vector<16xf32>, vector<16xi32> -> vector<16xf32>
      %add3A_225 = arith.addf %add3A_221, %gather3A_224 : vector<16xf32>
      %broadcast_in_dim3A_226 = vector.shape_cast %xor3A_6 : vector<16xi32> to vector<16x1xi32>
      %gather3A_227 = vector.shape_cast %broadcast_in_dim3A_226 : vector<16x1xi32> to vector<16xi32>
      %gather3A_228 = tpu.dynamic_gather %add3A_225[%gather3A_227] in [0] : vector<16xf32>, vector<16xi32> -> vector<16xf32>
      %add3A_229 = arith.addf %add3A_225, %gather3A_228 : vector<16xf32>
      %broadcast_in_dim3A_230 = vector.shape_cast %xor3A_9 : vector<16xi32> to vector<16x1xi32>
      %gather3A_231 = vector.shape_cast %broadcast_in_dim3A_230 : vector<16x1xi32> to vector<16xi32>
      %gather3A_232 = tpu.dynamic_gather %add3A_229[%gather3A_231] in [0] : vector<16xf32>, vector<16xi32> -> vector<16xf32>
      %add3A_233 = arith.addf %add3A_229, %gather3A_232 : vector<16xf32>
      %broadcast_in_dim3A_234 = vector.shape_cast %xor3A_12 : vector<16xi32> to vector<16x1xi32>
      %gather3A_235 = vector.shape_cast %broadcast_in_dim3A_234 : vector<16x1xi32> to vector<16xi32>
      %gather3A_236 = tpu.dynamic_gather %add3A_233[%gather3A_235] in [0] : vector<16xf32>, vector<16xi32> -> vector<16xf32>
      %add3A_237 = arith.addf %add3A_233, %gather3A_236 : vector<16xf32>
      %mul3A_238 = arith.constant 0.176776692 : f32
      %mul3A_239 = vector.broadcast %mul3A_238 : f32 to vector<16xf32>
      %mul3A_240 = arith.mulf %add3A_237, %mul3A_239 : vector<16xf32>
      %exp3A_241 = math.exp %mul3A_240 : vector<16xf32>
      %mul3A_242 = arith.mulf %get3A_106, %get3A_138 : vector<16xf32>
      %mul3A_243 = arith.mulf %get3A_110, %get3A_142 : vector<16xf32>
      %add3A_244 = arith.addf %mul3A_242, %mul3A_243 : vector<16xf32>
      %broadcast_in_dim3A_245 = vector.shape_cast %xor3A_3 : vector<16xi32> to vector<16x1xi32>
      %gather3A_246 = vector.shape_cast %broadcast_in_dim3A_245 : vector<16x1xi32> to vector<16xi32>
      %gather3A_247 = tpu.dynamic_gather %add3A_244[%gather3A_246] in [0] : vector<16xf32>, vector<16xi32> -> vector<16xf32>
      %add3A_248 = arith.addf %add3A_244, %gather3A_247 : vector<16xf32>
      %broadcast_in_dim3A_249 = vector.shape_cast %xor3A_6 : vector<16xi32> to vector<16x1xi32>
      %gather3A_250 = vector.shape_cast %broadcast_in_dim3A_249 : vector<16x1xi32> to vector<16xi32>
      %gather3A_251 = tpu.dynamic_gather %add3A_248[%gather3A_250] in [0] : vector<16xf32>, vector<16xi32> -> vector<16xf32>
      %add3A_252 = arith.addf %add3A_248, %gather3A_251 : vector<16xf32>
      %broadcast_in_dim3A_253 = vector.shape_cast %xor3A_9 : vector<16xi32> to vector<16x1xi32>
      %gather3A_254 = vector.shape_cast %broadcast_in_dim3A_253 : vector<16x1xi32> to vector<16xi32>
      %gather3A_255 = tpu.dynamic_gather %add3A_252[%gather3A_254] in [0] : vector<16xf32>, vector<16xi32> -> vector<16xf32>
      %add3A_256 = arith.addf %add3A_252, %gather3A_255 : vector<16xf32>
      %broadcast_in_dim3A_257 = vector.shape_cast %xor3A_12 : vector<16xi32> to vector<16x1xi32>
      %gather3A_258 = vector.shape_cast %broadcast_in_dim3A_257 : vector<16x1xi32> to vector<16xi32>
      %gather3A_259 = tpu.dynamic_gather %add3A_256[%gather3A_258] in [0] : vector<16xf32>, vector<16xi32> -> vector<16xf32>
      %add3A_260 = arith.addf %add3A_256, %gather3A_259 : vector<16xf32>
      %mul3A_261 = arith.constant 0.176776692 : f32
      %mul3A_262 = vector.broadcast %mul3A_261 : f32 to vector<16xf32>
      %mul3A_263 = arith.mulf %add3A_260, %mul3A_262 : vector<16xf32>
      %exp3A_264 = math.exp %mul3A_263 : vector<16xf32>
      %mul3A_265 = arith.mulf %get3A_146, %exp3A : vector<16xf32>
      %swap3A = arith.index_cast %scan3A_78 : i32 to index
      %swap3A_266 = arith.constant 0 : index
      %swap3A_267 = tpu.vector_load %arg14[%swap3A, %swap3A_266] {strides = array<i32>} : memref<72x144xf32, #tpu.memory_space<vmem>>, vector<1x16xf32>,
      %swap3A_268 = vector.shape_cast %swap3A_267 : vector<1x16xf32> to vector<16xf32>
      %swap3A_269 = vector.shape_cast %mul3A_265 : vector<16xf32> to vector<1x16xf32>
      tpu.vector_store %arg14[%swap3A, %swap3A_266], %swap3A_269 {strides = array<i32>} : memref<72x144xf32, #tpu.memory_space<vmem>>, vector<1x16xf32>,
      %mul3A_270 = arith.mulf %get3A_150, %exp3A : vector<16xf32>
      %swap3A_271 = arith.index_cast %scan3A_78 : i32 to index
      %swap3A_272 = arith.constant 16 : index
      %swap3A_273 = tpu.vector_load %arg14[%swap3A_271, %swap3A_272] {strides = array<i32>} : memref<72x144xf32, #tpu.memory_space<vmem>>, vector<1x16xf32>,
      %swap3A_274 = vector.shape_cast %swap3A_273 : vector<1x16xf32> to vector<16xf32>
      %swap3A_275 = vector.shape_cast %mul3A_270 : vector<16xf32> to vector<1x16xf32>
      tpu.vector_store %arg14[%swap3A_271, %swap3A_272], %swap3A_275 {strides = array<i32>} : memref<72x144xf32, #tpu.memory_space<vmem>>, vector<1x16xf32>,
      %mul3A_276 = arith.mulf %get3A_154, %exp3A_218 : vector<16xf32>
      %swap3A_277 = arith.index_cast %scan3A_78 : i32 to index
      %swap3A_278 = arith.constant 32 : index
      %swap3A_279 = tpu.vector_load %arg14[%swap3A_277, %swap3A_278] {strides = array<i32>} : memref<72x144xf32, #tpu.memory_space<vmem>>, vector<1x16xf32>,
      %swap3A_280 = vector.shape_cast %swap3A_279 : vector<1x16xf32> to vector<16xf32>
      %swap3A_281 = vector.shape_cast %mul3A_276 : vector<16xf32> to vector<1x16xf32>
      tpu.vector_store %arg14[%swap3A_277, %swap3A_278], %swap3A_281 {strides = array<i32>} : memref<72x144xf32, #tpu.memory_space<vmem>>, vector<1x16xf32>,
      %mul3A_282 = arith.mulf %get3A_158, %exp3A_218 : vector<16xf32>
      %swap3A_283 = arith.index_cast %scan3A_78 : i32 to index
      %swap3A_284 = arith.constant 48 : index
      %swap3A_285 = tpu.vector_load %arg14[%swap3A_283, %swap3A_284] {strides = array<i32>} : memref<72x144xf32, #tpu.memory_space<vmem>>, vector<1x16xf32>,
      %swap3A_286 = vector.shape_cast %swap3A_285 : vector<1x16xf32> to vector<16xf32>
      %swap3A_287 = vector.shape_cast %mul3A_282 : vector<16xf32> to vector<1x16xf32>
      tpu.vector_store %arg14[%swap3A_283, %swap3A_284], %swap3A_287 {strides = array<i32>} : memref<72x144xf32, #tpu.memory_space<vmem>>, vector<1x16xf32>,
      %mul3A_288 = arith.mulf %get3A_162, %exp3A_241 : vector<16xf32>
      %swap3A_289 = arith.index_cast %scan3A_78 : i32 to index
      %swap3A_290 = arith.constant 64 : index
      %swap3A_291 = tpu.vector_load %arg14[%swap3A_289, %swap3A_290] {strides = array<i32>} : memref<72x144xf32, #tpu.memory_space<vmem>>, vector<1x16xf32>,
      %swap3A_292 = vector.shape_cast %swap3A_291 : vector<1x16xf32> to vector<16xf32>
      %swap3A_293 = vector.shape_cast %mul3A_288 : vector<16xf32> to vector<1x16xf32>
      tpu.vector_store %arg14[%swap3A_289, %swap3A_290], %swap3A_293 {strides = array<i32>} : memref<72x144xf32, #tpu.memory_space<vmem>>, vector<1x16xf32>,
      %mul3A_294 = arith.mulf %get3A_166, %exp3A_241 : vector<16xf32>
      %swap3A_295 = arith.index_cast %scan3A_78 : i32 to index
      %swap3A_296 = arith.constant 80 : index
      %swap3A_297 = tpu.vector_load %arg14[%swap3A_295, %swap3A_296] {strides = array<i32>} : memref<72x144xf32, #tpu.memory_space<vmem>>, vector<1x16xf32>,
      %swap3A_298 = vector.shape_cast %swap3A_297 : vector<1x16xf32> to vector<16xf32>
      %swap3A_299 = vector.shape_cast %mul3A_294 : vector<16xf32> to vector<1x16xf32>
      tpu.vector_store %arg14[%swap3A_295, %swap3A_296], %swap3A_299 {strides = array<i32>} : memref<72x144xf32, #tpu.memory_space<vmem>>, vector<1x16xf32>,
      %mul3A_300 = arith.mulf %get3A_170, %exp3A_264 : vector<16xf32>
      %swap3A_301 = arith.index_cast %scan3A_78 : i32 to index
      %swap3A_302 = arith.constant 96 : index
      %swap3A_303 = tpu.vector_load %arg14[%swap3A_301, %swap3A_302] {strides = array<i32>} : memref<72x144xf32, #tpu.memory_space<vmem>>, vector<1x16xf32>,
      %swap3A_304 = vector.shape_cast %swap3A_303 : vector<1x16xf32> to vector<16xf32>
      %swap3A_305 = vector.shape_cast %mul3A_300 : vector<16xf32> to vector<1x16xf32>
      tpu.vector_store %arg14[%swap3A_301, %swap3A_302], %swap3A_305 {strides = array<i32>} : memref<72x144xf32, #tpu.memory_space<vmem>>, vector<1x16xf32>,
      %mul3A_306 = arith.mulf %get3A_174, %exp3A_264 : vector<16xf32>
      %swap3A_307 = arith.index_cast %scan3A_78 : i32 to index
      %swap3A_308 = arith.constant 112 : index
      %swap3A_309 = tpu.vector_load %arg14[%swap3A_307, %swap3A_308] {strides = array<i32>} : memref<72x144xf32, #tpu.memory_space<vmem>>, vector<1x16xf32>,
      %swap3A_310 = vector.shape_cast %swap3A_309 : vector<1x16xf32> to vector<16xf32>
      %swap3A_311 = vector.shape_cast %mul3A_306 : vector<16xf32> to vector<1x16xf32>
      tpu.vector_store %arg14[%swap3A_307, %swap3A_308], %swap3A_311 {strides = array<i32>} : memref<72x144xf32, #tpu.memory_space<vmem>>, vector<1x16xf32>,
      %lt3A_312 = arith.constant 1 : i32
      %lt3A_313 = vector.broadcast %lt3A_312 : i32 to vector<16xi32>
      %lt3A_314 = arith.cmpi slt, %iota3A, %lt3A_313 : vector<16xi32>
      %lt3A_315 = arith.constant 2 : i32
      %lt3A_316 = vector.broadcast %lt3A_315 : i32 to vector<16xi32>
      %lt3A_317 = arith.cmpi slt, %iota3A, %lt3A_316 : vector<16xi32>
      %lt3A_318 = arith.constant 3 : i32
      %lt3A_319 = vector.broadcast %lt3A_318 : i32 to vector<16xi32>
      %lt3A_320 = arith.cmpi slt, %iota3A, %lt3A_319 : vector<16xi32>
      %select_n3A = arith.select %lt3A_320, %exp3A_241, %exp3A_264 : vector<16xi1>, vector<16xf32>
      %select_n3A_321 = arith.select %lt3A_317, %exp3A_218, %select_n3A : vector<16xi1>, vector<16xf32>
      %select_n3A_322 = arith.select %lt3A_314, %exp3A, %select_n3A_321 : vector<16xi1>, vector<16xf32>
      %lt3A_323 = arith.constant 4 : i32
      %lt3A_324 = vector.broadcast %lt3A_323 : i32 to vector<16xi32>
      %lt3A_325 = arith.cmpi slt, %iota3A, %lt3A_324 : vector<16xi32>
      %jit3A = arith.constant 0.000000e+00 : f32
      %broadcast_in_dim3A_326 = vector.broadcast %jit3A : f32 to vector<16xf32>
      %select_n3A_327 = arith.select %lt3A_325, %select_n3A_322, %broadcast_in_dim3A_326 : vector<16xi1>, vector<16xf32>
      %swap3A_328 = arith.index_cast %scan3A_78 : i32 to index
      %swap3A_329 = arith.constant 128 : index
      %swap3A_330 = tpu.vector_load %arg14[%swap3A_328, %swap3A_329] {strides = array<i32>} : memref<72x144xf32, #tpu.memory_space<vmem>>, vector<1x16xf32>,
      %swap3A_331 = vector.shape_cast %swap3A_330 : vector<1x16xf32> to vector<16xf32>
      %swap3A_332 = vector.shape_cast %select_n3A_327 : vector<16xf32> to vector<1x16xf32>
      tpu.vector_store %arg14[%swap3A_328, %swap3A_329], %swap3A_332 {strides = array<i32>} : memref<72x144xf32, #tpu.memory_space<vmem>>, vector<1x16xf32>,
      %scan3A_333 = arith.constant 0 : i32
      scf.yield %scan3A_333 : i32
    }
    %scan3A_66 = arith.constant 64 : i32
    "tpu.region"() ({
      %run_scoped3A = tpu.sem_alloc : memref<!tpu.dma_semaphore, #tpu.memory_space<semaphore_mem>>
      %dma_start3A_78 = arith.constant 0 : i32
      %dma_start3A_79 = arith.constant 0 : i32
      %dma_start3A_80 = tpu.memref_slice %arg14[%dma_start3A_78, %dma_start3A_79] : memref<72x144xf32, #tpu.memory_space<vmem>> -> memref<64x144xf32, #tpu.memory_space<vmem>>
      %dma_start3A_81 = arith.constant 0 : i32
      %dma_start3A_82 = arith.constant 0 : i32
      %dma_start3A_83 = tpu.memref_slice %arg7[%dma_start3A_81, %dma_start3A_82] : memref<10000x144xf32, #tpu.memory_space<vmem_shared>> -> memref<10000x144xf32, #tpu.memory_space<vmem_shared>>
      tpu.enqueue_indirect_dma source(%dma_start3A_80 : memref<64x144xf32, #tpu.memory_space<vmem>>) target(%dma_start3A_83 : memref<10000x144xf32, #tpu.memory_space<vmem_shared>>) offsets(%arg11 : memref<64xi32, #tpu.memory_space<vmem>>) semaphore(%run_scoped3A : memref<!tpu.dma_semaphore, #tpu.memory_space<semaphore_mem>>) {add = true}
      %dma_wait3A_84 = arith.constant 0 : i32
      %dma_wait3A_85 = arith.constant 0 : i32
      %dma_wait3A_86 = tpu.memref_slice %arg14[%dma_wait3A_84, %dma_wait3A_85] : memref<72x144xf32, #tpu.memory_space<vmem>> -> memref<64x144xf32, #tpu.memory_space<vmem>>
      %dma_wait3A_87 = arith.constant 0 : i32
      %dma_wait3A_88 = arith.constant 0 : i32
      %dma_wait3A_89 = tpu.memref_slice %arg7[%dma_wait3A_87, %dma_wait3A_88] : memref<10000x144xf32, #tpu.memory_space<vmem_shared>> -> memref<10000x144xf32, #tpu.memory_space<vmem_shared>>
      tpu.wait_indirect_dma semaphore(%run_scoped3A : memref<!tpu.dma_semaphore, #tpu.memory_space<semaphore_mem>>) src(%dma_wait3A_86 : memref<64x144xf32, #tpu.memory_space<vmem>>) dst(%dma_wait3A_89 : memref<10000x144xf32, #tpu.memory_space<vmem_shared>>)
      tpu.yield
    }) : () -> ()
    %barrier3A_67 = arith.constant 0 : index
    tpu.barrier barrier_id(%barrier3A_67)
    %lt3A_68 = arith.constant 15 : i32
    %lt3A_69 = arith.cmpi slt, %arg1, %lt3A_68 : i32
    %convert_element_type3A_70 = arith.extui %lt3A_69 : i1 to i32
    %cond3A_71 = arith.constant 0 : i32
    %cond3A_72 = arith.cmpi ne, %convert_element_type3A_70, %cond3A_71 : i32
    scf.if %cond3A_72 {
      "tpu.region"() ({
        %run_scoped3A = tpu.sem_alloc : memref<!tpu.dma_semaphore, #tpu.memory_space<semaphore_mem>>
        %dma_start3A_78 = arith.constant 0 : i32
        %dma_start3A_79 = tpu.memref_slice %arg6[%arg0, %mul3A_20, %dma_start3A_78] : memref<2x10000x144xf32, #tpu.memory_space<hbm>> -> memref<1x632x144xf32, #tpu.memory_space<hbm>>
        %dma_start3A_80 = tpu.memref_squeeze %dma_start3A_79 : memref<1x632x144xf32, #tpu.memory_space<hbm>> -> memref<632x144xf32, #tpu.memory_space<hbm>>
        %dma_start3A_81 = arith.constant 0 : i32
        %dma_start3A_82 = tpu.memref_slice %arg7[%mul3A_20, %dma_start3A_81] : memref<10000x144xf32, #tpu.memory_space<vmem_shared>> -> memref<632x144xf32, #tpu.memory_space<vmem_shared>>
        tpu.enqueue_dma source(%dma_start3A_82 : memref<632x144xf32, #tpu.memory_space<vmem_shared>>) target(%dma_start3A_80 : memref<632x144xf32, #tpu.memory_space<hbm>>) target_semaphore(%run_scoped3A : memref<!tpu.dma_semaphore, #tpu.memory_space<semaphore_mem>>)
        %dma_wait3A_83 = arith.constant 0 : i32
        %dma_wait3A_84 = tpu.memref_slice %arg6[%arg0, %mul3A_20, %dma_wait3A_83] : memref<2x10000x144xf32, #tpu.memory_space<hbm>> -> memref<1x632x144xf32, #tpu.memory_space<hbm>>
        %dma_wait3A_85 = tpu.memref_squeeze %dma_wait3A_84 : memref<1x632x144xf32, #tpu.memory_space<hbm>> -> memref<632x144xf32, #tpu.memory_space<hbm>>
        %dma_wait3A_86 = arith.constant 0 : i32
        %dma_wait3A_87 = tpu.memref_slice %arg7[%mul3A_20, %dma_wait3A_86] : memref<10000x144xf32, #tpu.memory_space<vmem_shared>> -> memref<632x144xf32, #tpu.memory_space<vmem_shared>>
        tpu.wait_dma2 semaphore(%run_scoped3A : memref<!tpu.dma_semaphore, #tpu.memory_space<semaphore_mem>>) src(%dma_wait3A_87 : memref<632x144xf32, #tpu.memory_space<vmem_shared>>) dst(%dma_wait3A_85 : memref<632x144xf32, #tpu.memory_space<hbm>>)
        tpu.yield
      }) : () -> ()
    } else {
    }
    %eq3A_73 = arith.constant 15 : i32
    %eq3A_74 = arith.cmpi eq, %arg1, %eq3A_73 : i32
    %convert_element_type3A_75 = arith.extui %eq3A_74 : i1 to i32
    %cond3A_76 = arith.constant 0 : i32
    %cond3A_77 = arith.cmpi ne, %convert_element_type3A_75, %cond3A_76 : i32
    scf.if %cond3A_77 {
      "tpu.region"() ({
        %run_scoped3A = tpu.sem_alloc : memref<!tpu.dma_semaphore, #tpu.memory_space<semaphore_mem>>
        %dma_start3A_78 = arith.constant 0 : i32
        %dma_start3A_79 = tpu.memref_slice %arg6[%arg0, %mul3A_20, %dma_start3A_78] : memref<2x10000x144xf32, #tpu.memory_space<hbm>> -> memref<1x520x144xf32, #tpu.memory_space<hbm>>
        %dma_start3A_80 = tpu.memref_squeeze %dma_start3A_79 : memref<1x520x144xf32, #tpu.memory_space<hbm>> -> memref<520x144xf32, #tpu.memory_space<hbm>>
        %dma_start3A_81 = arith.constant 0 : i32
        %dma_start3A_82 = tpu.memref_slice %arg7[%mul3A_20, %dma_start3A_81] : memref<10000x144xf32, #tpu.memory_space<vmem_shared>> -> memref<520x144xf32, #tpu.memory_space<vmem_shared>>
        tpu.enqueue_dma source(%dma_start3A_82 : memref<520x144xf32, #tpu.memory_space<vmem_shared>>) target(%dma_start3A_80 : memref<520x144xf32, #tpu.memory_space<hbm>>) target_semaphore(%run_scoped3A : memref<!tpu.dma_semaphore, #tpu.memory_space<semaphore_mem>>)
        %dma_wait3A_83 = arith.constant 0 : i32
        %dma_wait3A_84 = tpu.memref_slice %arg6[%arg0, %mul3A_20, %dma_wait3A_83] : memref<2x10000x144xf32, #tpu.memory_space<hbm>> -> memref<1x520x144xf32, #tpu.memory_space<hbm>>
        %dma_wait3A_85 = tpu.memref_squeeze %dma_wait3A_84 : memref<1x520x144xf32, #tpu.memory_space<hbm>> -> memref<520x144xf32, #tpu.memory_space<hbm>>
        %dma_wait3A_86 = arith.constant 0 : i32
        %dma_wait3A_87 = tpu.memref_slice %arg7[%mul3A_20, %dma_wait3A_86] : memref<10000x144xf32, #tpu.memory_space<vmem_shared>> -> memref<520x144xf32, #tpu.memory_space<vmem_shared>>
        tpu.wait_dma2 semaphore(%run_scoped3A : memref<!tpu.dma_semaphore, #tpu.memory_space<semaphore_mem>>) src(%dma_wait3A_87 : memref<520x144xf32, #tpu.memory_space<vmem_shared>>) dst(%dma_wait3A_85 : memref<520x144xf32, #tpu.memory_space<hbm>>)
        tpu.yield
      }) : () -> ()
    } else {
    }
    return
  }
}

module attributes {stable_mosaic.version = 14 : i64} {
  func.func @_mm1_body(%arg0: i32, %arg1: memref<1000x128xf32, #tpu.memory_space<vmem>>, %arg2: memref<128x512xf32, #tpu.memory_space<vmem>>, %arg3: memref<1x512xf32, #tpu.memory_space<vmem>>, %arg4: memref<1000x128xf32, #tpu.memory_space<vmem>>, %arg5: memref<1000x256xf32, #tpu.memory_space<vmem>>, %arg6: memref<1000x128xf32, #tpu.memory_space<vmem>>) attributes {dimension_semantics = [#tpu.dimension_semantics<arbitrary>], iteration_bounds = array<i64: 10>, scalar_prefetch = 0 : i64, scratch_operands = 0 : i64, tpu.core_type = #tpu.core_type<tc>, window_params = [{transform_indices = @transform_0, window_bounds = array<i64: 1000, 128>}, {pipeline_mode = #tpu.pipeline_mode<synchronous>, transform_indices = @transform_1, window_bounds = array<i64: 128, 512>}, {pipeline_mode = #tpu.pipeline_mode<synchronous>, transform_indices = @transform_2, window_bounds = array<i64: 1, 512>}, {transform_indices = @transform_3, window_bounds = array<i64: 1000, 128>}, {transform_indices = @transform_4, window_bounds = array<i64: 1000, 256>}, {transform_indices = @transform_5, window_bounds = array<i64: 1000, 128>}]} {
    %get3A = arith.constant 0 : index
    %get3A_0 = arith.constant 0 : index
    %get3A_1 = vector.load %arg1[%get3A, %get3A_0] : memref<1000x128xf32, #tpu.memory_space<vmem>>, vector<1000x128xf32>
    %get3A_2 = arith.constant 0 : index
    %get3A_3 = arith.constant 0 : index
    %get3A_4 = vector.load %arg2[%get3A_2, %get3A_3] : memref<128x512xf32, #tpu.memory_space<vmem>>, vector<128x512xf32>
    %dot_general3A = arith.constant dense<0.000000e+00> : vector<1000x512xf32>
    %dot_general3A_5 = tpu.matmul %get3A_1, %get3A_4, %dot_general3A {dimension_numbers = #tpu.dot_dimension_numbers<[1], [0], [0], [1], [0, 0, 1, 1], [], []>, transpose_lhs_hint = false} : vector<1000x128xf32>, vector<128x512xf32>, vector<1000x512xf32> -> vector<1000x512xf32>
    %get3A_6 = arith.constant 0 : index
    %get3A_7 = arith.constant 0 : index
    %get3A_8 = vector.load %arg3[%get3A_6, %get3A_7] : memref<1x512xf32, #tpu.memory_space<vmem>>, vector<1x512xf32>
    %add3A = vector.broadcast %get3A_8 : vector<1x512xf32> to vector<1000x512xf32>
    %add3A_9 = arith.addf %dot_general3A_5, %add3A : vector<1000x512xf32>
    %slice3A = vector.extract_strided_slice %add3A_9 {offsets = [0, 0], sizes = [1000, 128], strides = [1, 1]} : vector<1000x512xf32> to vector<1000x128xf32>
    %swap3A = arith.constant 0 : index
    %swap3A_10 = arith.constant 0 : index
    %swap3A_11 = vector.load %arg4[%swap3A, %swap3A_10] : memref<1000x128xf32, #tpu.memory_space<vmem>>, vector<1000x128xf32>
    tpu.vector_store %arg4[%swap3A, %swap3A_10], %slice3A {strides = array<i32>} : memref<1000x128xf32, #tpu.memory_space<vmem>>, vector<1000x128xf32>,
    %slice3A_12 = vector.extract_strided_slice %add3A_9 {offsets = [0, 128], sizes = [1000, 256], strides = [1, 1]} : vector<1000x512xf32> to vector<1000x256xf32>
    %swap3A_13 = arith.constant 0 : index
    %swap3A_14 = arith.constant 0 : index
    %swap3A_15 = vector.load %arg5[%swap3A_13, %swap3A_14] : memref<1000x256xf32, #tpu.memory_space<vmem>>, vector<1000x256xf32>
    tpu.vector_store %arg5[%swap3A_13, %swap3A_14], %slice3A_12 {strides = array<i32>} : memref<1000x256xf32, #tpu.memory_space<vmem>>, vector<1000x256xf32>,
    %slice3A_16 = vector.extract_strided_slice %add3A_9 {offsets = [0, 384], sizes = [1000, 128], strides = [1, 1]} : vector<1000x512xf32> to vector<1000x128xf32>
    %swap3A_17 = arith.constant 0 : index
    %swap3A_18 = arith.constant 0 : index
    %swap3A_19 = vector.load %arg6[%swap3A_17, %swap3A_18] : memref<1000x128xf32, #tpu.memory_space<vmem>>, vector<1000x128xf32>
    tpu.vector_store %arg6[%swap3A_17, %swap3A_18], %slice3A_16 {strides = array<i32>} : memref<1000x128xf32, #tpu.memory_space<vmem>>, vector<1000x128xf32>,
    return
  }
  func.func @transform_0(%arg0: i32) -> (i32, i32) {
    %c0_i32 = arith.constant 0 : i32
    %c0_i32_0 = arith.constant 0 : i32
    return %arg0, %c0_i32 : i32, i32
  }
  func.func @transform_1(%arg0: i32) -> (i32, i32) {
    %c0_i32 = arith.constant 0 : i32
    %c0_i32_0 = arith.constant 0 : i32
    %c0_i32_1 = arith.constant 0 : i32
    return %c0_i32, %c0_i32_0 : i32, i32
  }
  func.func @transform_2(%arg0: i32) -> (i32, i32) {
    %c0_i32 = arith.constant 0 : i32
    %c0_i32_0 = arith.constant 0 : i32
    %c0_i32_1 = arith.constant 0 : i32
    return %c0_i32, %c0_i32_0 : i32, i32
  }
  func.func @transform_3(%arg0: i32) -> (i32, i32) {
    %c0_i32 = arith.constant 0 : i32
    %c0_i32_0 = arith.constant 0 : i32
    return %arg0, %c0_i32 : i32, i32
  }
  func.func @transform_4(%arg0: i32) -> (i32, i32) {
    %c0_i32 = arith.constant 0 : i32
    %c0_i32_0 = arith.constant 0 : i32
    return %arg0, %c0_i32 : i32, i32
  }
  func.func @transform_5(%arg0: i32) -> (i32, i32) {
    %c0_i32 = arith.constant 0 : i32
    %c0_i32_0 = arith.constant 0 : i32
    return %arg0, %c0_i32 : i32, i32
  }
}

module attributes {stable_mosaic.version = 14 : i64} {
  func.func @_mm2_body(%arg0: i32, %arg1: memref<2x1000x144xf32, #tpu.memory_space<vmem>>, %arg2: memref<1000x128xf32, #tpu.memory_space<vmem>>, %arg3: memref<4x128xf32, #tpu.memory_space<vmem>>, %arg4: memref<128x16xf32, #tpu.memory_space<vmem>>, %arg5: memref<1x16xf32, #tpu.memory_space<vmem>>, %arg6: memref<1000x16xf32, #tpu.memory_space<vmem>>, %arg7: memref<1000x32xf32, #tpu.memory_space<vmem>>, %arg8: memref<1000x16xf32, #tpu.memory_space<vmem>>) attributes {dimension_semantics = [#tpu.dimension_semantics<arbitrary>], iteration_bounds = array<i64: 10>, scalar_prefetch = 0 : i64, scratch_operands = 0 : i64, tpu.core_type = #tpu.core_type<tc>, window_params = [{transform_indices = @transform_0, window_bounds = array<i64: 2, 1000, 144>}, {transform_indices = @transform_1, window_bounds = array<i64: 1000, 128>}, {pipeline_mode = #tpu.pipeline_mode<synchronous>, transform_indices = @transform_2, window_bounds = array<i64: 4, 128>}, {pipeline_mode = #tpu.pipeline_mode<synchronous>, transform_indices = @transform_3, window_bounds = array<i64: 128, 16>}, {pipeline_mode = #tpu.pipeline_mode<synchronous>, transform_indices = @transform_4, window_bounds = array<i64: 1, 16>}, {transform_indices = @transform_5, window_bounds = array<i64: 1000, 16>}, {transform_indices = @transform_6, window_bounds = array<i64: 1000, 32>}, {transform_indices = @transform_7, window_bounds = array<i64: 1000, 16>}]} {
    %get3A = arith.constant 0 : index
    %get3A_0 = arith.constant 0 : index
    %get3A_1 = arith.constant 0 : index
    %get3A_2 = vector.load %arg1[%get3A, %get3A_0, %get3A_1] : memref<2x1000x144xf32, #tpu.memory_space<vmem>>, vector<1x1000x144xf32>
    %get3A_3 = vector.shape_cast %get3A_2 : vector<1x1000x144xf32> to vector<1000x144xf32>
    %get3A_4 = arith.constant 1 : index
    %get3A_5 = arith.constant 0 : index
    %get3A_6 = arith.constant 0 : index
    %get3A_7 = vector.load %arg1[%get3A_4, %get3A_5, %get3A_6] : memref<2x1000x144xf32, #tpu.memory_space<vmem>>, vector<1x1000x144xf32>
    %get3A_8 = vector.shape_cast %get3A_7 : vector<1x1000x144xf32> to vector<1000x144xf32>
    %add3A = arith.addf %get3A_3, %get3A_8 : vector<1000x144xf32>
    %slice3A = vector.extract_strided_slice %add3A {offsets = [0, 0], sizes = [1000, 128], strides = [1, 1]} : vector<1000x144xf32> to vector<1000x128xf32>
    %slice3A_9 = vector.extract_strided_slice %add3A {offsets = [0, 128], sizes = [1000, 4], strides = [1, 1]} : vector<1000x144xf32> to vector<1000x4xf32>
    %get3A_10 = arith.constant 0 : index
    %get3A_11 = arith.constant 0 : index
    %get3A_12 = vector.load %arg3[%get3A_10, %get3A_11] : memref<4x128xf32, #tpu.memory_space<vmem>>, vector<4x128xf32>
    %dot_general3A = arith.constant dense<0.000000e+00> : vector<1000x128xf32>
    %dot_general3A_13 = tpu.matmul %slice3A_9, %get3A_12, %dot_general3A {dimension_numbers = #tpu.dot_dimension_numbers<[1], [0], [0], [1], [0, 0, 1, 1], [], []>, transpose_lhs_hint = false} : vector<1000x4xf32>, vector<4x128xf32>, vector<1000x128xf32> -> vector<1000x128xf32>
    %add3A_14 = arith.constant 1.000000e-16 : f32
    %add3A_15 = vector.broadcast %add3A_14 : f32 to vector<1000x128xf32>
    %add3A_16 = arith.addf %dot_general3A_13, %add3A_15 : vector<1000x128xf32>
    %div3A = arith.divf %slice3A, %add3A_16 : vector<1000x128xf32>
    %get3A_17 = arith.constant 0 : index
    %get3A_18 = arith.constant 0 : index
    %get3A_19 = vector.load %arg2[%get3A_17, %get3A_18] : memref<1000x128xf32, #tpu.memory_space<vmem>>, vector<1000x128xf32>
    %add3A_20 = arith.addf %div3A, %get3A_19 : vector<1000x128xf32>
    %max3A = arith.constant 0.000000e+00 : f32
    %max3A_21 = vector.broadcast %max3A : f32 to vector<1000x128xf32>
    %max3A_22 = arith.maximumf %add3A_20, %max3A_21 : vector<1000x128xf32>
    %get3A_23 = arith.constant 0 : index
    %get3A_24 = arith.constant 0 : index
    %get3A_25 = vector.load %arg4[%get3A_23, %get3A_24] : memref<128x16xf32, #tpu.memory_space<vmem>>, vector<128x16xf32>
    %dot_general3A_26 = arith.constant dense<0.000000e+00> : vector<1000x16xf32>
    %dot_general3A_27 = tpu.matmul %max3A_22, %get3A_25, %dot_general3A_26 {dimension_numbers = #tpu.dot_dimension_numbers<[1], [0], [0], [1], [0, 0, 1, 1], [], []>, transpose_lhs_hint = false} : vector<1000x128xf32>, vector<128x16xf32>, vector<1000x16xf32> -> vector<1000x16xf32>
    %get3A_28 = arith.constant 0 : index
    %get3A_29 = arith.constant 0 : index
    %get3A_30 = vector.load %arg5[%get3A_28, %get3A_29] : memref<1x16xf32, #tpu.memory_space<vmem>>, vector<1x16xf32>
    %add3A_31 = vector.broadcast %get3A_30 : vector<1x16xf32> to vector<1000x16xf32>
    %add3A_32 = arith.addf %dot_general3A_27, %add3A_31 : vector<1000x16xf32>
    %slice3A_33 = vector.extract_strided_slice %add3A_32 {offsets = [0, 0], sizes = [1000, 4], strides = [1, 1]} : vector<1000x16xf32> to vector<1000x4xf32>
    %slice3A_34 = vector.extract_strided_slice %add3A_32 {offsets = [0, 4], sizes = [1000, 4], strides = [1, 1]} : vector<1000x16xf32> to vector<1000x4xf32>
    %slice3A_35 = vector.extract_strided_slice %add3A_32 {offsets = [0, 8], sizes = [1000, 4], strides = [1, 1]} : vector<1000x16xf32> to vector<1000x4xf32>
    %broadcast_in_dim3A = arith.constant 0.000000e+00 : f32
    %broadcast_in_dim3A_36 = vector.broadcast %broadcast_in_dim3A : f32 to vector<1000x8xf32>
    %broadcast_in_dim3A_37 = arith.constant 1.000000e+00 : f32
    %broadcast_in_dim3A_38 = vector.broadcast %broadcast_in_dim3A_37 : f32 to vector<1000x4xf32>
    %concatenate3A = tpu.concatenate %slice3A_33, %slice3A_33, %broadcast_in_dim3A_36 in 1 : vector<1000x4xf32>, vector<1000x4xf32>, vector<1000x8xf32> -> vector<1000x16xf32>
    %swap3A = arith.constant 0 : index
    %swap3A_39 = arith.constant 0 : index
    %swap3A_40 = vector.load %arg6[%swap3A, %swap3A_39] : memref<1000x16xf32, #tpu.memory_space<vmem>>, vector<1000x16xf32>
    tpu.vector_store %arg6[%swap3A, %swap3A_39], %concatenate3A {strides = array<i32>} : memref<1000x16xf32, #tpu.memory_space<vmem>>, vector<1000x16xf32>,
    %concatenate3A_41 = tpu.concatenate %slice3A_34, %slice3A_34, %broadcast_in_dim3A_36, %broadcast_in_dim3A_38, %slice3A_35, %broadcast_in_dim3A_36 in 1 : vector<1000x4xf32>, vector<1000x4xf32>, vector<1000x8xf32>, vector<1000x4xf32>, vector<1000x4xf32>, vector<1000x8xf32> -> vector<1000x32xf32>
    %swap3A_42 = arith.constant 0 : index
    %swap3A_43 = arith.constant 0 : index
    %swap3A_44 = vector.load %arg7[%swap3A_42, %swap3A_43] : memref<1000x32xf32, #tpu.memory_space<vmem>>, vector<1000x32xf32>
    tpu.vector_store %arg7[%swap3A_42, %swap3A_43], %concatenate3A_41 {strides = array<i32>} : memref<1000x32xf32, #tpu.memory_space<vmem>>, vector<1000x32xf32>,
    %swap3A_45 = arith.constant 0 : index
    %swap3A_46 = arith.constant 0 : index
    %swap3A_47 = vector.load %arg8[%swap3A_45, %swap3A_46] : memref<1000x16xf32, #tpu.memory_space<vmem>>, vector<1000x16xf32>
    tpu.vector_store %arg8[%swap3A_45, %swap3A_46], %add3A_32 {strides = array<i32>} : memref<1000x16xf32, #tpu.memory_space<vmem>>, vector<1000x16xf32>,
    return
  }
  func.func @transform_0(%arg0: i32) -> (i32, i32, i32) {
    %c0_i32 = arith.constant 0 : i32
    %c0_i32_0 = arith.constant 0 : i32
    %c0_i32_1 = arith.constant 0 : i32
    return %c0_i32, %arg0, %c0_i32_0 : i32, i32, i32
  }
  func.func @transform_1(%arg0: i32) -> (i32, i32) {
    %c0_i32 = arith.constant 0 : i32
    %c0_i32_0 = arith.constant 0 : i32
    return %arg0, %c0_i32 : i32, i32
  }
  func.func @transform_2(%arg0: i32) -> (i32, i32) {
    %c0_i32 = arith.constant 0 : i32
    %c0_i32_0 = arith.constant 0 : i32
    %c0_i32_1 = arith.constant 0 : i32
    return %c0_i32, %c0_i32_0 : i32, i32
  }
  func.func @transform_3(%arg0: i32) -> (i32, i32) {
    %c0_i32 = arith.constant 0 : i32
    %c0_i32_0 = arith.constant 0 : i32
    %c0_i32_1 = arith.constant 0 : i32
    return %c0_i32, %c0_i32_0 : i32, i32
  }
  func.func @transform_4(%arg0: i32) -> (i32, i32) {
    %c0_i32 = arith.constant 0 : i32
    %c0_i32_0 = arith.constant 0 : i32
    %c0_i32_1 = arith.constant 0 : i32
    return %c0_i32, %c0_i32_0 : i32, i32
  }
  func.func @transform_5(%arg0: i32) -> (i32, i32) {
    %c0_i32 = arith.constant 0 : i32
    %c0_i32_0 = arith.constant 0 : i32
    return %arg0, %c0_i32 : i32, i32
  }
  func.func @transform_6(%arg0: i32) -> (i32, i32) {
    %c0_i32 = arith.constant 0 : i32
    %c0_i32_0 = arith.constant 0 : i32
    return %arg0, %c0_i32 : i32, i32
  }
  func.func @transform_7(%arg0: i32) -> (i32, i32) {
    %c0_i32 = arith.constant 0 : i32
    %c0_i32_0 = arith.constant 0 : i32
    return %arg0, %c0_i32 : i32, i32
  }
}

module attributes {stable_mosaic.version = 14 : i64} {
  func.func @_fin_body(%arg0: memref<2x10000x16xf32, #tpu.memory_space<vmem>>, %arg1: memref<10000x16xf32, #tpu.memory_space<vmem>>, %arg2: memref<1x4xf32, #tpu.memory_space<vmem>>, %arg3: memref<1x1xf32, #tpu.memory_space<vmem>>, %arg4: memref<1x1xf32, #tpu.memory_space<vmem>>) attributes {dimension_semantics = [], scalar_prefetch = 0 : i64, scratch_operands = 0 : i64, tpu.core_type = #tpu.core_type<tc>} {
    %get3A = arith.constant 0 : index
    %get3A_0 = arith.constant 0 : index
    %get3A_1 = arith.constant 0 : index
    %get3A_2 = vector.load %arg0[%get3A, %get3A_0, %get3A_1] : memref<2x10000x16xf32, #tpu.memory_space<vmem>>, vector<1x10000x16xf32>
    %get3A_3 = vector.shape_cast %get3A_2 : vector<1x10000x16xf32> to vector<10000x16xf32>
    %get3A_4 = arith.constant 1 : index
    %get3A_5 = arith.constant 0 : index
    %get3A_6 = arith.constant 0 : index
    %get3A_7 = vector.load %arg0[%get3A_4, %get3A_5, %get3A_6] : memref<2x10000x16xf32, #tpu.memory_space<vmem>>, vector<1x10000x16xf32>
    %get3A_8 = vector.shape_cast %get3A_7 : vector<1x10000x16xf32> to vector<10000x16xf32>
    %add3A = arith.addf %get3A_3, %get3A_8 : vector<10000x16xf32>
    %slice3A = vector.extract_strided_slice %add3A {offsets = [0, 0], sizes = [10000, 4], strides = [1, 1]} : vector<10000x16xf32> to vector<10000x4xf32>
    %slice3A_9 = vector.extract_strided_slice %add3A {offsets = [0, 4], sizes = [10000, 4], strides = [1, 1]} : vector<10000x16xf32> to vector<10000x4xf32>
    %add3A_10 = arith.constant 1.000000e-16 : f32
    %add3A_11 = vector.broadcast %add3A_10 : f32 to vector<10000x4xf32>
    %add3A_12 = arith.addf %slice3A, %add3A_11 : vector<10000x4xf32>
    %div3A = arith.divf %slice3A_9, %add3A_12 : vector<10000x4xf32>
    %get3A_13 = arith.constant 0 : index
    %get3A_14 = arith.constant 12 : index
    %get3A_15 = vector.load %arg1[%get3A_13, %get3A_14] : memref<10000x16xf32, #tpu.memory_space<vmem>>, vector<10000x4xf32>
    %add3A_16 = arith.addf %div3A, %get3A_15 : vector<10000x4xf32>
    %reduce_sum3A = arith.constant dense<0.000000e+00> : vector<4xf32>
    %reduce_sum3A_17 = vector.multi_reduction <add>, %add3A_16, %reduce_sum3A [0] : vector<10000x4xf32> to vector<4xf32>
    %broadcast_in_dim3A = vector.shape_cast %reduce_sum3A_17 : vector<4xf32> to vector<1x4xf32>
    %mul3A = arith.constant 9.99999974E-5 : f32
    %mul3A_18 = vector.broadcast %mul3A : f32 to vector<1x4xf32>
    %mul3A_19 = arith.mulf %broadcast_in_dim3A, %mul3A_18 : vector<1x4xf32>
    %get3A_20 = arith.constant 0 : index
    %get3A_21 = arith.constant 0 : index
    %get3A_22 = vector.load %arg2[%get3A_20, %get3A_21] : memref<1x4xf32, #tpu.memory_space<vmem>>, vector<1x4xf32>
    %mul3A_23 = arith.mulf %mul3A_19, %get3A_22 : vector<1x4xf32>
    %reduce_sum3A_24 = arith.constant dense<0.000000e+00> : vector<1xf32>
    %reduce_sum3A_25 = vector.multi_reduction <add>, %mul3A_23, %reduce_sum3A_24 [1] : vector<1x4xf32> to vector<1xf32>
    %broadcast_in_dim3A_26 = vector.shape_cast %reduce_sum3A_25 : vector<1xf32> to vector<1x1xf32>
    %get3A_27 = arith.constant 0 : index
    %get3A_28 = arith.constant 0 : index
    %get3A_29 = vector.load %arg3[%get3A_27, %get3A_28] : memref<1x1xf32, #tpu.memory_space<vmem>>, vector<1x1xf32>
    %add3A_30 = arith.addf %broadcast_in_dim3A_26, %get3A_29 : vector<1x1xf32>
    %swap3A = arith.constant 0 : index
    %swap3A_31 = arith.constant 0 : index
    %swap3A_32 = vector.load %arg4[%swap3A, %swap3A_31] : memref<1x1xf32, #tpu.memory_space<vmem>>, vector<1x1xf32>
    tpu.vector_store %arg4[%swap3A, %swap3A_31], %add3A_30 {strides = array<i32>} : memref<1x1xf32, #tpu.memory_space<vmem>>, vector<1x1xf32>,
    return
  }
}

</mosaic_0001>

<sc_bundles>
// kernel: kernel.10.cloned.1.call-start
scs
__scs_entry_jumppad:
0x0: {  	(pc) =	sbr.rel $0x88, $3  }
0x1: {  	(tag) =	ssettag $0x0;
	lr =	simm.s32 $0x1  }
0x2: {  	[smem:$0x3F8D] =	sst lr;
	_ =	strace $0xD0000000  }
0x3: {  	_ = 	snop  }
0x4: {  	_ = 	snop  }
0x5: {  	_ = 	snop  }
0x6: {  	_ = 	snop  }
0x7: {  	_ = 	snop  }
__scs_overlays_trampoline_lowered:
0x8: {  	[smem:$0x3F9C] =	sst s0  }
0x9: {  	[smem:$0x3F9D] =	sst s1  }
0xa: {  	[smem:$0x3F9E] =	sst s2  }
0xb: {  	[smem:$0x3F9F] =	sst s3  }
0xc: {  	[smem:$0x3FA0] =	sst s4  }
0xd: {  	[smem:$0x3FA1] =	sst s5  }
0xe: {  	[smem:$0x3FA2] =	sst s6  }
0xf: {  	[smem:$0x3FA3] =	sst s7  }
0x10: {  	[smem:$0x3FA4] =	sst s8  }
0x11: {  	[smem:$0x3FA5] =	sst s9;
	s0 =	simm.s32 @!p0 $0x0  }
0x12: {  	s1 =	sld [smem:$0x3F8B];
	s0 =	simm.s32 @p0 $0x1  }
0x13: {  	[smem:$0x3FA6] =	sst s0;
	s0 =	simm.s32 @!p1 $0x0  }
0x14: {  	s2 =	sld [smem:$0x3F8A];
	s0 =	simm.s32 @p1 $0x1  }
0x15: {  	[smem:$0x3FA7] =	sst s0;
	s0 =	simm.s32 @!p2 $0x0  }
0x16: {  	s3 =	sld [smem:$0x3FDB];
	s0 =	simm.s32 @p2 $0x1  }
0x17: {  	s4 =	simm.s32 $0x1BF5;
	[smem:$0x3FA9] =	sst s0  }
0x18: {  	s0 =	sld [smem:$0x3F8C];
	_ =	swait.ge [sflag:s4], $0x0  }
0x19: {  	s7 =	sld [smem:$0x3F8D]  }
0x1a: {  	s8 =	sadd.s32 $0xFFFFE003, lr  }
0x1b: {  	s9 =	sadd.s32 $0xFFFFFEF7, lr;
	s5 =	simm.s32 $0xFFFFFFFF;
	p2 =	slt.u32 s8, $0xFFFFF086  }
0x1c: {  	p1 =	slt.u32 s9, $0xF7A;
	s5 =	simm.s32 @!p2 $0x0  }
0x1d: {  	s5 =	simm.s32 @p1 $0x1;
	p0 =	seq.s32 s7, s2  }
0x1e: {  	s7 =	smul.u32 @!p0 $0xF7A, s2;
	p2 =	seq.s32 @!p0 s5, $0x0  }
0x1f: {  	s9 =	smul.u32 $0xF7A, s1;
	s8 =	simm.s32 @!p0 $0x1BF5;
	p2 =	por !p2, p0  }
0x20: {  	[sflag:s8] =	ssyncset.s32 @!p0 $0xFFFFF086;
	s6 =	sadd.s32 @!p0 s3, s7;
	s7 =	simm.s32 @!p0 $0x108  }
0x21: {  	s3 =	sadd.s32 s3, s9;
	s6 =	sadd.s32 @!p0 $0x88, s6;
	s7 =	simm.s32 @p2 $0x1082  }
0x22: {  	[simem:s7], [sflag:s8] =	dma.local @!p0 [hbm:s6], $0xF7A  }
0x23: {  	s9 =	sor.u32 $0xD0000000, s2;
	s6 =	simm.s32 $0x108;
	_ =	swait.ge @!p0 [sflag:s8], $0x0  }
0x24: {  	s3 =	sadd.s32 $0x88, s3;
	s6 =	simm.s32 @!p1 $0x1082;
	[sflag:s4] =	ssyncset.s32 $0xFFFFF086  }
0x25: {  	[simem:s6], [sflag:s4] =	dma.local [hbm:s3], $0xF7A  }
0x26: {  	[smem:$0x3F8D] =	sst s1;
	(tag) =	ssettag s2;
	_ =	strace s9  }
0x27: {  	s1 =	sld [smem:$0x3F9D]  }
0x28: {  	s2 =	sld [smem:$0x3F9E]  }
0x29: {  	s4 =	sld [smem:$0x3FA0]  }
0x2a: {  	p0 =	seq.s32 s5, $0x0;
	s5 =	sld [smem:$0x3FA1]  }
0x2b: {  	s6 =	sld [smem:$0x3FA2]  }
0x2c: {  	s7 =	sld [smem:$0x3FA3]  }
0x2d: {  	s3 =	simm.s32 $0x108;
	s8 =	sld [smem:$0x3FA4]  }
0x2e: {  	s3 =	simm.s32 @!p0 $0x1082;
	s9 =	sld [smem:$0x3FA5]  }
0x2f: {  	lr =	sadd.s32 s0, s3;
	s0 =	sld [smem:$0x3F9C]  }
0x30: {  	s3 =	sld [smem:$0x3F9F]  }
0x31: {  	[smem:$0x3FA8] =	sst s10  }
0x32: {  	s10 =	sld [smem:$0x3FA6];
	_ =	sdelay $0x3  }
0x33: {  	p0 =	seq.s32 s10, $0x1;
	s10 =	sld [smem:$0x3FA8];
	_ =	sdelay $0x3  }
0x34: {  	[smem:$0x3FA8] =	sst s10  }
0x35: {  	s10 =	sld [smem:$0x3FA7];
	_ =	sdelay $0x3  }
0x36: {  	p1 =	seq.s32 s10, $0x1;
	s10 =	sld [smem:$0x3FA8];
	_ =	sdelay $0x3  }
0x37: {  	[smem:$0x3FA8] =	sst s10  }
0x38: {  	s10 =	sld [smem:$0x3FA9]  }
0x39: {  	_ = 	snop;
	(pc) =	sbr.ind lr, $3  }
0x3a: {  	_ = 	snop  }
0x3b: {  	_ = 	snop  }
0x3c: {  	p2 =	seq.s32 s10, $0x1;
	s10 =	sld [smem:$0x3FA8]  }
0x3d: {  	_ =	shalt  }
0x3e: {  	_ =	shalt  }
0x3f: {  	_ =	shalt  }
0x40: {  	_ =	shalt  }
0x41: {  	_ =	shalt  }
0x42: {  	_ =	shalt  }
0x43: {  	_ =	shalt  }
0x44: {  	_ =	shalt  }
0x45: {  	_ =	shalt  }
0x46: {  	_ =	shalt  }
0x47: {  	_ =	shalt  }
0x48: {  	_ =	shalt  }
0x49: {  	_ =	shalt  }
0x4a: {  	_ =	shalt  }
0x4b: {  	_ =	shalt  }
0x4c: {  	_ =	shalt  }
0x4d: {  	_ =	shalt  }
0x4e: {  	_ =	shalt  }
0x4f: {  	_ =	shalt  }
0x50: {  	_ =	shalt  }
0x51: {  	_ =	shalt  }
0x52: {  	_ =	shalt  }
0x53: {  	_ =	shalt  }
0x54: {  	_ =	shalt  }
0x55: {  	_ =	shalt  }
0x56: {  	_ =	shalt  }
0x57: {  	_ =	shalt  }
0x58: {  	_ =	shalt  }
0x59: {  	_ =	shalt  }
0x5a: {  	_ =	shalt  }
0x5b: {  	_ =	shalt  }
0x5c: {  	_ =	shalt  }
0x5d: {  	_ =	shalt  }
0x5e: {  	_ =	shalt  }
0x5f: {  	_ =	shalt  }
0x60: {  	_ =	shalt  }
0x61: {  	_ =	shalt  }
0x62: {  	_ =	shalt  }
0x63: {  	_ =	shalt  }
0x64: {  	_ =	shalt  }
0x65: {  	_ =	shalt  }
0x66: {  	_ =	shalt  }
0x67: {  	_ =	shalt  }
0x68: {  	_ =	shalt  }
0x69: {  	_ =	shalt  }
0x6a: {  	_ =	shalt  }
0x6b: {  	_ =	shalt  }
0x6c: {  	_ =	shalt  }
0x6d: {  	_ =	shalt  }
0x6e: {  	_ =	shalt  }
0x6f: {  	_ =	shalt  }
0x70: {  	_ =	shalt  }
0x71: {  	_ =	shalt  }
0x72: {  	_ =	shalt  }
0x73: {  	_ =	shalt  }
0x74: {  	_ =	shalt  }
0x75: {  	_ =	shalt  }
0x76: {  	_ =	shalt  }
0x77: {  	_ =	shalt  }
0x78: {  	_ =	shalt  }
0x79: {  	_ =	shalt  }
0x7a: {  	_ =	shalt  }
0x7b: {  	_ =	shalt  }
0x7c: {  	_ =	shalt  }
0x7d: {  	_ =	shalt  }
0x7e: {  	_ =	shalt  }
0x7f: {  	_ =	shalt  }
0x80: {  	_ =	shalt  }
0x81: {  	_ =	shalt  }
0x82: {  	_ =	shalt  }
0x83: {  	_ =	shalt  }
0x84: {  	_ =	shalt  }
0x85: {  	_ =	shalt  }
0x86: {  	_ =	shalt  }
0x87: {  	_ =	shalt  }
.Lfunc_end0:
.L_simem_size_0:
called_computation.1_lowered:
.L_overlay_start_0:
0x88: {  	s2 =	sld [smem:$0x3FD9]  }
0x89: {  	s3 =	sld [smem:$0x3FFE];
	_ =	sdelay $0x1  }
0x8a: {  	s1 =	srdreg.scid  }
0x8b: {  	s0 =	sand.u32 $0x1, s1  }
0x8c: {  	s16 =	sshll.u32 s0, $0xA;
	s2 =	sadd.s32 s3, s2  }
0x8d: {  	s2 =	sadd.s32 s2, s16  }
0x8e: {  	[smem:$0x3FB4] =	sst s2  }
0x8f: {  	_ = 	snop  }
0x90: {  	(tm) =	ssettm $0x1  }
0x91: {  	s17 =	sld [smem:$0x3FFB];
	_ =	sdelay $0x3  }
0x92: {  	_ =	strace s17  }
0x93: {  	s2 =	sld [smem:$0x3FFC];
	_ =	sdelay $0x3  }
0x94: {  	_ =	strace s2  }
0x95: {  	s2 =	sld [smem:$0x3FFD];
	_ =	sdelay $0x3  }
0x96: {  	_ =	strace s2  }
0x97: {  	_ =	strace $0x8FFFFFFF  }
0x98: {  	s18 =	sld [smem:$0x3FDB];
	_ =	sdelay $0x1  }
0x99: {  	s19 =	simm.s32 $_scs_section_size  }
0x9a: {  	s4 =	simm.s32 $_size__tile_overlayer_lowered;
	s5 =	simm.s32 $_tile_overlayer_lowered  }
0x9b: {  	s22 =	simm.s32 $0x1BFF;
	s21 =	sshll.u32 s5, $0x1;
	s2 =	sadd.s32 s19, s18  }
0x9c: {  	s6 =	simm.s32 $0x0;
	s20 =	sshll.u32 s4, $0x1;
	s4 =	sadd.s32 s21, s2  }
0x9d: {  	[timem:s6], [sflag:s22] =	dma.local [hbm:s4], s20  }
0x9e: {  	_ =	swait.ge [sflag:s22], s20  }
0x9f: {  	s3 =	ssub.s32 $0x0, s20;
	[sflag:s22] =	ssyncset.done $0x0  }
0xa0: {  	[sflag:s22] =	ssyncadd.s32 s3;
	_ =	sdelay $0x1  }
0xa1: {  	s23 =	simm.s32 $0x1B8B  }
0xa2: {  	_ =	swait.ge [sflag:s23], $0x1  }
0xa3: {  	[sflag:s23] =	ssyncset.done $0x0  }
0xa4: {  	s25 =	simm.s32 $0x1B8E;
	s24 =	sld [smem:$0x3FFE];
	[sflag:s23] =	ssyncadd.s32 $0xFFFFFFFF  }
0xa5: {  	s26 =	simm.s32 $execute0_lowered;
	[smem:$0x3FD2] =	sst s25  }
0xa6: {  	s4 =	sshll.u32 s26, $0x1;
	_ =	strace $0x80000049;
	[dreg:$0x1] =	wrdreg $0xFFFFFFFF  }
0xa7: {  	s28 =	simm.s32 $_size_execute0_lowered;
	s2 =	sadd.s32 s2, s4;
	[dreg:$0x0] =	wrdreg $0x0  }
0xa8: {  	s4 =	sshll.u32 s28, $0x1;
	[dreg:$0x2] =	wrdreg s2  }
0xa9: {  	[dreg:$0x3] =	wrdreg s4  }
0xaa: {  	[dreg:$0x4] =	wrdreg $0xC0  }
0xab: {  	_ =	task [dreg:s6], $0x5FFFF  }
0xac: {  	[dreg:$0x1] =	wrdreg $0xFFFFFFFF  }
0xad: {  	[dreg:$0x0] =	wrdreg $0x60  }
0xae: {  	[dreg:$0x2] =	wrdreg s24  }
0xaf: {  	[dreg:$0x3] =	wrdreg $0x0  }
0xb0: {  	[dreg:$0x4] =	wrdreg $0x9  }
0xb1: {  	_ =	task.clear_ibuf [dreg:s6], $0x5FFFF;
	_ =	strace $0x90000049  }
0xb2: {  	s29 =	simm.s32 $0x9;
	_ =	strace $0x8000004B  }
0xb3: {  	_ =	swait.ge [sflag:s29], $0x1  }
0xb4: {  	[sflag:s29] =	ssyncadd.s32 $0xFFFFFFFF  }
0xb5: {  	_ =	strace $0x9000004B  }
0xb6: {  	_ =	sfence  }
0xb7: {  	s30 =	sld [smem:$0x0];
	_ =	sdelay $0x2  }
0xb8: {  	s31 =	sshll.u32 s1, $0xD;
	s1 =	sshrl.u32 s1, $0x2  }
0xb9: {  	s3 =	sand.u32 $0x4000, s31;
	s1 =	sadd.s32 s1, s30  }
0xba: {  	s0 =	sor.u32 s3, s0;
	s1 =	sshll.u32 s1, $0x11  }
0xbb: {  	s0 =	sor.u32 s1, s0  }
0xbc: {  	s0 =	sadd.s32 $0x8F2B, s0  }
0xbd: {  	[sflag:s0] =	ssyncadd.remote.s32 $0x1  }
0xbe: {  	_ =	sfence.sel $0xFFFF  }
0xbf: {  	[dreg:$0x0] =	wrdreg $0xFFFFFFFF;
	(pc) =	sbr.abs _section_cstart, $3  }
0xc0: {  	[dreg:$0x1] =	wrdreg $0xFFFFFFFF  }
0xc1: {  	_ =	task.clear_ibuf [dreg:s6], $0x2FFFF;
	_ =	strace $0x9FFFFFFF  }
0xc2: {  	(tm) =	ssettm $0x7FFFFFFF  }
0xc3: {  	_ =	shalt  }
tec
execute0_lowered:
.L_overlay_start_1:
0x0: {  	(tag) =	ssettag $0x1  }
0x1: {  	s0 =	rddreg [dreg:$0x0]  }
0x2: {  	s1 =	rddreg [dreg:$0x1];
	s2 =	simm.s32 $0x0;
	s3 =	srdreg.scid  }
0x3: {  	s13 =	stileid.u32;
	s29 =	simm.s32 $0x2710;
	s30 =	simm.s32 $0x3  }
0x4: {  	s31 =	simm.s32 $0x2760;
	[smem:$0x7FF] =	sst s2;
	s4 =	sadd.s32 $0x1F600, s0  }
0x5: {  	s5 =	sadd.s32 $0x15800, s0;
	s6 =	sadd.s32 $0xBA00, s0;
	s3 =	sand.u32 $0x1, s3  }
0x6: {  	s8 =	smul.u32 $0x9E00, s13;
	s7 =	sadd.s32 $0x1C00, s0;
	s0 =	sadd.s32 $0x24600, s0  }
0x7: {  	s19 =	smul.u32 $0x2780, s13;
	s24 =	sadd.s32 $0x25580, s1;
	s14 =	sadd.s32 $0x25A80, s1  }
0x8: {  	s26 =	sadd.s32 $0x25F80, s1;
	s21 =	sadd.s32 $0x26480, s1;
	p0 =	seq.s32 s13, $0xF  }
0x9: {  	s28 =	sadd.s32 $0x26E80, s1;
	_ =	strace $0x8000004A;
	s9 =	ssub.s32 $0x2, s3  }
0xa: {  	s11 =	sshll.u32 s3, $0x4;
	[dreg:$0xa] =	wrdreg s24;
	s8 =	sshrl.u32 s8, $0x2  }
0xb: {  	s3 =	smul.u32 $0x27100, s3;
	[dreg:$0xb] =	wrdreg s14;
	s8 =	sadd.s32 s8, s1  }
0xc: {  	[dreg:$0xc] =	wrdreg s26;
	s26 =	sadd.s32 $0x26980, s1;
	s15 =	sadd.s32 $0x500, s8  }
0xd: {  	s10 =	sshrl.u32 s9, $0x1;
	s16 =	sadd.s32 $0xA00, s8;
	[dreg:$0x3] =	wrdreg s15  }
0xe: {  	s9 =	ssub.s32 s9, s10;
	s17 =	sadd.s32 $0xF00, s8;
	[dreg:$0x4] =	wrdreg s16  }
0xf: {  	s10 =	sor.u32 s13, s11;
	s18 =	sadd.s32 $0x1400, s8;
	[dreg:$0x5] =	wrdreg s17  }
0x10: {  	s25 =	sadd.s32 s19, s3;
	s12 =	sadd.s32 $0x1900, s8;
	[dreg:$0x6] =	wrdreg s18  }
0x11: {  	s3 =	sshrl.u32 s3, $0x3;
	s22 =	sadd.s32 $0x1E00, s8;
	[dreg:$0x7] =	wrdreg s12  }
0x12: {  	s11 =	simm.s32 $0x2;
	s23 =	sadd.s32 $0x2300, s8;
	[dreg:$0x8] =	wrdreg s22  }
0x13: {  	s24 =	smax.u32 s9, $0x1;
	s9 =	simm.s32 $0x2CB0;
	[dreg:$0x9] =	wrdreg s23  }
0x14: {  	s16 =	sadd.s32 $0x25080, s1;
	s12 =	sshrl.u32 s25, $0x3;
	s22 =	smul.u32 $0x2710, s10  }
0x15: {  	s10 =	simm.s32 $0x1;
	s20 =	sadd.s32 s0, s12;
	s0 =	sadd.s32 s0, s3  }
0x16: {  	s3 =	sadd.s32 s19, s1;
	s12 =	simm.s32 $0x36B0;
	s23 =	sadd.s32 $0x4A10, s0  }
0x17: {  	v0 =	vimm.f32 $0.0e+00;
	s25 =	sshrl.u32 @!p0 s3, $0x3;
	s0 =	simm.s32 $0x50;
	s3 =	simm.s32 $0x27B0  }
.LBB2_1:
0x18: {  	s13 =	simm.s32 $0x40;
	s14 =	simm.s32 $0x0  }
.LBB2_2:
0x19: {  	p1 =	sne.s32 s13, $0x13C0;
	[tilespmem:s14+$0x36B0] =	vst v0;
	s14 =	smov.u32 s13;
	s13 =	sadd.s32 $0x40, s13  }
.Ltmp0:
0x1a: {  	(pc) =	sbr.rel @p1 .LBB2_2-.Ltmp0, $2  }
0x1b: {  	_ =	sdelay $0x2  }
0x1c: {  	s14 =	sshra.s32 s14, $0x2  }
0x1d: {  	[tilespmem:s14+$0x36B0] =	vst v0;
	s13 =	simm.s32 @p0 $0x36B0;
	s14 =	simm.s32 @p0 $0x3  }
0x1e: {  	[spmem:s16] =	stream.linear.scatter @p0 [tilespmem:s13], [sflag:$0x3], $0x500, $0x38;
	[tilespmem:$0x3BB0] =	vst v63  }
0x1f: {  	_ =	swait.ge @p0 [sflag:s14], $0x500  }
0x20: {  	[sflag:s14] =	ssyncset.done @p0 $0x0  }
0x21: {  	s15 =	rddreg [dreg:$0xa];
	[sflag:s14] =	ssyncadd.s32 @p0 $0xFFFFFB00  }
0x22: {  	[spmem:s15] =	stream.linear.scatter @p0 [tilespmem:s13], [sflag:$0x3], $0x500, $0x38;
	[tilespmem:$0x3BB0] =	vst v63  }
0x23: {  	_ =	swait.ge @p0 [sflag:s14], $0x500  }
0x24: {  	[sflag:s14] =	ssyncset.done @p0 $0x0  }
0x25: {  	s15 =	rddreg [dreg:$0xb];
	[sflag:s14] =	ssyncadd.s32 @p0 $0xFFFFFB00  }
0x26: {  	[spmem:s15] =	stream.linear.scatter @p0 [tilespmem:s13], [sflag:$0x3], $0x500, $0x38;
	[tilespmem:$0x3BB0] =	vst v63  }
0x27: {  	_ =	swait.ge @p0 [sflag:s14], $0x500  }
0x28: {  	[sflag:s14] =	ssyncset.done @p0 $0x0  }
0x29: {  	s15 =	rddreg [dreg:$0xc];
	[sflag:s14] =	ssyncadd.s32 @p0 $0xFFFFFB00  }
0x2a: {  	[spmem:s15] =	stream.linear.scatter @p0 [tilespmem:s13], [sflag:$0x3], $0x500, $0x38;
	[tilespmem:$0x3BB0] =	vst v63  }
0x2b: {  	_ =	swait.ge @p0 [sflag:s14], $0x500  }
0x2c: {  	[sflag:s14] =	ssyncset.done @p0 $0x0  }
0x2d: {  	[sflag:s14] =	ssyncadd.s32 @p0 $0xFFFFFB00  }
0x2e: {  	[spmem:s21] =	stream.linear.scatter @p0 [tilespmem:s13], [sflag:$0x3], $0x500, $0x38;
	[tilespmem:$0x3BB0] =	vst v63  }
0x2f: {  	_ =	swait.ge @p0 [sflag:s14], $0x500  }
0x30: {  	[sflag:s14] =	ssyncset.done @p0 $0x0  }
0x31: {  	[sflag:s14] =	ssyncadd.s32 @p0 $0xFFFFFB00  }
0x32: {  	[spmem:s26] =	stream.linear.scatter @p0 [tilespmem:s13], [sflag:$0x3], $0x500, $0x38;
	[tilespmem:$0x3BB0] =	vst v63  }
0x33: {  	_ =	swait.ge @p0 [sflag:s14], $0x500  }
0x34: {  	[sflag:s14] =	ssyncset.done @p0 $0x0  }
0x35: {  	[sflag:s14] =	ssyncadd.s32 @p0 $0xFFFFFB00  }
0x36: {  	[spmem:s28] =	stream.linear.scatter @p0 [tilespmem:s13], [sflag:$0x3], $0x280, $0x38;
	[tilespmem:$0x3BB0] =	vst v63  }
0x37: {  	_ =	swait.ge @p0 [sflag:s14], $0x280  }
0x38: {  	[sflag:s14] =	ssyncset.done @p0 $0x0  }
0x39: {  	s13 =	simm.s32 @!p0 $0x36B0;
	[sflag:s14] =	ssyncadd.s32 @p0 $0xFFFFFD80;
	s14 =	simm.s32 @!p0 $0x3  }
0x3a: {  	[spmem:s8] =	stream.linear.scatter @!p0 [tilespmem:s13], [sflag:$0x3], $0x500, $0x38;
	[tilespmem:$0x3BB0] =	vst v63  }
0x3b: {  	_ =	swait.ge @!p0 [sflag:s14], $0x500  }
0x3c: {  	[sflag:s14] =	ssyncset.done @!p0 $0x0  }
0x3d: {  	s15 =	rddreg [dreg:$0x3];
	[sflag:s14] =	ssyncadd.s32 @!p0 $0xFFFFFB00  }
0x3e: {  	[spmem:s15] =	stream.linear.scatter @!p0 [tilespmem:s13], [sflag:$0x3], $0x500, $0x38;
	[tilespmem:$0x3BB0] =	vst v63  }
0x3f: {  	_ =	swait.ge @!p0 [sflag:s14], $0x500  }
0x40: {  	[sflag:s14] =	ssyncset.done @!p0 $0x0  }
0x41: {  	s15 =	rddreg [dreg:$0x4];
	[sflag:s14] =	ssyncadd.s32 @!p0 $0xFFFFFB00  }
0x42: {  	[spmem:s15] =	stream.linear.scatter @!p0 [tilespmem:s13], [sflag:$0x3], $0x500, $0x38;
	[tilespmem:$0x3BB0] =	vst v63  }
0x43: {  	_ =	swait.ge @!p0 [sflag:s14], $0x500  }
0x44: {  	[sflag:s14] =	ssyncset.done @!p0 $0x0  }
0x45: {  	s15 =	rddreg [dreg:$0x5];
	[sflag:s14] =	ssyncadd.s32 @!p0 $0xFFFFFB00  }
0x46: {  	[spmem:s15] =	stream.linear.scatter @!p0 [tilespmem:s13], [sflag:$0x3], $0x500, $0x38;
	[tilespmem:$0x3BB0] =	vst v63  }
0x47: {  	_ =	swait.ge @!p0 [sflag:s14], $0x500  }
0x48: {  	[sflag:s14] =	ssyncset.done @!p0 $0x0  }
0x49: {  	s15 =	rddreg [dreg:$0x6];
	[sflag:s14] =	ssyncadd.s32 @!p0 $0xFFFFFB00  }
0x4a: {  	[spmem:s15] =	stream.linear.scatter @!p0 [tilespmem:s13], [sflag:$0x3], $0x500, $0x38;
	[tilespmem:$0x3BB0] =	vst v63  }
0x4b: {  	_ =	swait.ge @!p0 [sflag:s14], $0x500  }
0x4c: {  	[sflag:s14] =	ssyncset.done @!p0 $0x0  }
0x4d: {  	s15 =	rddreg [dreg:$0x7];
	[sflag:s14] =	ssyncadd.s32 @!p0 $0xFFFFFB00  }
0x4e: {  	[spmem:s15] =	stream.linear.scatter @!p0 [tilespmem:s13], [sflag:$0x3], $0x500, $0x38;
	[tilespmem:$0x3BB0] =	vst v63  }
0x4f: {  	_ =	swait.ge @!p0 [sflag:s14], $0x500  }
0x50: {  	[sflag:s14] =	ssyncset.done @!p0 $0x0  }
0x51: {  	s15 =	rddreg [dreg:$0x8];
	[sflag:s14] =	ssyncadd.s32 @!p0 $0xFFFFFB00  }
0x52: {  	[spmem:s15] =	stream.linear.scatter @!p0 [tilespmem:s13], [sflag:$0x3], $0x500, $0x38;
	[tilespmem:$0x3BB0] =	vst v63  }
0x53: {  	_ =	swait.ge @!p0 [sflag:s14], $0x500  }
0x54: {  	[sflag:s14] =	ssyncset.done @!p0 $0x0  }
0x55: {  	s15 =	rddreg [dreg:$0x9];
	[sflag:s14] =	ssyncadd.s32 @!p0 $0xFFFFFB00  }
0x56: {  	[spmem:s15] =	stream.linear.scatter @!p0 [tilespmem:s13], [sflag:$0x3], $0x480, $0x38;
	[tilespmem:$0x3BB0] =	vst v63  }
0x57: {  	_ =	swait.ge @!p0 [sflag:s14], $0x480  }
0x58: {  	[sflag:s14] =	ssyncset.done @!p0 $0x0  }
0x59: {  	[sflag:s14] =	ssyncadd.s32 @!p0 $0xFFFFFB80  }
0x5a: {  	s13 =	simm.s32 $0x0;
	s14 =	simm.s32 $0x0;
	[bflag:$0x0] =	sbarrier.arrive $0xFFFF  }
.LBB2_4:
0x5b: {  	s15 =	smul.u32 $0x50, s14;
	_ =	sdelay $0x1  }
0x5c: {  	s15 =	sadd.s32 s22, s15  }
0x5d: {  	s15 =	sshrl.u32 s15, $0x3  }
0x5e: {  	s17 =	sadd.s32 s6, s15  }
0x5f: {  	[tilespmem:s29], [sflag:$0x3] =	stream.linear.gather [hbm4b:s17+s13], $0x50, $0x38;
	[tilespmem:$0x3BB0] =	vst v63  }
0x60: {  	_ =	swait.ge [sflag:s30], $0x50  }
0x61: {  	[sflag:s30] =	ssyncset.done $0x0  }
0x62: {  	s15 =	sadd.s32 s7, s15;
	[sflag:s30] =	ssyncadd.s32 $0xFFFFFFB0  }
0x63: {  	[tilespmem:s31], [sflag:$0x3] =	stream.linear.gather [hbm4b:s15+s13], $0x50, $0x38;
	[tilespmem:$0x3BB0] =	vst v63  }
0x64: {  	_ =	swait.ge [sflag:s30], $0x50  }
0x65: {  	[sflag:s30] =	ssyncset.done $0x0  }
0x66: {  	[sflag:s30] =	ssyncadd.s32 $0xFFFFFFB0  }
0x67: {  	[tilespmem:s3], [sflag:$0x1] =	stream.indirect.gather [hbm4b:s4+s0], $0x10, s31, s0, $0xb8;
	[tilespmem:$0x3BB0] =	vst v63  }
0x68: {  	_ = 	snop  }
0x69: {  	[tilespmem:s9], [sflag:$0x2] =	stream.indirect.gather [hbm4b:s5+s0], $0x20, s29, s0, $0xb8;
	[tilespmem:$0x3BB0] =	vst v63  }
0x6a: {  	_ =	swait.ge [sflag:s10], $0x500  }
0x6b: {  	[sflag:s10] =	ssyncset.done $0x0  }
0x6c: {  	[sflag:s10] =	ssyncadd.s32 $0xFFFFFB00  }
0x6d: {  	_ =	swait.ge [sflag:s11], $0xA00  }
0x6e: {  	[sflag:s11] =	ssyncset.done $0x0  }
0x6f: {  	s15 =	simm.s32 $0x0;
	[sflag:s11] =	ssyncadd.s32 $0xFFFFF600  }
0x70: {  	s18 =	simm.s32 $0x40;
	s17 =	simm.s32 $0x2CC0;
	v1 =	vld [tilespmem:s15+$0x27B0]  }
.LBB2_5:
0x71: {  	p1 =	sne.s32 s18, $0x13C0;
	v2 =	vld [tilespmem:s17+$0xFFFFFFF0];
	_ =	sdelay $0x4  }
0x72: {  	v1 =	vmul.f32 v2, v1;
	_ =	sdelay $0x1  }
0x73: {  	v1 =	vmul.f32 $1.442695020e+00, v1;
	_ =	sdelay $0x1  }
0x74: {  	(erf) = vpow2.f32 v1;
	_ =	sdelay $0x4  }
0x75: {  	v1 =	vld [tilespmem:s17+$0x0];
	_ =	sdelay $0x2  }
.Ltmp1:
0x76: {  	(pc) =	sbr.rel @p1 .LBB2_5-.Ltmp1, $4  }
0x77: {  	v2 =	vpop (erf)  }
0x78: {  	v2 =	vmul.f32 v2, v1  }
0x79: {  	s19 =	sshra.s32 s18, $0x2  }
0x7a: {  	s18 =	sadd.s32 $0x40, s18;
	s17 =	sadd.s32 $0x20, s17;
	v1 =	vld [tilespmem:s19+$0x27B0];
	[tilespmem:s15+$0x36B0] =	vst v2;
	s15 =	smov.u32 s19  }
0x7b: {  	v2 =	vld [tilespmem:s17+$0xFFFFFFF0];
	_ =	sdelay $0x4  }
0x7c: {  	v1 =	vmul.f32 v2, v1;
	_ =	sdelay $0x1  }
0x7d: {  	v1 =	vmul.f32 $1.442695020e+00, v1;
	_ =	sdelay $0x1  }
0x7e: {  	(erf) = vpow2.f32 v1;
	_ =	sdelay $0x4  }
0x7f: {  	v1 =	vld [tilespmem:s17+$0x0];
	_ =	sdelay $0x3  }
0x80: {  	v2 =	vpop (erf)  }
0x81: {  	s14 =	sadd.s32 $0x1, s14;
	v1 =	vmul.f32 v2, v1  }
0x82: {  	p1 =	sne.s32 s14, $0x7D  }
.Ltmp2:
0x83: {  	[tilespmem:s15+$0x36B0] =	vst v1;
	(pc) =	sbr.rel @p1 .LBB2_4-.Ltmp2, $4  }
0x84: {  	[spmem:s1] =	stream.indirect.scatter.add.f32 [tilespmem:s12], [sflag:$0x3], $0x10, s31, s0, $0xb8;
	[tilespmem:$0x3BB0] =	vst v63  }
0x85: {  	_ =	swait.ge [sflag:s30], $0x500  }
0x86: {  	[sflag:s30] =	ssyncset.done $0x0  }
0x87: {  	[sflag:s30] =	ssyncadd.s32 $0xFFFFFB00  }
0x88: {  	[bflag:$0x0] =	sbarrier.arrive $0xFFFF;
	s13 =	sshrl.u32 @p0 s16, $0x3;
	s14 =	simm.s32 @p0 $0x1FC3  }
0x89: {  	[hbm:s23], [sflag:s14] =	dma.local @p0 [spmem:s13], $0x410  }
0x8a: {  	s13 =	simm.s32 @p0 $0x3  }
0x8b: {  	s14 =	stileid.u32;
	_ =	swait.ge @p0 [sflag:s13], $0x410  }
0x8c: {  	s2 =	sadd.s32 $0x1, s2;
	s14 =	sshll.u32 @!p0 s14, $0x6;
	[sflag:s13] =	ssyncset.done @p0 $0x0  }
0x8d: {  	p1 =	sne.s32 s2, s24;
	[sflag:s13] =	ssyncadd.s32 @p0 $0xFFFFFBF0;
	s13 =	sor.u32 @!p0 $0x1C03, s14  }
0x8e: {  	[hbm:s20], [sflag:s13] =	dma.local @!p0 [spmem:s25], $0x4F0  }
.Ltmp3:
0x8f: {  	_ = 	snop;
	(pc) =	sbr.rel @p1 .LBB2_1-.Ltmp3, $4  }
0x90: {  	s13 =	simm.s32 @!p0 $0x3  }
0x91: {  	_ =	swait.ge @!p0 [sflag:s13], $0x4F0  }
0x92: {  	[sflag:s13] =	ssyncset.done @!p0 $0x0  }
0x93: {  	[sflag:s13] =	ssyncadd.s32 @!p0 $0xFFFFFB10  }
0x94: {  	_ =	sfence.sel $0x180000  }
0x95: {  	[bflag:$0x0] =	sbarrier.arrive $0xFFFF  }
0x96: {  	_ =	strace $0x9000004A  }
0x97: {  	s0 =	stileid.u32;
	[bflag:$0x2] =	sbarrier.arrive $0xFFFF  }
0x98: {  	p0 =	sne.s32 s0, $0x0;
	s0 =	rddreg [dreg:$0x2]  }
0x99: {  	s0 =	sadd.s32 @!p0 $0x100000, s0  }
0x9a: {  	[sflag:s0] =	ssyncadd.tile.s32 @!p0 $0x1;
	_ =	shalt  }
.Lfunc_end2:
_tile_overlayer_lowered:
.L_overlay_start_2:
0x9b: {  	(tag) =	ssettag $0x2  }
0x9c: {  	s0 =	rddreg [dreg:$0x0];
	s2 =	stileid.u32  }
0x9d: {  	s1 =	rddreg [dreg:$0x1];
	p0 =	sne.s32 s2, $0x0  }
0x9e: {  	s3 =	rddreg [dreg:$0x2];
	[bflag:$0x3] =	sbarrier.arrive $0xFFFF;
	s2 =	simm.s32 @!p0 $0x1C03  }
0x9f: {  	[timem:s3], [sflag:s2] =	dma.local @!p0 [hbm:s0], s1  }
0xa0: {  	s0 =	simm.s32 @!p0 $0x3  }
0xa1: {  	_ =	swait.ge @!p0 [sflag:s0], s1  }
0xa2: {  	s1 =	ssub.s32 @!p0 $0x0, s1;
	[sflag:s0] =	ssyncset.done @!p0 $0x0  }
0xa3: {  	[sflag:s0] =	ssyncadd.s32 @!p0 s1  }
0xa4: {  	[bflag:$0x3] =	sbarrier.arrive $0xFFFF  }
0xa5: {  	_ =	shalt  }

// kernel: kernel.7.cloned.1.call-start
scs
__scs_entry_jumppad:
0x0: {  	(pc) =	sbr.rel $0x88, $3  }
0x1: {  	(tag) =	ssettag $0x0;
	lr =	simm.s32 $0x1  }
0x2: {  	[smem:$0x3F8D] =	sst lr;
	_ =	strace $0xD0000000  }
0x3: {  	_ = 	snop  }
0x4: {  	_ = 	snop  }
0x5: {  	_ = 	snop  }
0x6: {  	_ = 	snop  }
0x7: {  	_ = 	snop  }
__scs_overlays_trampoline_lowered:
0x8: {  	[smem:$0x3F9C] =	sst s0  }
0x9: {  	[smem:$0x3F9D] =	sst s1  }
0xa: {  	[smem:$0x3F9E] =	sst s2  }
0xb: {  	[smem:$0x3F9F] =	sst s3  }
0xc: {  	[smem:$0x3FA0] =	sst s4  }
0xd: {  	[smem:$0x3FA1] =	sst s5  }
0xe: {  	[smem:$0x3FA2] =	sst s6  }
0xf: {  	[smem:$0x3FA3] =	sst s7  }
0x10: {  	[smem:$0x3FA4] =	sst s8  }
0x11: {  	[smem:$0x3FA5] =	sst s9;
	s0 =	simm.s32 @!p0 $0x0  }
0x12: {  	s1 =	sld [smem:$0x3F8B];
	s0 =	simm.s32 @p0 $0x1  }
0x13: {  	[smem:$0x3FA6] =	sst s0;
	s0 =	simm.s32 @!p1 $0x0  }
0x14: {  	s2 =	sld [smem:$0x3F8A];
	s0 =	simm.s32 @p1 $0x1  }
0x15: {  	[smem:$0x3FA7] =	sst s0;
	s0 =	simm.s32 @!p2 $0x0  }
0x16: {  	s3 =	sld [smem:$0x3FDB];
	s0 =	simm.s32 @p2 $0x1  }
0x17: {  	s4 =	simm.s32 $0x1BF5;
	[smem:$0x3FA9] =	sst s0  }
0x18: {  	s0 =	sld [smem:$0x3F8C];
	_ =	swait.ge [sflag:s4], $0x0  }
0x19: {  	s7 =	sld [smem:$0x3F8D]  }
0x1a: {  	s8 =	sadd.s32 $0xFFFFE003, lr  }
0x1b: {  	s9 =	sadd.s32 $0xFFFFFEF7, lr;
	s5 =	simm.s32 $0xFFFFFFFF;
	p2 =	slt.u32 s8, $0xFFFFF086  }
0x1c: {  	p1 =	slt.u32 s9, $0xF7A;
	s5 =	simm.s32 @!p2 $0x0  }
0x1d: {  	s5 =	simm.s32 @p1 $0x1;
	p0 =	seq.s32 s7, s2  }
0x1e: {  	s7 =	smul.u32 @!p0 $0xF7A, s2;
	p2 =	seq.s32 @!p0 s5, $0x0  }
0x1f: {  	s9 =	smul.u32 $0xF7A, s1;
	s8 =	simm.s32 @!p0 $0x1BF5;
	p2 =	por !p2, p0  }
0x20: {  	[sflag:s8] =	ssyncset.s32 @!p0 $0xFFFFF086;
	s6 =	sadd.s32 @!p0 s3, s7;
	s7 =	simm.s32 @!p0 $0x108  }
0x21: {  	s3 =	sadd.s32 s3, s9;
	s6 =	sadd.s32 @!p0 $0x88, s6;
	s7 =	simm.s32 @p2 $0x1082  }
0x22: {  	[simem:s7], [sflag:s8] =	dma.local @!p0 [hbm:s6], $0xF7A  }
0x23: {  	s9 =	sor.u32 $0xD0000000, s2;
	s6 =	simm.s32 $0x108;
	_ =	swait.ge @!p0 [sflag:s8], $0x0  }
0x24: {  	s3 =	sadd.s32 $0x88, s3;
	s6 =	simm.s32 @!p1 $0x1082;
	[sflag:s4] =	ssyncset.s32 $0xFFFFF086  }
0x25: {  	[simem:s6], [sflag:s4] =	dma.local [hbm:s3], $0xF7A  }
0x26: {  	[smem:$0x3F8D] =	sst s1;
	(tag) =	ssettag s2;
	_ =	strace s9  }
0x27: {  	s1 =	sld [smem:$0x3F9D]  }
0x28: {  	s2 =	sld [smem:$0x3F9E]  }
0x29: {  	s4 =	sld [smem:$0x3FA0]  }
0x2a: {  	p0 =	seq.s32 s5, $0x0;
	s5 =	sld [smem:$0x3FA1]  }
0x2b: {  	s6 =	sld [smem:$0x3FA2]  }
0x2c: {  	s7 =	sld [smem:$0x3FA3]  }
0x2d: {  	s3 =	simm.s32 $0x108;
	s8 =	sld [smem:$0x3FA4]  }
0x2e: {  	s3 =	simm.s32 @!p0 $0x1082;
	s9 =	sld [smem:$0x3FA5]  }
0x2f: {  	lr =	sadd.s32 s0, s3;
	s0 =	sld [smem:$0x3F9C]  }
0x30: {  	s3 =	sld [smem:$0x3F9F]  }
0x31: {  	[smem:$0x3FA8] =	sst s10  }
0x32: {  	s10 =	sld [smem:$0x3FA6];
	_ =	sdelay $0x3  }
0x33: {  	p0 =	seq.s32 s10, $0x1;
	s10 =	sld [smem:$0x3FA8];
	_ =	sdelay $0x3  }
0x34: {  	[smem:$0x3FA8] =	sst s10  }
0x35: {  	s10 =	sld [smem:$0x3FA7];
	_ =	sdelay $0x3  }
0x36: {  	p1 =	seq.s32 s10, $0x1;
	s10 =	sld [smem:$0x3FA8];
	_ =	sdelay $0x3  }
0x37: {  	[smem:$0x3FA8] =	sst s10  }
0x38: {  	s10 =	sld [smem:$0x3FA9]  }
0x39: {  	_ = 	snop;
	(pc) =	sbr.ind lr, $3  }
0x3a: {  	_ = 	snop  }
0x3b: {  	_ = 	snop  }
0x3c: {  	p2 =	seq.s32 s10, $0x1;
	s10 =	sld [smem:$0x3FA8]  }
0x3d: {  	_ =	shalt  }
0x3e: {  	_ =	shalt  }
0x3f: {  	_ =	shalt  }
0x40: {  	_ =	shalt  }
0x41: {  	_ =	shalt  }
0x42: {  	_ =	shalt  }
0x43: {  	_ =	shalt  }
0x44: {  	_ =	shalt  }
0x45: {  	_ =	shalt  }
0x46: {  	_ =	shalt  }
0x47: {  	_ =	shalt  }
0x48: {  	_ =	shalt  }
0x49: {  	_ =	shalt  }
0x4a: {  	_ =	shalt  }
0x4b: {  	_ =	shalt  }
0x4c: {  	_ =	shalt  }
0x4d: {  	_ =	shalt  }
0x4e: {  	_ =	shalt  }
0x4f: {  	_ =	shalt  }
0x50: {  	_ =	shalt  }
0x51: {  	_ =	shalt  }
0x52: {  	_ =	shalt  }
0x53: {  	_ =	shalt  }
0x54: {  	_ =	shalt  }
0x55: {  	_ =	shalt  }
0x56: {  	_ =	shalt  }
0x57: {  	_ =	shalt  }
0x58: {  	_ =	shalt  }
0x59: {  	_ =	shalt  }
0x5a: {  	_ =	shalt  }
0x5b: {  	_ =	shalt  }
0x5c: {  	_ =	shalt  }
0x5d: {  	_ =	shalt  }
0x5e: {  	_ =	shalt  }
0x5f: {  	_ =	shalt  }
0x60: {  	_ =	shalt  }
0x61: {  	_ =	shalt  }
0x62: {  	_ =	shalt  }
0x63: {  	_ =	shalt  }
0x64: {  	_ =	shalt  }
0x65: {  	_ =	shalt  }
0x66: {  	_ =	shalt  }
0x67: {  	_ =	shalt  }
0x68: {  	_ =	shalt  }
0x69: {  	_ =	shalt  }
0x6a: {  	_ =	shalt  }
0x6b: {  	_ =	shalt  }
0x6c: {  	_ =	shalt  }
0x6d: {  	_ =	shalt  }
0x6e: {  	_ =	shalt  }
0x6f: {  	_ =	shalt  }
0x70: {  	_ =	shalt  }
0x71: {  	_ =	shalt  }
0x72: {  	_ =	shalt  }
0x73: {  	_ =	shalt  }
0x74: {  	_ =	shalt  }
0x75: {  	_ =	shalt  }
0x76: {  	_ =	shalt  }
0x77: {  	_ =	shalt  }
0x78: {  	_ =	shalt  }
0x79: {  	_ =	shalt  }
0x7a: {  	_ =	shalt  }
0x7b: {  	_ =	shalt  }
0x7c: {  	_ =	shalt  }
0x7d: {  	_ =	shalt  }
0x7e: {  	_ =	shalt  }
0x7f: {  	_ =	shalt  }
0x80: {  	_ =	shalt  }
0x81: {  	_ =	shalt  }
0x82: {  	_ =	shalt  }
0x83: {  	_ =	shalt  }
0x84: {  	_ =	shalt  }
0x85: {  	_ =	shalt  }
0x86: {  	_ =	shalt  }
0x87: {  	_ =	shalt  }
.Lfunc_end0:
.L_simem_size_0:
called_computation_lowered:
.L_overlay_start_0:
0x88: {  	s2 =	sld [smem:$0x3FD9]  }
0x89: {  	s3 =	sld [smem:$0x3FFE];
	_ =	sdelay $0x1  }
0x8a: {  	s1 =	srdreg.scid  }
0x8b: {  	s0 =	sand.u32 $0x1, s1  }
0x8c: {  	s16 =	sshll.u32 s0, $0xA;
	s2 =	sadd.s32 s3, s2  }
0x8d: {  	s2 =	sadd.s32 s2, s16  }
0x8e: {  	[smem:$0x3FB4] =	sst s2  }
0x8f: {  	_ = 	snop  }
0x90: {  	(tm) =	ssettm $0x1  }
0x91: {  	s17 =	sld [smem:$0x3FFB];
	_ =	sdelay $0x3  }
0x92: {  	_ =	strace s17  }
0x93: {  	s2 =	sld [smem:$0x3FFC];
	_ =	sdelay $0x3  }
0x94: {  	_ =	strace s2  }
0x95: {  	s2 =	sld [smem:$0x3FFD];
	_ =	sdelay $0x3  }
0x96: {  	_ =	strace s2  }
0x97: {  	_ =	strace $0x8FFFFFFF  }
0x98: {  	s18 =	sld [smem:$0x3FDB];
	_ =	sdelay $0x1  }
0x99: {  	s19 =	simm.s32 $_scs_section_size  }
0x9a: {  	s4 =	simm.s32 $_size__tile_overlayer_lowered;
	s5 =	simm.s32 $_tile_overlayer_lowered  }
0x9b: {  	s22 =	simm.s32 $0x1BFF;
	s21 =	sshll.u32 s5, $0x1;
	s2 =	sadd.s32 s19, s18  }
0x9c: {  	s6 =	simm.s32 $0x0;
	s20 =	sshll.u32 s4, $0x1;
	s4 =	sadd.s32 s21, s2  }
0x9d: {  	[timem:s6], [sflag:s22] =	dma.local [hbm:s4], s20  }
0x9e: {  	_ =	swait.ge [sflag:s22], s20  }
0x9f: {  	s3 =	ssub.s32 $0x0, s20;
	[sflag:s22] =	ssyncset.done $0x0  }
0xa0: {  	[sflag:s22] =	ssyncadd.s32 s3;
	_ =	sdelay $0x1  }
0xa1: {  	s23 =	simm.s32 $0x1B8B  }
0xa2: {  	_ =	swait.ge [sflag:s23], $0x1  }
0xa3: {  	[sflag:s23] =	ssyncset.done $0x0  }
0xa4: {  	s25 =	simm.s32 $0x1B8E;
	s24 =	sld [smem:$0x3FFE];
	[sflag:s23] =	ssyncadd.s32 $0xFFFFFFFF  }
0xa5: {  	s26 =	simm.s32 $execute0_lowered;
	[smem:$0x3FD2] =	sst s25  }
0xa6: {  	s4 =	sshll.u32 s26, $0x1;
	_ =	strace $0x80000046;
	[dreg:$0x1] =	wrdreg $0xFFFFFFFF  }
0xa7: {  	s28 =	simm.s32 $_size_execute0_lowered;
	s2 =	sadd.s32 s2, s4;
	[dreg:$0x0] =	wrdreg $0x0  }
0xa8: {  	s4 =	sshll.u32 s28, $0x1;
	[dreg:$0x2] =	wrdreg s2  }
0xa9: {  	[dreg:$0x3] =	wrdreg s4  }
0xaa: {  	[dreg:$0x4] =	wrdreg $0xC0  }
0xab: {  	_ =	task [dreg:s6], $0x5FFFF  }
0xac: {  	[dreg:$0x1] =	wrdreg $0xFFFFFFFF  }
0xad: {  	[dreg:$0x0] =	wrdreg $0x60  }
0xae: {  	[dreg:$0x2] =	wrdreg s24  }
0xaf: {  	[dreg:$0x3] =	wrdreg $0x0  }
0xb0: {  	[dreg:$0x4] =	wrdreg $0x9  }
0xb1: {  	_ =	task.clear_ibuf [dreg:s6], $0x5FFFF;
	_ =	strace $0x90000046  }
0xb2: {  	s29 =	simm.s32 $0x9;
	_ =	strace $0x80000048  }
0xb3: {  	_ =	swait.ge [sflag:s29], $0x1  }
0xb4: {  	[sflag:s29] =	ssyncadd.s32 $0xFFFFFFFF  }
0xb5: {  	_ =	strace $0x90000048  }
0xb6: {  	_ =	sfence  }
0xb7: {  	s30 =	sld [smem:$0x0];
	_ =	sdelay $0x2  }
0xb8: {  	s31 =	sshll.u32 s1, $0xD;
	s1 =	sshrl.u32 s1, $0x2  }
0xb9: {  	s3 =	sand.u32 $0x4000, s31;
	s1 =	sadd.s32 s1, s30  }
0xba: {  	s0 =	sor.u32 s3, s0;
	s1 =	sshll.u32 s1, $0x11  }
0xbb: {  	s0 =	sor.u32 s1, s0  }
0xbc: {  	s0 =	sadd.s32 $0x8F2B, s0  }
0xbd: {  	[sflag:s0] =	ssyncadd.remote.s32 $0x1  }
0xbe: {  	_ =	sfence.sel $0xFFFF  }
0xbf: {  	[dreg:$0x0] =	wrdreg $0xFFFFFFFF;
	(pc) =	sbr.abs _section_cstart, $3  }
0xc0: {  	[dreg:$0x1] =	wrdreg $0xFFFFFFFF  }
0xc1: {  	_ =	task.clear_ibuf [dreg:s6], $0x2FFFF;
	_ =	strace $0x9FFFFFFF  }
0xc2: {  	(tm) =	ssettm $0x7FFFFFFF  }
0xc3: {  	_ =	shalt  }
tec
execute0_lowered:
.L_overlay_start_1:
0x0: {  	(tag) =	ssettag $0x1  }
0x1: {  	s0 =	rddreg [dreg:$0x0]  }
0x2: {  	s1 =	rddreg [dreg:$0x1];
	s3 =	simm.s32 $0x0;
	s14 =	stileid.u32  }
0x3: {  	s8 =	srdreg.scid;
	[smem:$0x7FF] =	sst s3  }
0x4: {  	s4 =	sadd.s32 $0x4FE00, s0;
	s5 =	sadd.s32 $0x77000, s0;
	s2 =	smul.u32 $0x58E00, s14  }
0x5: {  	s6 =	sadd.s32 $0xBA00, s0;
	s7 =	sadd.s32 $0x1C00, s0;
	s0 =	sadd.s32 $0xC5200, s0  }
0x6: {  	s18 =	smul.u32 $0x16380, s14;
	s20 =	sadd.s32 $0x152580, s1;
	p0 =	seq.s32 s14, $0xF  }
0x7: {  	s9 =	sand.u32 $0x1, s8;
	s31 =	sadd.s32 $0x15C780, s1;
	_ =	strace $0x80000047  }
0x8: {  	s10 =	ssub.s32 $0x2, s9;
	s11 =	sshll.u32 s9, $0x4;
	s16 =	smul.u32 $0x15F900, s9  }
0x9: {  	[dreg:$0xb] =	wrdreg s20;
	s9 =	simm.s32 $0x3;
	s2 =	sshrl.u32 s2, $0x2  }
0xa: {  	s20 =	simm.s32 $0x16060;
	s24 =	sor.u32 s14, s11;
	s8 =	sadd.s32 s2, s1  }
0xb: {  	s19 =	sshrl.u32 s10, $0x1;
	s14 =	simm.s32 $0x184A0;
	s25 =	sadd.s32 $0x2880, s8  }
0xc: {  	s13 =	smul.u32 $0x2710, s24;
	s26 =	sadd.s32 $0x5100, s8;
	[dreg:$0x3] =	wrdreg s25  }
0xd: {  	s10 =	ssub.s32 s10, s19;
	s28 =	sadd.s32 $0x7980, s8;
	[dreg:$0x4] =	wrdreg s26  }
0xe: {  	s22 =	sadd.s32 s18, s16;
	s29 =	sadd.s32 $0xA200, s8;
	[dreg:$0x5] =	wrdreg s28  }
0xf: {  	s2 =	sshrl.u32 s16, $0x3;
	s12 =	sadd.s32 $0xCA80, s8;
	[dreg:$0x6] =	wrdreg s29  }
0x10: {  	v0 =	vimm.s32 $0xFEDCBA98;
	v1 =	vimm.s32 $0x76543210;
	s16 =	simm.s32 $0x2;
	s15 =	sadd.s32 $0xF300, s8;
	[dreg:$0x7] =	wrdreg s12  }
0x11: {  	v2 =	vimm.s32 $0xBA98FEDC;
	v3 =	vimm.s32 $0x32107654;
	s19 =	simm.s32 $0x16020;
	s17 =	sadd.s32 $0x11B80, s8;
	[dreg:$0x8] =	wrdreg s15  }
0x12: {  	v4 =	vimm.s32 $0xDCFE98BA;
	s30 =	sadd.s32 $0x14400, s8;
	[dreg:$0x9] =	wrdreg s17;
	s12 =	sadd.s32 $0x14FD00, s1  }
0x13: {  	v5 =	vimm.s32 $0x54761032;
	v6 =	vimm.s32 $0xEFCDAB89;
	s17 =	sadd.s32 $0x14D480, s1;
	s25 =	smax.u32 s10, $0x1;
	[dreg:$0xa] =	wrdreg s12  }
0x14: {  	v7 =	vimm.s32 $0x67452301;
	vm0 =	vcmask $0xB08;
	vm1 =	vcmask $0x704;
	s21 =	sshrl.u32 s13, $0x3;
	s26 =	sadd.s32 $0x154E00, s1;
	[dreg:$0x10] =	wrdreg s25  }
0x15: {  	v0 =	vunpack.c.l.s4.s8 v0;
	v1 =	vunpack.c.l.s4.s8 v1;
	v2 =	vunpack.c.l.s4.s8 v2;
	s28 =	sadd.s32 $0x157680, s1;
	s29 =	sadd.s32 $0x159F00, s1;
	[dreg:$0x11] =	wrdreg s26  }
0x16: {  	v3 =	vunpack.c.l.s4.s8 v3;
	v4 =	vunpack.c.l.s4.s8 v4;
	v5 =	vunpack.c.l.s4.s8 v5;
	s10 =	simm.s32 $0x15FD8;
	s15 =	simm.s32 $0x1;
	[dreg:$0x13] =	wrdreg s28  }
0x17: {  	v6 =	vunpack.c.l.s4.s8 v6;
	v7 =	vunpack.c.l.s4.s8 v7;
	v0 =	vunpack.c.0.s8.s32 v0;
	s11 =	sadd.s32 $0x4DA, s21;
	s12 =	sshrl.u32 s22, $0x3;
	[dreg:$0x14] =	wrdreg s29  }
0x18: {  	v2 =	vunpack.c.0.s8.s32 v2;
	v3 =	vunpack.c.0.s8.s32 v3;
	v4 =	vunpack.c.0.s8.s32 v4;
	s21 =	simm.s32 $0x40;
	s12 =	sadd.s32 s0, s12;
	s0 =	sadd.s32 s0, s2  }
0x19: {  	v5 =	vunpack.c.0.s8.s32 v5;
	v6 =	vunpack.c.0.s8.s32 v6;
	v7 =	vunpack.c.0.s8.s32 v7;
	s23 =	sadd.s32 s6, s11;
	s24 =	sadd.s32 s7, s11;
	[dreg:$0xc] =	wrdreg s12  }
0x1a: {  	vm2 =	vmmov $0x1;
	v1 =	vunpack.c.0.s8.s32 v1;
	v2 =	vcombine.low v3, v2;
	s2 =	sadd.s32 s18, s1;
	s11 =	simm.s32 $0x48;
	[dreg:$0xd] =	wrdreg s23  }
0x1b: {  	v3 =	vcombine.low v5, v4;
	v4 =	vand.u32 $0xF, v0;
	v5 =	vcombine.low v7, v6;
	s18 =	simm.s32 $0x1CCA0;
	[dreg:$0xe] =	wrdreg s24;
	s0 =	sadd.s32 $0x29A90, s0  }
0x1c: {  	vm3 =	vmmov $0xf;
	v0 =	vimm.f32 $0.0e+00;
	v1 =	vcombine.low v4, v1;
	s12 =	simm.s32 $0x160A0;
	[dreg:$0xf] =	wrdreg s0;
	s0 =	sshrl.u32 @!p0 s2, $0x3  }
0x1d: {  	v2 =	vand.u32 $0xF, v2;
	v3 =	vand.u32 $0xF, v3;
	v4 =	vand.u32 $0xF, v5;
	s2 =	simm.s32 $0x15F90;
	[dreg:$0x12] =	wrdreg s0;
	s0 =	sadd.s32 $0x15F000, s1  }
.LBB2_1:
0x1e: {  	s22 =	simm.s32 $0x0;
	s23 =	simm.s32 $0x240  }
.LBB2_2:
0x1f: {  	p1 =	sne.s32 s23, $0x9FC0;
	[tilespmem:s22+$0x1CD20] =	vst v0  }
0x20: {  	[tilespmem:s22+$0x1CCA0] =	vst v0  }
0x21: {  	[tilespmem:s22+$0x1CCB0] =	vst v0  }
0x22: {  	[tilespmem:s22+$0x1CCC0] =	vst v0  }
.Ltmp0:
0x23: {  	[tilespmem:s22+$0x1CCD0] =	vst v0;
	(pc) =	sbr.rel @p1 .LBB2_2-.Ltmp0, $4  }
0x24: {  	[tilespmem:s22+$0x1CCE0] =	vst v0  }
0x25: {  	[tilespmem:s22+$0x1CCF0] =	vst v0  }
0x26: {  	[tilespmem:s22+$0x1CD00] =	vst v0  }
0x27: {  	[tilespmem:s22+$0x1CD10] =	vst v0;
	s22 =	sshra.s32 s23, $0x2;
	s23 =	sadd.s32 $0x240, s23  }
0x28: {  	[tilespmem:s22+$0x1CD20] =	vst v0  }
0x29: {  	[tilespmem:s22+$0x1CCA0] =	vst v0  }
0x2a: {  	[tilespmem:s22+$0x1CCB0] =	vst v0  }
0x2b: {  	[tilespmem:s22+$0x1CCC0] =	vst v0  }
0x2c: {  	[tilespmem:s22+$0x1CCD0] =	vst v0  }
0x2d: {  	[tilespmem:s22+$0x1CCE0] =	vst v0  }
0x2e: {  	[tilespmem:s22+$0x1CCF0] =	vst v0  }
0x2f: {  	[tilespmem:s22+$0x1CD00] =	vst v0  }
0x30: {  	[tilespmem:s22+$0x1CD10] =	vst v0;
	s22 =	simm.s32 @p0 $0x1CCA0;
	s23 =	simm.s32 @p0 $0x3  }
0x31: {  	[spmem:s17] =	stream.linear.scatter @p0 [tilespmem:s22], [sflag:$0x3], $0x2880, $0x38;
	[tilespmem:$0x1F520] =	vst v63  }
0x32: {  	_ =	swait.ge @p0 [sflag:s23], $0x2880  }
0x33: {  	[sflag:s23] =	ssyncset.done @p0 $0x0  }
0x34: {  	s24 =	rddreg [dreg:$0xa];
	[sflag:s23] =	ssyncadd.s32 @p0 $0xFFFFD780  }
0x35: {  	[spmem:s24] =	stream.linear.scatter @p0 [tilespmem:s22], [sflag:$0x3], $0x2880, $0x38;
	[tilespmem:$0x1F520] =	vst v63  }
0x36: {  	_ =	swait.ge @p0 [sflag:s23], $0x2880  }
0x37: {  	[sflag:s23] =	ssyncset.done @p0 $0x0  }
0x38: {  	s24 =	rddreg [dreg:$0xb];
	[sflag:s23] =	ssyncadd.s32 @p0 $0xFFFFD780  }
0x39: {  	[spmem:s24] =	stream.linear.scatter @p0 [tilespmem:s22], [sflag:$0x3], $0x2880, $0x38;
	[tilespmem:$0x1F520] =	vst v63  }
0x3a: {  	_ =	swait.ge @p0 [sflag:s23], $0x2880  }
0x3b: {  	[sflag:s23] =	ssyncset.done @p0 $0x0  }
0x3c: {  	s24 =	rddreg [dreg:$0x11];
	[sflag:s23] =	ssyncadd.s32 @p0 $0xFFFFD780  }
0x3d: {  	[spmem:s24] =	stream.linear.scatter @p0 [tilespmem:s22], [sflag:$0x3], $0x2880, $0x38;
	[tilespmem:$0x1F520] =	vst v63  }
0x3e: {  	_ =	swait.ge @p0 [sflag:s23], $0x2880  }
0x3f: {  	[sflag:s23] =	ssyncset.done @p0 $0x0  }
0x40: {  	s24 =	rddreg [dreg:$0x13];
	[sflag:s23] =	ssyncadd.s32 @p0 $0xFFFFD780  }
0x41: {  	[spmem:s24] =	stream.linear.scatter @p0 [tilespmem:s22], [sflag:$0x3], $0x2880, $0x38;
	[tilespmem:$0x1F520] =	vst v63  }
0x42: {  	_ =	swait.ge @p0 [sflag:s23], $0x2880  }
0x43: {  	[sflag:s23] =	ssyncset.done @p0 $0x0  }
0x44: {  	s24 =	rddreg [dreg:$0x14];
	[sflag:s23] =	ssyncadd.s32 @p0 $0xFFFFD780  }
0x45: {  	[spmem:s24] =	stream.linear.scatter @p0 [tilespmem:s22], [sflag:$0x3], $0x2880, $0x38;
	[tilespmem:$0x1F520] =	vst v63  }
0x46: {  	_ =	swait.ge @p0 [sflag:s23], $0x2880  }
0x47: {  	[sflag:s23] =	ssyncset.done @p0 $0x0  }
0x48: {  	[sflag:s23] =	ssyncadd.s32 @p0 $0xFFFFD780  }
0x49: {  	[spmem:s31] =	stream.linear.scatter @p0 [tilespmem:s22], [sflag:$0x3], $0x2880, $0x38;
	[tilespmem:$0x1F520] =	vst v63  }
0x4a: {  	_ =	swait.ge @p0 [sflag:s23], $0x2880  }
0x4b: {  	[sflag:s23] =	ssyncset.done @p0 $0x0  }
0x4c: {  	[sflag:s23] =	ssyncadd.s32 @p0 $0xFFFFD780  }
0x4d: {  	[spmem:s0] =	stream.linear.scatter @p0 [tilespmem:s22], [sflag:$0x3], $0x900, $0x38;
	[tilespmem:$0x1F520] =	vst v63  }
0x4e: {  	_ =	swait.ge @p0 [sflag:s23], $0x900  }
0x4f: {  	[sflag:s23] =	ssyncset.done @p0 $0x0  }
0x50: {  	s22 =	simm.s32 @!p0 $0x1CCA0;
	[sflag:s23] =	ssyncadd.s32 @p0 $0xFFFFF700;
	s23 =	simm.s32 @!p0 $0x3  }
0x51: {  	[spmem:s8] =	stream.linear.scatter @!p0 [tilespmem:s22], [sflag:$0x3], $0x2880, $0x38;
	[tilespmem:$0x1F520] =	vst v63  }
0x52: {  	_ =	swait.ge @!p0 [sflag:s23], $0x2880  }
0x53: {  	[sflag:s23] =	ssyncset.done @!p0 $0x0  }
0x54: {  	s24 =	rddreg [dreg:$0x3];
	[sflag:s23] =	ssyncadd.s32 @!p0 $0xFFFFD780  }
0x55: {  	[spmem:s24] =	stream.linear.scatter @!p0 [tilespmem:s22], [sflag:$0x3], $0x2880, $0x38;
	[tilespmem:$0x1F520] =	vst v63  }
0x56: {  	_ =	swait.ge @!p0 [sflag:s23], $0x2880  }
0x57: {  	[sflag:s23] =	ssyncset.done @!p0 $0x0  }
0x58: {  	s24 =	rddreg [dreg:$0x4];
	[sflag:s23] =	ssyncadd.s32 @!p0 $0xFFFFD780  }
0x59: {  	[spmem:s24] =	stream.linear.scatter @!p0 [tilespmem:s22], [sflag:$0x3], $0x2880, $0x38;
	[tilespmem:$0x1F520] =	vst v63  }
0x5a: {  	_ =	swait.ge @!p0 [sflag:s23], $0x2880  }
0x5b: {  	[sflag:s23] =	ssyncset.done @!p0 $0x0  }
0x5c: {  	s24 =	rddreg [dreg:$0x5];
	[sflag:s23] =	ssyncadd.s32 @!p0 $0xFFFFD780  }
0x5d: {  	[spmem:s24] =	stream.linear.scatter @!p0 [tilespmem:s22], [sflag:$0x3], $0x2880, $0x38;
	[tilespmem:$0x1F520] =	vst v63  }
0x5e: {  	_ =	swait.ge @!p0 [sflag:s23], $0x2880  }
0x5f: {  	[sflag:s23] =	ssyncset.done @!p0 $0x0  }
0x60: {  	s24 =	rddreg [dreg:$0x6];
	[sflag:s23] =	ssyncadd.s32 @!p0 $0xFFFFD780  }
0x61: {  	[spmem:s24] =	stream.linear.scatter @!p0 [tilespmem:s22], [sflag:$0x3], $0x2880, $0x38;
	[tilespmem:$0x1F520] =	vst v63  }
0x62: {  	_ =	swait.ge @!p0 [sflag:s23], $0x2880  }
0x63: {  	[sflag:s23] =	ssyncset.done @!p0 $0x0  }
0x64: {  	s24 =	rddreg [dreg:$0x7];
	[sflag:s23] =	ssyncadd.s32 @!p0 $0xFFFFD780  }
0x65: {  	[spmem:s24] =	stream.linear.scatter @!p0 [tilespmem:s22], [sflag:$0x3], $0x2880, $0x38;
	[tilespmem:$0x1F520] =	vst v63  }
0x66: {  	_ =	swait.ge @!p0 [sflag:s23], $0x2880  }
0x67: {  	[sflag:s23] =	ssyncset.done @!p0 $0x0  }
0x68: {  	s24 =	rddreg [dreg:$0x8];
	[sflag:s23] =	ssyncadd.s32 @!p0 $0xFFFFD780  }
0x69: {  	[spmem:s24] =	stream.linear.scatter @!p0 [tilespmem:s22], [sflag:$0x3], $0x2880, $0x38;
	[tilespmem:$0x1F520] =	vst v63  }
0x6a: {  	_ =	swait.ge @!p0 [sflag:s23], $0x2880  }
0x6b: {  	[sflag:s23] =	ssyncset.done @!p0 $0x0  }
0x6c: {  	s24 =	rddreg [dreg:$0x9];
	[sflag:s23] =	ssyncadd.s32 @!p0 $0xFFFFD780  }
0x6d: {  	[spmem:s24] =	stream.linear.scatter @!p0 [tilespmem:s22], [sflag:$0x3], $0x2880, $0x38;
	[tilespmem:$0x1F520] =	vst v63  }
0x6e: {  	_ =	swait.ge @!p0 [sflag:s23], $0x2880  }
0x6f: {  	[sflag:s23] =	ssyncset.done @!p0 $0x0  }
0x70: {  	[sflag:s23] =	ssyncadd.s32 @!p0 $0xFFFFD780  }
0x71: {  	[spmem:s30] =	stream.linear.scatter @!p0 [tilespmem:s22], [sflag:$0x3], $0x1F80, $0x38;
	[tilespmem:$0x1F520] =	vst v63  }
0x72: {  	_ =	swait.ge @!p0 [sflag:s23], $0x1F80  }
0x73: {  	[sflag:s23] =	ssyncset.done @!p0 $0x0  }
0x74: {  	[sflag:s23] =	ssyncadd.s32 @!p0 $0xFFFFE080  }
0x75: {  	s22 =	simm.s32 $0x0;
	s23 =	simm.s32 $0x0;
	[bflag:$0x0] =	sbarrier.arrive $0xFFFF  }
.LBB2_4:
0x76: {  	s24 =	smul.u32 $0x48, s23;
	_ =	sdelay $0x1  }
0x77: {  	s24 =	sadd.s32 s13, s24  }
0x78: {  	s24 =	sshrl.u32 s24, $0x3  }
0x79: {  	s25 =	sadd.s32 s6, s24  }
0x7a: {  	[tilespmem:s2], [sflag:$0x3] =	stream.linear.gather [hbm4b:s25+s22], $0x48, $0x38;
	[tilespmem:$0x1F520] =	vst v63  }
0x7b: {  	_ =	swait.ge [sflag:s9], $0x48  }
0x7c: {  	[sflag:s9] =	ssyncset.done $0x0  }
0x7d: {  	s24 =	sadd.s32 s7, s24;
	[sflag:s9] =	ssyncadd.s32 $0xFFFFFFB8  }
0x7e: {  	[tilespmem:s10], [sflag:$0x3] =	stream.linear.gather [hbm4b:s24+s22], $0x48, $0x38;
	[tilespmem:$0x1F520] =	vst v63  }
0x7f: {  	_ =	swait.ge [sflag:s9], $0x48  }
0x80: {  	[sflag:s9] =	ssyncset.done $0x0  }
0x81: {  	[sflag:s9] =	ssyncadd.s32 $0xFFFFFFB8  }
0x82: {  	[tilespmem:s12], [sflag:$0x1] =	stream.indirect.gather [hbm4b:s4+s11], $0x80, s10, s11, $0xb8;
	[tilespmem:$0x1F520] =	vst v63  }
0x83: {  	_ = 	snop  }
0x84: {  	[tilespmem:s14], [sflag:$0x2] =	stream.indirect.gather [hbm4b:s5+s11], $0x100, s2, s11, $0xb8;
	[tilespmem:$0x1F520] =	vst v63  }
0x85: {  	_ =	swait.ge [sflag:s15], $0x2400  }
0x86: {  	[sflag:s15] =	ssyncset.done $0x0  }
0x87: {  	[sflag:s15] =	ssyncadd.s32 $0xFFFFDC00  }
0x88: {  	_ =	swait.ge [sflag:s16], $0x4800  }
0x89: {  	[sflag:s16] =	ssyncset.done $0x0  }
0x8a: {  	s24 =	simm.s32 $0x18520;
	[sflag:s16] =	ssyncadd.s32 $0xFFFFB800  }
0x8b: {  	v5 =	vld [tilespmem:s24+$0xFFFFFFC0]  }
0x8c: {  	v6 =	vld [tilespmem:s24+$0xFFFFFFE0]  }
0x8d: {  	v7 =	vld [tilespmem:s24+$0xFFFFFFF0]  }
0x8e: {  	v8 =	vld [tilespmem:s24+$0xFFFFFFA0]  }
0x8f: {  	s29 =	simm.s32 $0x0;
	v9 =	vld [tilespmem:s24+$0xFFFFFFB0]  }
0x90: {  	v10 =	vld [tilespmem:s29+$0x160D0]  }
0x91: {  	v11 =	vld [tilespmem:s29+$0x160C0]  }
0x92: {  	v12 =	vld [tilespmem:s24+$0xFFFFFFD0]  }
0x93: {  	v13 =	vld [tilespmem:s24+$0xFFFFFF90]  }
0x94: {  	v14 =	vld [tilespmem:s29+$0x160B0]  }
0x95: {  	v15 =	vld [tilespmem:s29+$0x160F0]  }
0x96: {  	v16 =	vld [tilespmem:s29+$0x16110]  }
0x97: {  	v9 =	vmul.f32 v9, v10;
	v8 =	vmul.f32 v8, v11;
	v10 =	vld [tilespmem:s29+$0x16100]  }
0x98: {  	v11 =	vld [tilespmem:s29+$0x160E0]  }
0x99: {  	v17 =	vld [tilespmem:s29+$0x160A0];
	v8 =	vadd.f32 v9, v8  }
0x9a: {  	v9 =	vld [tilespmem:s24+$0xFFFFFF80]  }
0x9b: {  	v18 =	vperm.xlane v8, v1  }
0x9c: {  	v7 =	vmul.f32 v7, v16;
	v6 =	vmul.f32 v6, v10  }
0x9d: {  	v12 =	vmul.f32 v12, v15;
	v5 =	vmul.f32 v5, v11;
	v8 =	vadd.f32 v18, v8  }
0x9e: {  	v11 =	vmul.f32 v13, v14;
	v6 =	vadd.f32 v7, v6  }
0x9f: {  	v7 =	vmul.f32 v9, v17;
	v5 =	vadd.f32 v12, v5;
	v10 =	vperm.xlane v8, v2  }
0xa0: {  	v9 =	vperm.xlane v6, v1  }
0xa1: {  	v7 =	vadd.f32 v11, v7;
	v8 =	vadd.f32 v10, v8;
	v10 =	vperm.xlane v5, v1  }
0xa2: {  	v6 =	vadd.f32 v9, v6  }
0xa3: {  	v9 =	vperm.xlane v7, v1;
	v11 =	vperm.xlane v8, v3;
	v5 =	vadd.f32 v10, v5  }
0xa4: {  	v10 =	vperm.xlane v6, v2  }
0xa5: {  	v7 =	vadd.f32 v9, v7;
	v8 =	vadd.f32 v11, v8;
	v9 =	vperm.xlane v5, v2  }
0xa6: {  	v6 =	vadd.f32 v10, v6  }
0xa7: {  	v10 =	vperm.xlane v7, v2;
	v11 =	vperm.xlane v8, v4;
	v5 =	vadd.f32 v9, v5  }
0xa8: {  	v9 =	vperm.xlane v6, v3  }
0xa9: {  	v7 =	vadd.f32 v10, v7;
	v8 =	vadd.f32 v11, v8;
	v10 =	vperm.xlane v5, v3  }
0xaa: {  	v6 =	vadd.f32 v9, v6  }
0xab: {  	v9 =	vperm.xlane v7, v3;
	v8 =	vmul.f32 $1.767766920e-01, v8;
	v5 =	vadd.f32 v10, v5  }
0xac: {  	v10 =	vperm.xlane v6, v4  }
0xad: {  	v7 =	vadd.f32 v9, v7;
	v8 =	vmul.f32 $1.442695020e+00, v8;
	v9 =	vperm.xlane v5, v4  }
0xae: {  	v6 =	vadd.f32 v10, v6  }
0xaf: {  	(erf) = vpow2.f32 v8;
	v8 =	vperm.xlane v7, v4;
	v5 =	vadd.f32 v9, v5  }
0xb0: {  	v6 =	vmul.f32 $1.767766920e-01, v6  }
0xb1: {  	v7 =	vadd.f32 v8, v7;
	v8 =	vmul.f32 $1.767766920e-01, v5  }
0xb2: {  	v6 =	vmul.f32 $1.442695020e+00, v6  }
0xb3: {  	v10 =	vmul.f32 $1.767766920e-01, v7;
	v8 =	vmul.f32 $1.442695020e+00, v8  }
0xb4: {  	(erf) = vpow2.f32 v6  }
0xb5: {  	v12 =	vld [tilespmem:s24+$0x20];
	v6 =	vmul.f32 $1.442695020e+00, v10;
	(erf) = vpow2.f32 v8  }
0xb6: {  	v11 =	vld [tilespmem:s24+$0x60]  }
0xb7: {  	v9 =	vld [tilespmem:s24+$0x30];
	(erf) = vpow2.f32 v6  }
0xb8: {  	v5 =	vld [tilespmem:s24+$0x50]  }
0xb9: {  	v7 =	vld [tilespmem:s24+$0x70]  }
0xba: {  	v10 =	vld [tilespmem:s24+$0x40]  }
0xbb: {  	v6 =	vld [tilespmem:s24+$0x10];
	v8 =	vpop (erf)  }
0xbc: {  	s26 =	simm.s32 $0x1CCE0;
	s28 =	simm.s32 $0x200;
	s25 =	simm.s32 $0x1CCE0;
	v13 =	vmul.f32 v8, v12;
	v12 =	vmul.f32 v8, v9;
	v9 =	vld [tilespmem:s24+$0x0]  }
.LBB2_5:
0xbd: {  	p1 =	sne.s32 s28, $0x8E00;
	s26 =	sadd.s32 $0x90, s26;
	s24 =	sadd.s32 $0x100, s24;
	v14 =	vpop (erf)  }
0xbe: {  	s29 =	smov.u32 s28;
	s28 =	sadd.s32 $0x200, s28;
	[tilespmem:s25+$0xFFFFFFE0] =	vst v13;
	v15 =	vmul.f32 v14, v11;
	v7 =	vmul.f32 v14, v7;
	v13 =	vpop (erf)  }
0xbf: {  	[tilespmem:s25+$0xFFFFFFF0] =	vst v12;
	v10 =	vmul.f32 v13, v10;
	v5 =	vmul.f32 v13, v5;
	v12 =	vsel vm0, v13, v14  }
0xc0: {  	[tilespmem:s25+$0x20] =	vst v15;
	v8 =	vsel vm1, v8, v12;
	v11 =	vpop (erf)  }
0xc1: {  	v9 =	vmul.f32 v11, v9;
	v6 =	vmul.f32 v11, v6;
	[tilespmem:s25+$0x0] =	vst v10;
	v8 =	vsel vm2, v11, v8  }
0xc2: {  	[tilespmem:s25+$0x10] =	vst v5;
	v5 =	vnsel vm3, $0x0, v8  }
0xc3: {  	[tilespmem:s25+$0x30] =	vst v7  }
0xc4: {  	[tilespmem:s25+$0x40] =	vst v5  }
0xc5: {  	[tilespmem:s25+$0xFFFFFFD0] =	vst v6  }
0xc6: {  	[tilespmem:s25+$0xFFFFFFC0] =	vst v9;
	s25 =	smov.u32 s26  }
0xc7: {  	v5 =	vld [tilespmem:s24+$0xFFFFFFC0]  }
0xc8: {  	v6 =	vld [tilespmem:s24+$0xFFFFFFE0]  }
0xc9: {  	v7 =	vld [tilespmem:s24+$0xFFFFFFF0]  }
0xca: {  	v8 =	vld [tilespmem:s24+$0xFFFFFFD0]  }
0xcb: {  	v9 =	vld [tilespmem:s24+$0xFFFFFFA0]  }
0xcc: {  	v10 =	vld [tilespmem:s24+$0xFFFFFFB0]  }
0xcd: {  	s29 =	sshra.s32 s29, $0x2;
	v11 =	vld [tilespmem:s24+$0xFFFFFF90]  }
0xce: {  	v12 =	vld [tilespmem:s29+$0x160B0]  }
0xcf: {  	v13 =	vld [tilespmem:s29+$0x160D0]  }
0xd0: {  	v14 =	vld [tilespmem:s29+$0x160C0]  }
0xd1: {  	v15 =	vld [tilespmem:s29+$0x160F0]  }
0xd2: {  	v16 =	vld [tilespmem:s29+$0x16110]  }
0xd3: {  	v17 =	vld [tilespmem:s29+$0x16100];
	v11 =	vmul.f32 v11, v12  }
0xd4: {  	v12 =	vld [tilespmem:s29+$0x160E0];
	v10 =	vmul.f32 v10, v13  }
0xd5: {  	v13 =	vld [tilespmem:s24+$0xFFFFFF80];
	v9 =	vmul.f32 v9, v14  }
0xd6: {  	v14 =	vld [tilespmem:s29+$0x160A0]  }
0xd7: {  	v8 =	vmul.f32 v8, v15;
	v9 =	vadd.f32 v10, v9;
	v7 =	vmul.f32 v7, v16  }
0xd8: {  	v6 =	vmul.f32 v6, v17  }
0xd9: {  	v10 =	vperm.xlane v9, v1;
	v5 =	vmul.f32 v5, v12  }
0xda: {  	v6 =	vadd.f32 v7, v6  }
0xdb: {  	v7 =	vmul.f32 v13, v14;
	v9 =	vadd.f32 v10, v9;
	v5 =	vadd.f32 v8, v5  }
0xdc: {  	v8 =	vperm.xlane v6, v1  }
0xdd: {  	v7 =	vadd.f32 v11, v7;
	v10 =	vperm.xlane v9, v2;
	v11 =	vperm.xlane v5, v1  }
0xde: {  	v6 =	vadd.f32 v8, v6  }
0xdf: {  	v8 =	vperm.xlane v7, v1;
	v9 =	vadd.f32 v10, v9;
	v5 =	vadd.f32 v11, v5  }
0xe0: {  	v10 =	vperm.xlane v6, v2  }
0xe1: {  	v7 =	vadd.f32 v8, v7;
	v8 =	vperm.xlane v9, v3;
	v11 =	vperm.xlane v5, v2  }
0xe2: {  	v6 =	vadd.f32 v10, v6  }
0xe3: {  	v10 =	vperm.xlane v7, v2;
	v8 =	vadd.f32 v8, v9;
	v5 =	vadd.f32 v11, v5  }
0xe4: {  	v9 =	vperm.xlane v6, v3  }
0xe5: {  	v7 =	vadd.f32 v10, v7;
	v10 =	vperm.xlane v8, v4;
	v11 =	vperm.xlane v5, v3  }
0xe6: {  	v6 =	vadd.f32 v9, v6  }
0xe7: {  	v9 =	vperm.xlane v7, v3;
	v8 =	vadd.f32 v10, v8;
	v5 =	vadd.f32 v11, v5  }
0xe8: {  	v10 =	vperm.xlane v6, v4  }
0xe9: {  	v7 =	vadd.f32 v9, v7;
	v8 =	vmul.f32 $1.767766920e-01, v8;
	v9 =	vperm.xlane v5, v4  }
0xea: {  	v6 =	vadd.f32 v10, v6  }
0xeb: {  	v10 =	vperm.xlane v7, v4;
	v8 =	vmul.f32 $1.442695020e+00, v8;
	v5 =	vadd.f32 v9, v5  }
0xec: {  	v6 =	vmul.f32 $1.767766920e-01, v6  }
0xed: {  	v7 =	vadd.f32 v10, v7;
	v5 =	vmul.f32 $1.767766920e-01, v5;
	(erf) = vpow2.f32 v8  }
0xee: {  	v6 =	vmul.f32 $1.442695020e+00, v6  }
0xef: {  	v7 =	vmul.f32 $1.767766920e-01, v7;
	v5 =	vmul.f32 $1.442695020e+00, v5  }
0xf0: {  	(erf) = vpow2.f32 v6  }
0xf1: {  	v9 =	vld [tilespmem:s24+$0x30];
	v6 =	vmul.f32 $1.442695020e+00, v7;
	(erf) = vpow2.f32 v5  }
0xf2: {  	v12 =	vld [tilespmem:s24+$0x20]  }
0xf3: {  	v5 =	vld [tilespmem:s24+$0x50];
	(erf) = vpow2.f32 v6  }
.Ltmp1:
0xf4: {  	v7 =	vld [tilespmem:s24+$0x70];
	(pc) =	sbr.rel @p1 .LBB2_5-.Ltmp1, $4  }
0xf5: {  	v11 =	vld [tilespmem:s24+$0x60]  }
0xf6: {  	v10 =	vld [tilespmem:s24+$0x40];
	v8 =	vpop (erf)  }
0xf7: {  	v6 =	vld [tilespmem:s24+$0x10];
	v13 =	vmul.f32 v8, v12;
	v12 =	vmul.f32 v8, v9  }
0xf8: {  	v9 =	vld [tilespmem:s24+$0x0]  }
0xf9: {  	v14 =	vpop (erf)  }
0xfa: {  	[tilespmem:s25+$0xFFFFFFE0] =	vst v13;
	v11 =	vmul.f32 v14, v11  }
0xfb: {  	[tilespmem:s25+$0xFFFFFFF0] =	vst v12;
	v61 =	vpop (erf);
	v7 =	vmul.f32 v14, v7  }
0xfc: {  	v10 =	vmul.f32 v61, v10;
	v62 =	vsel vm0, v61, v14;
	[tilespmem:s25+$0x20] =	vst v11  }
0xfd: {  	v5 =	vmul.f32 v61, v5;
	v8 =	vsel vm1, v8, v62;
	v63 =	vpop (erf);
	[tilespmem:s25+$0x30] =	vst v7  }
0xfe: {  	[tilespmem:s25+$0x0] =	vst v10;
	v8 =	vsel vm2, v63, v8  }
0xff: {  	[tilespmem:s25+$0x10] =	vst v5;
	v5 =	vmul.f32 v63, v6;
	v6 =	vnsel vm3, $0x0, v8  }
0x100: {  	s23 =	sadd.s32 $0x1, s23;
	v7 =	vmul.f32 v63, v9;
	[tilespmem:s25+$0x40] =	vst v6  }
0x101: {  	p1 =	sne.s32 s23, $0x8A;
	[tilespmem:s25+$0xFFFFFFD0] =	vst v5  }
.Ltmp2:
0x102: {  	[tilespmem:s25+$0xFFFFFFC0] =	vst v7;
	(pc) =	sbr.rel @p1 .LBB2_4-.Ltmp2, $4  }
0x103: {  	[spmem:s1] =	stream.indirect.scatter.add.f32 [tilespmem:s18], [sflag:$0x3], $0x90, s10, s11, $0xb8;
	[tilespmem:$0x1F520] =	vst v63  }
0x104: {  	_ =	swait.ge [sflag:s9], $0x2880  }
0x105: {  	[sflag:s9] =	ssyncset.done $0x0  }
0x106: {  	[sflag:s9] =	ssyncadd.s32 $0xFFFFD780  }
0x107: {  	s22 =	simm.s32 $0x0;
	s23 =	rddreg [dreg:$0xd]  }
0x108: {  	[tilespmem:s19], [sflag:$0x3] =	stream.linear.gather [hbm4b:s23+s22], $0x40, $0x38;
	[tilespmem:$0x1F520] =	vst v63  }
0x109: {  	_ =	swait.ge [sflag:s9], $0x40  }
0x10a: {  	[sflag:s9] =	ssyncset.done $0x0  }
0x10b: {  	s28 =	rddreg [dreg:$0xe];
	[sflag:s9] =	ssyncadd.s32 $0xFFFFFFC0  }
0x10c: {  	[tilespmem:s20], [sflag:$0x3] =	stream.linear.gather [hbm4b:s28+s22], $0x40, $0x38;
	[tilespmem:$0x1F520] =	vst v63  }
0x10d: {  	_ =	swait.ge [sflag:s9], $0x40  }
0x10e: {  	[sflag:s9] =	ssyncset.done $0x0  }
0x10f: {  	[sflag:s9] =	ssyncadd.s32 $0xFFFFFFC0  }
0x110: {  	[tilespmem:s12], [sflag:$0x1] =	stream.indirect.gather [hbm4b:s4+s21], $0x80, s20, s21, $0xb8;
	[tilespmem:$0x1F520] =	vst v63  }
0x111: {  	_ = 	snop  }
0x112: {  	[tilespmem:s14], [sflag:$0x2] =	stream.indirect.gather [hbm4b:s5+s21], $0x100, s19, s21, $0xb8;
	[tilespmem:$0x1F520] =	vst v63  }
0x113: {  	_ =	swait.ge [sflag:s15], $0x2000  }
0x114: {  	[sflag:s15] =	ssyncset.done $0x0  }
0x115: {  	[sflag:s15] =	ssyncadd.s32 $0xFFFFE000  }
0x116: {  	_ =	swait.ge [sflag:s16], $0x4000  }
0x117: {  	[sflag:s16] =	ssyncset.done $0x0  }
0x118: {  	s22 =	simm.s32 $0x18520;
	[sflag:s16] =	ssyncadd.s32 $0xFFFFC000  }
0x119: {  	v5 =	vld [tilespmem:s22+$0xFFFFFFC0]  }
0x11a: {  	v6 =	vld [tilespmem:s22+$0xFFFFFFE0]  }
0x11b: {  	v7 =	vld [tilespmem:s22+$0xFFFFFFF0]  }
0x11c: {  	v8 =	vld [tilespmem:s22+$0xFFFFFFA0]  }
0x11d: {  	s29 =	simm.s32 $0x0;
	v9 =	vld [tilespmem:s22+$0xFFFFFFB0]  }
0x11e: {  	v10 =	vld [tilespmem:s29+$0x160D0]  }
0x11f: {  	v11 =	vld [tilespmem:s29+$0x160C0]  }
0x120: {  	v12 =	vld [tilespmem:s22+$0xFFFFFFD0]  }
0x121: {  	v13 =	vld [tilespmem:s22+$0xFFFFFF90]  }
0x122: {  	v14 =	vld [tilespmem:s29+$0x160B0]  }
0x123: {  	v15 =	vld [tilespmem:s29+$0x160F0]  }
0x124: {  	v16 =	vld [tilespmem:s29+$0x16110]  }
0x125: {  	v9 =	vmul.f32 v9, v10;
	v8 =	vmul.f32 v8, v11;
	v10 =	vld [tilespmem:s29+$0x16100]  }
0x126: {  	v11 =	vld [tilespmem:s29+$0x160E0]  }
0x127: {  	v17 =	vld [tilespmem:s29+$0x160A0];
	v8 =	vadd.f32 v9, v8  }
0x128: {  	v9 =	vld [tilespmem:s22+$0xFFFFFF80]  }
0x129: {  	v18 =	vperm.xlane v8, v1  }
0x12a: {  	v7 =	vmul.f32 v7, v16;
	v6 =	vmul.f32 v6, v10  }
0x12b: {  	v12 =	vmul.f32 v12, v15;
	v5 =	vmul.f32 v5, v11;
	v8 =	vadd.f32 v18, v8  }
0x12c: {  	v11 =	vmul.f32 v13, v14;
	v6 =	vadd.f32 v7, v6  }
0x12d: {  	v7 =	vmul.f32 v9, v17;
	v5 =	vadd.f32 v12, v5;
	v10 =	vperm.xlane v8, v2  }
0x12e: {  	v9 =	vperm.xlane v6, v1  }
0x12f: {  	v7 =	vadd.f32 v11, v7;
	v8 =	vadd.f32 v10, v8;
	v10 =	vperm.xlane v5, v1  }
0x130: {  	v6 =	vadd.f32 v9, v6  }
0x131: {  	v9 =	vperm.xlane v7, v1;
	v11 =	vperm.xlane v8, v3;
	v5 =	vadd.f32 v10, v5  }
0x132: {  	v10 =	vperm.xlane v6, v2  }
0x133: {  	v7 =	vadd.f32 v9, v7;
	v8 =	vadd.f32 v11, v8;
	v9 =	vperm.xlane v5, v2  }
0x134: {  	v6 =	vadd.f32 v10, v6  }
0x135: {  	v10 =	vperm.xlane v7, v2;
	v11 =	vperm.xlane v8, v4;
	v5 =	vadd.f32 v9, v5  }
0x136: {  	v9 =	vperm.xlane v6, v3  }
0x137: {  	v7 =	vadd.f32 v10, v7;
	v8 =	vadd.f32 v11, v8;
	v10 =	vperm.xlane v5, v3  }
0x138: {  	v6 =	vadd.f32 v9, v6  }
0x139: {  	v9 =	vperm.xlane v7, v3;
	v8 =	vmul.f32 $1.767766920e-01, v8;
	v5 =	vadd.f32 v10, v5  }
0x13a: {  	v10 =	vperm.xlane v6, v4  }
0x13b: {  	v7 =	vadd.f32 v9, v7;
	v8 =	vmul.f32 $1.442695020e+00, v8;
	v9 =	vperm.xlane v5, v4  }
0x13c: {  	v6 =	vadd.f32 v10, v6  }
0x13d: {  	(erf) = vpow2.f32 v8;
	v8 =	vperm.xlane v7, v4;
	v5 =	vadd.f32 v9, v5  }
0x13e: {  	v6 =	vmul.f32 $1.767766920e-01, v6  }
0x13f: {  	v7 =	vadd.f32 v8, v7;
	v8 =	vmul.f32 $1.767766920e-01, v5  }
0x140: {  	v6 =	vmul.f32 $1.442695020e+00, v6  }
0x141: {  	v10 =	vmul.f32 $1.767766920e-01, v7;
	v8 =	vmul.f32 $1.442695020e+00, v8  }
0x142: {  	(erf) = vpow2.f32 v6  }
0x143: {  	v12 =	vld [tilespmem:s22+$0x20];
	v6 =	vmul.f32 $1.442695020e+00, v10;
	(erf) = vpow2.f32 v8  }
0x144: {  	v11 =	vld [tilespmem:s22+$0x60]  }
0x145: {  	v9 =	vld [tilespmem:s22+$0x30];
	(erf) = vpow2.f32 v6  }
0x146: {  	v5 =	vld [tilespmem:s22+$0x50]  }
0x147: {  	v7 =	vld [tilespmem:s22+$0x70]  }
0x148: {  	v10 =	vld [tilespmem:s22+$0x40]  }
0x149: {  	v6 =	vld [tilespmem:s22+$0x10];
	v8 =	vpop (erf)  }
0x14a: {  	s24 =	simm.s32 $0x1CCE0;
	s25 =	simm.s32 $0x200;
	s23 =	simm.s32 $0x1CCE0;
	v13 =	vmul.f32 v8, v12;
	v12 =	vmul.f32 v8, v9;
	v9 =	vld [tilespmem:s22+$0x0]  }
.LBB2_8:
0x14b: {  	p1 =	sne.s32 s25, $0x7E00;
	s24 =	sadd.s32 $0x90, s24;
	s22 =	sadd.s32 $0x100, s22;
	v14 =	vpop (erf)  }
0x14c: {  	s26 =	smov.u32 s25;
	s25 =	sadd.s32 $0x200, s25;
	[tilespmem:s23+$0xFFFFFFE0] =	vst v13;
	v15 =	vmul.f32 v14, v11;
	v7 =	vmul.f32 v14, v7;
	v13 =	vpop (erf)  }
0x14d: {  	[tilespmem:s23+$0xFFFFFFF0] =	vst v12;
	v10 =	vmul.f32 v13, v10;
	v5 =	vmul.f32 v13, v5;
	v12 =	vsel vm0, v13, v14  }
0x14e: {  	[tilespmem:s23+$0x20] =	vst v15;
	v8 =	vsel vm1, v8, v12;
	v11 =	vpop (erf)  }
0x14f: {  	v9 =	vmul.f32 v11, v9;
	v6 =	vmul.f32 v11, v6;
	[tilespmem:s23+$0x0] =	vst v10;
	v8 =	vsel vm2, v11, v8  }
0x150: {  	[tilespmem:s23+$0x10] =	vst v5;
	v5 =	vnsel vm3, $0x0, v8  }
0x151: {  	[tilespmem:s23+$0x30] =	vst v7  }
0x152: {  	[tilespmem:s23+$0x40] =	vst v5  }
0x153: {  	[tilespmem:s23+$0xFFFFFFD0] =	vst v6  }
0x154: {  	[tilespmem:s23+$0xFFFFFFC0] =	vst v9;
	s23 =	smov.u32 s24  }
0x155: {  	v5 =	vld [tilespmem:s22+$0xFFFFFFC0]  }
0x156: {  	v6 =	vld [tilespmem:s22+$0xFFFFFFE0]  }
0x157: {  	v7 =	vld [tilespmem:s22+$0xFFFFFFF0]  }
0x158: {  	v8 =	vld [tilespmem:s22+$0xFFFFFFD0]  }
0x159: {  	v9 =	vld [tilespmem:s22+$0xFFFFFFA0]  }
0x15a: {  	v10 =	vld [tilespmem:s22+$0xFFFFFFB0]  }
0x15b: {  	s26 =	sshra.s32 s26, $0x2;
	v11 =	vld [tilespmem:s22+$0xFFFFFF90]  }
0x15c: {  	v12 =	vld [tilespmem:s26+$0x160B0]  }
0x15d: {  	v13 =	vld [tilespmem:s26+$0x160D0]  }
0x15e: {  	v14 =	vld [tilespmem:s26+$0x160C0]  }
0x15f: {  	v15 =	vld [tilespmem:s26+$0x160F0]  }
0x160: {  	v16 =	vld [tilespmem:s26+$0x16110]  }
0x161: {  	v17 =	vld [tilespmem:s26+$0x16100];
	v11 =	vmul.f32 v11, v12  }
0x162: {  	v12 =	vld [tilespmem:s26+$0x160E0];
	v10 =	vmul.f32 v10, v13  }
0x163: {  	v13 =	vld [tilespmem:s22+$0xFFFFFF80];
	v9 =	vmul.f32 v9, v14  }
0x164: {  	v14 =	vld [tilespmem:s26+$0x160A0]  }
0x165: {  	v8 =	vmul.f32 v8, v15;
	v9 =	vadd.f32 v10, v9;
	v7 =	vmul.f32 v7, v16  }
0x166: {  	v6 =	vmul.f32 v6, v17  }
0x167: {  	v10 =	vperm.xlane v9, v1;
	v5 =	vmul.f32 v5, v12  }
0x168: {  	v6 =	vadd.f32 v7, v6  }
0x169: {  	v7 =	vmul.f32 v13, v14;
	v9 =	vadd.f32 v10, v9;
	v5 =	vadd.f32 v8, v5  }
0x16a: {  	v8 =	vperm.xlane v6, v1  }
0x16b: {  	v7 =	vadd.f32 v11, v7;
	v10 =	vperm.xlane v9, v2;
	v11 =	vperm.xlane v5, v1  }
0x16c: {  	v6 =	vadd.f32 v8, v6  }
0x16d: {  	v8 =	vperm.xlane v7, v1;
	v9 =	vadd.f32 v10, v9;
	v5 =	vadd.f32 v11, v5  }
0x16e: {  	v10 =	vperm.xlane v6, v2  }
0x16f: {  	v7 =	vadd.f32 v8, v7;
	v8 =	vperm.xlane v9, v3;
	v11 =	vperm.xlane v5, v2  }
0x170: {  	v6 =	vadd.f32 v10, v6  }
0x171: {  	v10 =	vperm.xlane v7, v2;
	v8 =	vadd.f32 v8, v9;
	v5 =	vadd.f32 v11, v5  }
0x172: {  	v9 =	vperm.xlane v6, v3  }
0x173: {  	v7 =	vadd.f32 v10, v7;
	v10 =	vperm.xlane v8, v4;
	v11 =	vperm.xlane v5, v3  }
0x174: {  	v6 =	vadd.f32 v9, v6  }
0x175: {  	v9 =	vperm.xlane v7, v3;
	v8 =	vadd.f32 v10, v8;
	v5 =	vadd.f32 v11, v5  }
0x176: {  	v10 =	vperm.xlane v6, v4  }
0x177: {  	v7 =	vadd.f32 v9, v7;
	v8 =	vmul.f32 $1.767766920e-01, v8;
	v9 =	vperm.xlane v5, v4  }
0x178: {  	v6 =	vadd.f32 v10, v6  }
0x179: {  	v10 =	vperm.xlane v7, v4;
	v8 =	vmul.f32 $1.442695020e+00, v8;
	v5 =	vadd.f32 v9, v5  }
0x17a: {  	v6 =	vmul.f32 $1.767766920e-01, v6  }
0x17b: {  	v7 =	vadd.f32 v10, v7;
	v5 =	vmul.f32 $1.767766920e-01, v5;
	(erf) = vpow2.f32 v8  }
0x17c: {  	v6 =	vmul.f32 $1.442695020e+00, v6  }
0x17d: {  	v7 =	vmul.f32 $1.767766920e-01, v7;
	v5 =	vmul.f32 $1.442695020e+00, v5  }
0x17e: {  	(erf) = vpow2.f32 v6  }
0x17f: {  	v9 =	vld [tilespmem:s22+$0x30];
	v6 =	vmul.f32 $1.442695020e+00, v7;
	(erf) = vpow2.f32 v5  }
0x180: {  	v12 =	vld [tilespmem:s22+$0x20]  }
0x181: {  	v5 =	vld [tilespmem:s22+$0x50];
	(erf) = vpow2.f32 v6  }
.Ltmp3:
0x182: {  	v7 =	vld [tilespmem:s22+$0x70];
	(pc) =	sbr.rel @p1 .LBB2_8-.Ltmp3, $4  }
0x183: {  	v11 =	vld [tilespmem:s22+$0x60]  }
0x184: {  	v10 =	vld [tilespmem:s22+$0x40];
	v8 =	vpop (erf)  }
0x185: {  	v6 =	vld [tilespmem:s22+$0x10];
	v13 =	vmul.f32 v8, v12;
	v12 =	vmul.f32 v8, v9  }
0x186: {  	v9 =	vld [tilespmem:s22+$0x0]  }
0x187: {  	v14 =	vpop (erf)  }
0x188: {  	[tilespmem:s23+$0xFFFFFFE0] =	vst v13;
	v11 =	vmul.f32 v14, v11  }
0x189: {  	[tilespmem:s23+$0xFFFFFFF0] =	vst v12;
	v61 =	vpop (erf);
	v7 =	vmul.f32 v14, v7  }
0x18a: {  	v10 =	vmul.f32 v61, v10;
	v62 =	vsel vm0, v61, v14;
	[tilespmem:s23+$0x20] =	vst v11  }
0x18b: {  	v5 =	vmul.f32 v61, v5;
	v8 =	vsel vm1, v8, v62;
	v63 =	vpop (erf);
	[tilespmem:s23+$0x30] =	vst v7  }
0x18c: {  	[tilespmem:s23+$0x0] =	vst v10;
	v8 =	vsel vm2, v63, v8  }
0x18d: {  	[tilespmem:s23+$0x10] =	vst v5;
	v5 =	vmul.f32 v63, v6;
	v6 =	vnsel vm3, $0x0, v8  }
0x18e: {  	v7 =	vmul.f32 v63, v9;
	[tilespmem:s23+$0x40] =	vst v6  }
0x18f: {  	[tilespmem:s23+$0xFFFFFFD0] =	vst v5  }
0x190: {  	[tilespmem:s23+$0xFFFFFFC0] =	vst v7  }
0x191: {  	[spmem:s1] =	stream.indirect.scatter.add.f32 [tilespmem:s18], [sflag:$0x3], $0x90, s20, s21, $0xb8;
	[tilespmem:$0x1F520] =	vst v63  }
0x192: {  	_ =	swait.ge [sflag:s9], $0x2400  }
0x193: {  	[sflag:s9] =	ssyncset.done $0x0  }
0x194: {  	[sflag:s9] =	ssyncadd.s32 $0xFFFFDC00  }
0x195: {  	[bflag:$0x0] =	sbarrier.arrive $0xFFFF  }
0x196: {  	s22 =	sshrl.u32 @p0 s17, $0x3;
	s23 =	simm.s32 @p0 $0x1FC3;
	s24 =	rddreg [dreg:$0xf]  }
0x197: {  	[hbm:s24], [sflag:s23] =	dma.local @p0 [spmem:s22], $0x2490  }
0x198: {  	s22 =	simm.s32 @p0 $0x3  }
0x199: {  	s23 =	stileid.u32;
	_ =	swait.ge @p0 [sflag:s22], $0x2490  }
0x19a: {  	s23 =	sshll.u32 @!p0 s23, $0x6;
	[sflag:s22] =	ssyncset.done @p0 $0x0;
	s24 =	rddreg [dreg:$0x12]  }
0x19b: {  	[sflag:s22] =	ssyncadd.s32 @p0 $0xFFFFDB70;
	s22 =	sor.u32 @!p0 $0x1C03, s23;
	s23 =	rddreg [dreg:$0xc]  }
0x19c: {  	[hbm:s23], [sflag:s22] =	dma.local @!p0 [spmem:s24], $0x2C70  }
0x19d: {  	s22 =	simm.s32 @!p0 $0x3  }
0x19e: {  	_ =	swait.ge @!p0 [sflag:s22], $0x2C70  }
0x19f: {  	s3 =	sadd.s32 $0x1, s3;
	s29 =	rddreg [dreg:$0x10]  }
0x1a0: {  	p1 =	sne.s32 s3, s29  }
.Ltmp4:
0x1a1: {  	_ = 	snop;
	(pc) =	sbr.rel @p1 .LBB2_1-.Ltmp4, $3  }
0x1a2: {  	_ =	sdelay $0x1  }
0x1a3: {  	[sflag:s22] =	ssyncset.done @!p0 $0x0  }
0x1a4: {  	[sflag:s22] =	ssyncadd.s32 @!p0 $0xFFFFD390  }
0x1a5: {  	_ =	sfence.sel $0x180000  }
0x1a6: {  	[bflag:$0x0] =	sbarrier.arrive $0xFFFF  }
0x1a7: {  	_ =	strace $0x90000047  }
0x1a8: {  	s0 =	stileid.u32;
	[bflag:$0x2] =	sbarrier.arrive $0xFFFF  }
0x1a9: {  	p0 =	sne.s32 s0, $0x0;
	s0 =	rddreg [dreg:$0x2]  }
0x1aa: {  	s0 =	sadd.s32 @!p0 $0x100000, s0  }
0x1ab: {  	[sflag:s0] =	ssyncadd.tile.s32 @!p0 $0x1;
	_ =	shalt  }
.Lfunc_end2:
_tile_overlayer_lowered:
.L_overlay_start_2:
0x1ac: {  	(tag) =	ssettag $0x2  }
0x1ad: {  	s0 =	rddreg [dreg:$0x0];
	s2 =	stileid.u32  }
0x1ae: {  	s1 =	rddreg [dreg:$0x1];
	p0 =	sne.s32 s2, $0x0  }
0x1af: {  	s3 =	rddreg [dreg:$0x2];
	[bflag:$0x3] =	sbarrier.arrive $0xFFFF;
	s2 =	simm.s32 @!p0 $0x1C03  }
0x1b0: {  	[timem:s3], [sflag:s2] =	dma.local @!p0 [hbm:s0], s1  }
0x1b1: {  	s0 =	simm.s32 @!p0 $0x3  }
0x1b2: {  	_ =	swait.ge @!p0 [sflag:s0], s1  }
0x1b3: {  	s1 =	ssub.s32 @!p0 $0x0, s1;
	[sflag:s0] =	ssyncset.done @!p0 $0x0  }
0x1b4: {  	[sflag:s0] =	ssyncadd.s32 @!p0 s1  }
0x1b5: {  	[bflag:$0x3] =	sbarrier.arrive $0xFFFF  }
0x1b6: {  	_ =	shalt  }

</sc_bundles>
